<compile_context>
chip_gen: v7x
topology: tpu7x:2x2x1
jax: 0.10.2.dev20260603
libtpu: 0.0.44.dev20260713+nightly
codegen_flags: <defaults>
</compile_context>

<pallas_src>
import functools

import jax
import jax.numpy as jnp
from jax import lax
from jax.experimental import pallas as pl
from jax.experimental.pallas import tpu as pltpu
from jax.experimental.pallas import tpu_sc as plsc

_BLK = 1024
_BE = 16
_NW = 32
_LANES = 16


def _tc_projections(Zp, WQ, WKV, WG, WB, bgc):
    Ep, NF = Zp.shape
    DQ, DKV, DG, DB = WQ.shape[1], WKV.shape[1], WG.shape[1], WB.shape[1]

    def body(z_ref, wq_ref, wkv_ref, wg_ref, wb_ref, bg_ref,
             q_ref, kv_ref, g_ref, b_ref):
        z = z_ref[...]
        q_ref[...] = jnp.dot(z, wq_ref[...], preferred_element_type=jnp.float32)
        kv_ref[...] = jnp.dot(z, wkv_ref[...], preferred_element_type=jnp.float32)
        g_ref[...] = jax.nn.sigmoid(
            jnp.dot(z, wg_ref[...], preferred_element_type=jnp.float32)
            + bg_ref[...])
        b_ref[...] = jnp.dot(z, wb_ref[...], preferred_element_type=jnp.float32)

    grid = (Ep // _BLK,)
    full = lambda shape: pl.BlockSpec(shape, lambda i: (0, 0))
    row = lambda d: pl.BlockSpec((_BLK, d), lambda i: (i, 0))
    return pl.pallas_call(
        body,
        grid=grid,
        in_specs=[row(NF), full((NF, DQ)), full((NF, DKV)), full((NF, DG)),
                  full((NF, DB)), full((1, DG))],
        out_specs=[row(DQ), row(DKV), row(DG), row(DB)],
        out_shape=[
            jax.ShapeDtypeStruct((Ep, DQ), jnp.float32),
            jax.ShapeDtypeStruct((Ep, DKV), jnp.float32),
            jax.ShapeDtypeStruct((Ep, DG), jnp.float32),
            jax.ShapeDtypeStruct((Ep, DB), jnp.float32),
        ],
    )(Zp, WQ, WKV, WG, WB, bgc)


def _sc_attention(Q, KV, Bt, ij3d, H, HID, MAXK):
    Ep, DQ = Q.shape
    DKV = KV.shape[1]
    DB = Bt.shape[1]
    per_w = Ep // _NW
    steps = per_w // _BE
    R = _BE * MAXK
    scale = 1.0 / float(HID) ** 0.5

    mesh = plsc.VectorSubcoreMesh(core_axis_name="c", subcore_axis_name="s",
                                  num_cores=2, num_subcores=16)

    @functools.partial(
        pl.kernel,
        out_type=jax.ShapeDtypeStruct((Ep, DQ), jnp.float32),
        mesh=mesh,
        compiler_params=pltpu.CompilerParams(needs_layout_passes=False,
                                             use_tc_tiling_on_sc=False),
        scratch_types=[
            pltpu.VMEM((2, 2, 128), jnp.int32),
            pltpu.VMEM((2 * R, DKV), jnp.float32),
            pltpu.VMEM((2 * R, DB), jnp.float32),
            pltpu.VMEM((2 * _BE, DQ), jnp.float32),
            pltpu.VMEM((2 * _BE, DQ), jnp.float32),
            pltpu.SemaphoreType.DMA,
            pltpu.SemaphoreType.DMA,
            pltpu.SemaphoreType.DMA,
            pltpu.SemaphoreType.DMA,
        ],
    )
    def att(q_hbm, kv_hbm, b_hbm, ij_hbm, o_hbm,
            ij_v, kv_v, b_v, q_v, o_v, si0, si1, so0, so1):
        wid = lax.axis_index("s") * 2 + lax.axis_index("c")
        ebase = wid * per_w
        ibase = wid * steps
        sin = (si0, si1)
        sout = (so0, so1)

        def in_copies(t, b):
            return (
                pltpu.make_async_copy(kv_hbm.at[ij_v.at[b, 0]],
                                      kv_v.at[pl.ds(b * R, R)], sin[b]),
                pltpu.make_async_copy(b_hbm.at[ij_v.at[b, 1]],
                                      b_v.at[pl.ds(b * R, R)], sin[b]),
                pltpu.make_async_copy(q_hbm.at[pl.ds(ebase + t * _BE, _BE)],
                                      q_v.at[pl.ds(b * _BE, _BE)], sin[b]),
            )

        def out_copy(t, b):
            return pltpu.make_async_copy(
                o_v.at[pl.ds(b * _BE, _BE)],
                o_hbm.at[pl.ds(ebase + t * _BE, _BE)], sout[b])

        def fire(t, b):
            pltpu.sync_copy(ij_hbm.at[pl.ds(ibase + t, 1)],
                            ij_v.at[pl.ds(b, 1)])
            for cp in in_copies(t, b):
                cp.start()

        def compute(t, b):
            lanes = lax.iota(jnp.int32, _LANES)
            eloc = b * _BE + lanes
            rown = [b * R + lanes * MAXK + n for n in range(MAXK)]

            def alpha_body(f, accs):
                accs = list(accs)
                for h in range(H):
                    colv = jnp.full((_LANES,), h * HID, jnp.int32) + f
                    qv = plsc.load_gather(q_v, [eloc, colv])
                    for n in range(MAXK):
                        kvv = plsc.load_gather(kv_v, [rown[n], colv])
                        accs[h * MAXK + n] = accs[h * MAXK + n] + qv * kvv
                return tuple(accs)

            accs = lax.fori_loop(
                0, HID, alpha_body,
                tuple(jnp.zeros((_LANES,), jnp.float32)
                      for _ in range(H * MAXK)))

            for h in range(H):
                hcol = jnp.full((_LANES,), h, jnp.int32)
                a = [accs[h * MAXK + n] * scale
                     + plsc.load_gather(b_v, [rown[n], hcol])
                     for n in range(MAXK)]
                m = a[0]
                for n in range(1, MAXK):
                    m = jnp.maximum(m, a[n])
                ex = [jnp.exp(a[n] - m) for n in range(MAXK)]
                s = ex[0]
                for n in range(1, MAXK):
                    s = s + ex[n]
                w = [ex[n] / s for n in range(MAXK)]

                def v_body(f, carry):
                    colv = (jnp.full((_LANES,), H * HID + h * HID,
                                     jnp.int32) + f)
                    acc = w[0] * plsc.load_gather(kv_v, [rown[0], colv])
                    for n in range(1, MAXK):
                        acc = acc + w[n] * plsc.load_gather(
                            kv_v, [rown[n], colv])
                    ocol = jnp.full((_LANES,), h * HID, jnp.int32) + f
                    plsc.store_scatter(o_v, [eloc, ocol], acc)
                    return carry

                lax.fori_loop(0, HID, v_body, 0)

        fire(0, 0)

        @pl.loop(0, steps, step=2)
        def _block(t0):
            for b in (0, 1):
                tt = t0 + b
                for cp in in_copies(tt, b):
                    cp.wait()

                @pl.when(tt + 1 < steps)
                def _():
                    fire(tt + 1, 1 - b)

                @pl.when(tt >= 2)
                def _():
                    out_copy(tt, b).wait()

                compute(tt, b)
                out_copy(tt, b).start()

        out_copy(steps - 2, 0).wait()
        out_copy(steps - 1, 1).wait()

    return att(Q, KV, Bt, ij3d)


def _tc_output(ATT, G, WoutT, boutr):
    Ep, D = ATT.shape
    OUT = WoutT.shape[1]

    def body(att_ref, g_ref, w_ref, b_ref, o_ref):
        o_ref[...] = (
            jnp.dot(att_ref[...] * g_ref[...], w_ref[...],
                    preferred_element_type=jnp.float32) + b_ref[...])

    grid = (Ep // _BLK,)
    return pl.pallas_call(
        body,
        grid=grid,
        in_specs=[
            pl.BlockSpec((_BLK, D), lambda i: (i, 0)),
            pl.BlockSpec((_BLK, D), lambda i: (i, 0)),
            pl.BlockSpec((D, OUT), lambda i: (0, 0)),
            pl.BlockSpec((1, OUT), lambda i: (0, 0)),
        ],
        out_specs=pl.BlockSpec((_BLK, OUT), lambda i: (i, 0)),
        out_shape=jax.ShapeDtypeStruct((Ep, OUT), jnp.float32),
    )(ATT, G, WoutT, boutr)


def kernel(Z, klist, Wq, Wk, Wv, Wb, Wg, bg, Wout, bout):
    E, NF = Z.shape
    H, HID = Wq.shape[0], Wq.shape[1]
    MAXK = klist.shape[2]

    Ep = -(-E // _BLK) * _BLK
    if (Ep // _NW // _BE) % 2:
        Ep += _BLK
    pad = Ep - E

    WQ = jnp.concatenate([Wq[h].T for h in range(H)], axis=1)
    WKV = jnp.concatenate([Wk[h].T for h in range(H)]
                          + [Wv[h].T for h in range(H)], axis=1)
    WG = jnp.concatenate([Wg[h].T for h in range(H)], axis=1)
    WB = jnp.concatenate(
        [Wb[h].T for h in range(H)]
        + [jnp.zeros((NF, 16 - H), jnp.float32)], axis=1)
    bgc = jnp.concatenate([bg[h] for h in range(H)])[None, :]

    Zp = jnp.pad(Z, ((0, pad), (0, 0)))
    kl = jnp.pad(klist, ((0, pad), (0, 0), (0, 0)))
    ij3d = (kl.reshape(Ep // _BE, _BE, 2, MAXK)
            .transpose(0, 2, 1, 3)
            .reshape(Ep // _BE, 2, _BE * MAXK))

    Q, KV, G, Bt = _tc_projections(Zp, WQ, WKV, WG, WB, bgc)
    ATT = _sc_attention(Q, KV, Bt, ij3d, H, HID, MAXK)
    out = _tc_output(ATT, G, Wout.T, bout[None, :])
    return out[:E]

# --- scband reference (transcript-rebuilt; emitter-appended) ---
"""Pipeline reference for scband-tri-att-gcl-32933809225923 (READ-ONLY COPY).

The authoritative reference and input builder live on the scoring server;
editing this copy changes nothing except your own understanding.
"""

import jax, jax.numpy as jnp
import numpy as np

E = 160000
NF = 128
HID = 64
H = 2
MAX_K = 8
OUT = 128


def setup_inputs(seed: int = 0) -> dict:
    key = jax.random.key(seed)
    ks = jax.random.split(key, 12)
    Z = jax.random.normal(ks[0], (E, NF), dtype=jnp.float32)
    klist = jax.random.randint(ks[1], (E, 2, MAX_K), 0, E, dtype=jnp.int32)
    s = 0.05
    Wq = jax.random.normal(ks[2], (H, HID, NF), dtype=jnp.float32) * s
    Wk = jax.random.normal(ks[3], (H, HID, NF), dtype=jnp.float32) * s
    Wv = jax.random.normal(ks[4], (H, HID, NF), dtype=jnp.float32) * s
    Wb = jax.random.normal(ks[5], (H, 1, NF), dtype=jnp.float32) * s
    Wg = jax.random.normal(ks[6], (H, HID, NF), dtype=jnp.float32) * s
    bg = jnp.zeros((H, HID), dtype=jnp.float32)
    Wout = jax.random.normal(ks[7], (OUT, H * HID), dtype=jnp.float32) * s
    bout = jnp.zeros((OUT,), dtype=jnp.float32)
    return {"Z": Z, "klist": klist, "Wq": Wq, "Wk": Wk, "Wv": Wv,
            "Wb": Wb, "Wg": Wg, "bg": bg, "Wout": Wout, "bout": bout}


def reference(Z, klist, Wq, Wk, Wv, Wb, Wg, bg, Wout, bout):
    idx_i2k = klist[:, 0]  # (E, MAX_K)
    idx_j2k = klist[:, 1]  # (E, MAX_K)
    redundant = (idx_i2k == -1)[..., None]  # (E, MAX_K, 1)
    outputs = []
    for h in range(H):
        q = Z @ Wq[h].T          # (E, HID)
        k = Z @ Wk[h].T          # (E, HID)
        v = Z @ Wv[h].T          # (E, HID)
        b = Z @ Wb[h].T          # (E, 1)
        g = jax.nn.sigmoid(Z @ Wg[h].T + bg[h])  # (E, HID)
        tri_k = jnp.where(redundant, 0.0, k[idx_i2k])  # (E, MAX_K, HID)
        tri_v = jnp.where(redundant, 0.0, v[idx_i2k])  # (E, MAX_K, HID)
        tri_b = jnp.where(redundant, 0.0, b[idx_j2k])  # (E, MAX_K, 1)
        alpha = jnp.sum(q[:, None, :] * tri_k, axis=-1) / np.sqrt(HID) + tri_b[..., 0]
        alpha = jax.nn.softmax(alpha, axis=1)  # (E, MAX_K)
        tri_att_val = jnp.einsum('ek,ekh->eh', alpha, tri_v)  # (E, HID)
        outputs.append(g * tri_att_val)
    out = jnp.concatenate(outputs, axis=-1)  # (E, H*HID)
    out = out @ Wout.T + bout  # (E, OUT)
    # dropout is identity in eval / deterministic reference
    return out

if __name__ == "__main__":
    import jax
    _d = setup_inputs()
    print(jax.jit(kernel)(*tuple(_d.values())))

</pallas_src>

<mosaic_0001>
#map = affine_map<(d0, d1) -> (0, 0)>
#map1 = affine_map<(d0, d1) -> (0, 0, 0)>
module attributes {stable_mosaic.version = 14 : i64} {
  func.func @att(%arg0: i32, %arg1: i32, %arg2: memref<160768x128xf32, #tpu.memory_space<hbm>>, %arg3: memref<160768x256xf32, #tpu.memory_space<hbm>>, %arg4: memref<160768x16xf32, #tpu.memory_space<hbm>>, %arg5: memref<10048x2x128xi32, #tpu.memory_space<hbm>>, %arg6: memref<160768x128xf32, #tpu.memory_space<hbm>>, %arg7: memref<2x2x128xi32, #tpu.memory_space<vmem>>, %arg8: memref<256x256xf32, #tpu.memory_space<vmem>>, %arg9: memref<256x16xf32, #tpu.memory_space<vmem>>, %arg10: memref<32x128xf32, #tpu.memory_space<vmem>>, %arg11: memref<32x128xf32, #tpu.memory_space<vmem>>, %arg12: memref<!tpu.dma_semaphore, #tpu.memory_space<semaphore_mem>>, %arg13: memref<!tpu.dma_semaphore, #tpu.memory_space<semaphore_mem>>, %arg14: memref<!tpu.dma_semaphore, #tpu.memory_space<semaphore_mem>>, %arg15: memref<!tpu.dma_semaphore, #tpu.memory_space<semaphore_mem>>) attributes {dimension_semantics = [#tpu.dimension_semantics<core_parallel>, #tpu.dimension_semantics<subcore_parallel>], iteration_bounds = array<i64: 2, 16>, scalar_prefetch = 0 : i64, scratch_operands = 9 : i64, tpu.core_type = #tpu.core_type<sc_vector_subcore>, window_params = [{transform_indices = #map}, {transform_indices = #map}, {transform_indices = #map}, {transform_indices = #map1}, {transform_indices = #map}]} {
    %mul3A = arith.constant 2 : i32
    %mul3A_0 = arith.muli %arg1, %mul3A : i32
    %add3A = arith.addi %mul3A_0, %arg0 : i32
    %mul3A_1 = arith.constant 5024 : i32
    %mul3A_2 = arith.muli %add3A, %mul3A_1 : i32
    %mul3A_3 = arith.constant 314 : i32
    %mul3A_4 = arith.muli %add3A, %mul3A_3 : i32
    %add3A_5 = arith.constant 0 : i32
    %add3A_6 = arith.addi %mul3A_4, %add3A_5 : i32
    "tpu.region"() ({
      %run_scoped3A = tpu.sem_alloc : memref<!tpu.dma_semaphore, #tpu.memory_space<semaphore_mem>>
      %dma_start3A_67 = arith.constant 0 : i32
      %dma_start3A_68 = arith.constant 0 : i32
      %dma_start3A_69 = arith.constant 0 : i32
      %dma_start3A_70 = tpu.memref_slice %arg7[%dma_start3A_67, %dma_start3A_68, %dma_start3A_69] : memref<2x2x128xi32, #tpu.memory_space<vmem>> -> memref<1x2x128xi32, #tpu.memory_space<vmem>>
      %dma_start3A_71 = arith.constant 0 : i32
      %dma_start3A_72 = arith.constant 0 : i32
      %dma_start3A_73 = tpu.memref_slice %arg5[%add3A_6, %dma_start3A_71, %dma_start3A_72] : memref<10048x2x128xi32, #tpu.memory_space<hbm>> -> memref<1x2x128xi32, #tpu.memory_space<hbm>>
      %dma_start3A_74 = arith.constant 0 : i32
      %dma_start3A_75 = arith.constant 0 : i32
      %dma_start3A_76 = arith.constant 0 : i32
      %dma_start3A_77 = tpu.memref_slice %arg7[%dma_start3A_74, %dma_start3A_75, %dma_start3A_76] : memref<2x2x128xi32, #tpu.memory_space<vmem>> -> memref<1x2x128xi32, #tpu.memory_space<vmem>>
      %dma_start3A_78 = arith.constant 0 : i32
      %dma_start3A_79 = arith.constant 0 : i32
      %dma_start3A_80 = tpu.memref_slice %arg5[%add3A_6, %dma_start3A_78, %dma_start3A_79] : memref<10048x2x128xi32, #tpu.memory_space<hbm>> -> memref<1x2x128xi32, #tpu.memory_space<hbm>>
      tpu.enqueue_dma source(%dma_start3A_80 : memref<1x2x128xi32, #tpu.memory_space<hbm>>) target(%dma_start3A_77 : memref<1x2x128xi32, #tpu.memory_space<vmem>>) target_semaphore(%run_scoped3A : memref<!tpu.dma_semaphore, #tpu.memory_space<semaphore_mem>>)
      %dma_wait3A_81 = arith.constant 0 : i32
      %dma_wait3A_82 = arith.constant 0 : i32
      %dma_wait3A_83 = arith.constant 0 : i32
      %dma_wait3A_84 = tpu.memref_slice %arg7[%dma_wait3A_81, %dma_wait3A_82, %dma_wait3A_83] : memref<2x2x128xi32, #tpu.memory_space<vmem>> -> memref<1x2x128xi32, #tpu.memory_space<vmem>>
      %dma_wait3A_85 = arith.constant 0 : i32
      %dma_wait3A_86 = arith.constant 0 : i32
      %dma_wait3A_87 = tpu.memref_slice %arg5[%add3A_6, %dma_wait3A_85, %dma_wait3A_86] : memref<10048x2x128xi32, #tpu.memory_space<hbm>> -> memref<1x2x128xi32, #tpu.memory_space<hbm>>
      %dma_wait3A_88 = arith.constant 0 : i32
      %dma_wait3A_89 = arith.constant 0 : i32
      %dma_wait3A_90 = arith.constant 0 : i32
      %dma_wait3A_91 = tpu.memref_slice %arg7[%dma_wait3A_88, %dma_wait3A_89, %dma_wait3A_90] : memref<2x2x128xi32, #tpu.memory_space<vmem>> -> memref<1x2x128xi32, #tpu.memory_space<vmem>>
      %dma_wait3A_92 = arith.constant 0 : i32
      %dma_wait3A_93 = arith.constant 0 : i32
      %dma_wait3A_94 = tpu.memref_slice %arg5[%add3A_6, %dma_wait3A_92, %dma_wait3A_93] : memref<10048x2x128xi32, #tpu.memory_space<hbm>> -> memref<1x2x128xi32, #tpu.memory_space<hbm>>
      tpu.wait_dma2 semaphore(%run_scoped3A : memref<!tpu.dma_semaphore, #tpu.memory_space<semaphore_mem>>) src(%dma_wait3A_94 : memref<1x2x128xi32, #tpu.memory_space<hbm>>) dst(%dma_wait3A_91 : memref<1x2x128xi32, #tpu.memory_space<vmem>>)
      tpu.yield
    }) : () -> ()
    %add3A_7 = arith.constant 0 : i32
    %add3A_8 = arith.addi %mul3A_2, %add3A_7 : i32
    %dma_start3A = arith.constant 0 : i32
    %dma_start3A_9 = arith.constant 0 : i32
    %dma_start3A_10 = arith.constant 0 : i32
    %dma_start3A_11 = arith.constant 0 : i32
    %dma_start3A_12 = tpu.memref_slice %arg8[%dma_start3A_10, %dma_start3A_11] : memref<256x256xf32, #tpu.memory_space<vmem>> -> memref<128x256xf32, #tpu.memory_space<vmem>>
    %dma_start3A_13 = arith.constant 0 : i32
    %dma_start3A_14 = tpu.memref_slice %arg7[%dma_start3A, %dma_start3A_9, %dma_start3A_13] : memref<2x2x128xi32, #tpu.memory_space<vmem>> -> memref<1x1x128xi32, #tpu.memory_space<vmem>>
    %dma_start3A_15 = tpu.memref_squeeze %dma_start3A_14 : memref<1x1x128xi32, #tpu.memory_space<vmem>> -> memref<128xi32, #tpu.memory_space<vmem>>
    %dma_start3A_16 = arith.constant 0 : i32
    %dma_start3A_17 = arith.constant 0 : i32
    %dma_start3A_18 = tpu.memref_slice %arg3[%dma_start3A_16, %dma_start3A_17] : memref<160768x256xf32, #tpu.memory_space<hbm>> -> memref<160768x256xf32, #tpu.memory_space<hbm>>
    tpu.enqueue_indirect_dma source(%dma_start3A_18 : memref<160768x256xf32, #tpu.memory_space<hbm>>) target(%dma_start3A_12 : memref<128x256xf32, #tpu.memory_space<vmem>>) offsets(%dma_start3A_15 : memref<128xi32, #tpu.memory_space<vmem>>) semaphore(%arg12 : memref<!tpu.dma_semaphore, #tpu.memory_space<semaphore_mem>>)
    %dma_start3A_19 = arith.constant 0 : i32
    %dma_start3A_20 = arith.constant 1 : i32
    %dma_start3A_21 = arith.constant 0 : i32
    %dma_start3A_22 = arith.constant 0 : i32
    %dma_start3A_23 = tpu.memref_slice %arg9[%dma_start3A_21, %dma_start3A_22] : memref<256x16xf32, #tpu.memory_space<vmem>> -> memref<128x16xf32, #tpu.memory_space<vmem>>
    %dma_start3A_24 = arith.constant 0 : i32
    %dma_start3A_25 = tpu.memref_slice %arg7[%dma_start3A_19, %dma_start3A_20, %dma_start3A_24] : memref<2x2x128xi32, #tpu.memory_space<vmem>> -> memref<1x1x128xi32, #tpu.memory_space<vmem>>
    %dma_start3A_26 = tpu.memref_squeeze %dma_start3A_25 : memref<1x1x128xi32, #tpu.memory_space<vmem>> -> memref<128xi32, #tpu.memory_space<vmem>>
    %dma_start3A_27 = arith.constant 0 : i32
    %dma_start3A_28 = arith.constant 0 : i32
    %dma_start3A_29 = tpu.memref_slice %arg4[%dma_start3A_27, %dma_start3A_28] : memref<160768x16xf32, #tpu.memory_space<hbm>> -> memref<160768x16xf32, #tpu.memory_space<hbm>>
    tpu.enqueue_indirect_dma source(%dma_start3A_29 : memref<160768x16xf32, #tpu.memory_space<hbm>>) target(%dma_start3A_23 : memref<128x16xf32, #tpu.memory_space<vmem>>) offsets(%dma_start3A_26 : memref<128xi32, #tpu.memory_space<vmem>>) semaphore(%arg12 : memref<!tpu.dma_semaphore, #tpu.memory_space<semaphore_mem>>)
    %dma_start3A_30 = arith.constant 0 : i32
    %dma_start3A_31 = arith.constant 0 : i32
    %dma_start3A_32 = tpu.memref_slice %arg10[%dma_start3A_30, %dma_start3A_31] : memref<32x128xf32, #tpu.memory_space<vmem>> -> memref<16x128xf32, #tpu.memory_space<vmem>>
    %dma_start3A_33 = arith.constant 0 : i32
    %dma_start3A_34 = tpu.memref_slice %arg2[%add3A_8, %dma_start3A_33] : memref<160768x128xf32, #tpu.memory_space<hbm>> -> memref<16x128xf32, #tpu.memory_space<hbm>>
    %dma_start3A_35 = arith.constant 0 : i32
    %dma_start3A_36 = arith.constant 0 : i32
    %dma_start3A_37 = tpu.memref_slice %arg10[%dma_start3A_35, %dma_start3A_36] : memref<32x128xf32, #tpu.memory_space<vmem>> -> memref<16x128xf32, #tpu.memory_space<vmem>>
    %dma_start3A_38 = arith.constant 0 : i32
    %dma_start3A_39 = tpu.memref_slice %arg2[%add3A_8, %dma_start3A_38] : memref<160768x128xf32, #tpu.memory_space<hbm>> -> memref<16x128xf32, #tpu.memory_space<hbm>>
    tpu.enqueue_dma source(%dma_start3A_39 : memref<16x128xf32, #tpu.memory_space<hbm>>) target(%dma_start3A_37 : memref<16x128xf32, #tpu.memory_space<vmem>>) target_semaphore(%arg12 : memref<!tpu.dma_semaphore, #tpu.memory_space<semaphore_mem>>)
    %scan3A = arith.constant 0 : i32
    %scan3A_40 = arith.constant 157 : i32
    %scan3A_41 = arith.addi %scan3A, %scan3A_40 : i32
    %scan3A_42 = arith.constant 1 : i32
    scf.for %scan3A_67 = %scan3A to %scan3A_41 step %scan3A_42  : i32 {
      %mul3A_68 = arith.constant 2 : i32
      %mul3A_69 = arith.muli %scan3A_67, %mul3A_68 : i32
      %add3A_70 = arith.constant 0 : i32
      %add3A_71 = arith.addi %add3A_70, %mul3A_69 : i32
      %add3A_72 = arith.constant 0 : i32
      %add3A_73 = arith.addi %add3A_71, %add3A_72 : i32
      %mul3A_74 = arith.constant 16 : i32
      %mul3A_75 = arith.muli %add3A_73, %mul3A_74 : i32
      %add3A_76 = arith.addi %mul3A_2, %mul3A_75 : i32
      %dma_wait3A_77 = arith.constant 0 : i32
      %dma_wait3A_78 = arith.constant 0 : i32
      %dma_wait3A_79 = arith.constant 0 : i32
      %dma_wait3A_80 = arith.constant 0 : i32
      %dma_wait3A_81 = tpu.memref_slice %arg8[%dma_wait3A_79, %dma_wait3A_80] : memref<256x256xf32, #tpu.memory_space<vmem>> -> memref<128x256xf32, #tpu.memory_space<vmem>>
      %dma_wait3A_82 = arith.constant 0 : i32
      %dma_wait3A_83 = tpu.memref_slice %arg7[%dma_wait3A_77, %dma_wait3A_78, %dma_wait3A_82] : memref<2x2x128xi32, #tpu.memory_space<vmem>> -> memref<1x1x128xi32, #tpu.memory_space<vmem>>
      %dma_wait3A_84 = tpu.memref_squeeze %dma_wait3A_83 : memref<1x1x128xi32, #tpu.memory_space<vmem>> -> memref<128xi32, #tpu.memory_space<vmem>>
      %dma_wait3A_85 = arith.constant 0 : i32
      %dma_wait3A_86 = arith.constant 0 : i32
      %dma_wait3A_87 = tpu.memref_slice %arg3[%dma_wait3A_85, %dma_wait3A_86] : memref<160768x256xf32, #tpu.memory_space<hbm>> -> memref<160768x256xf32, #tpu.memory_space<hbm>>
      tpu.wait_indirect_dma semaphore(%arg12 : memref<!tpu.dma_semaphore, #tpu.memory_space<semaphore_mem>>) src(%dma_wait3A_87 : memref<160768x256xf32, #tpu.memory_space<hbm>>) dst(%dma_wait3A_81 : memref<128x256xf32, #tpu.memory_space<vmem>>)
      %dma_wait3A_88 = arith.constant 0 : i32
      %dma_wait3A_89 = arith.constant 1 : i32
      %dma_wait3A_90 = arith.constant 0 : i32
      %dma_wait3A_91 = arith.constant 0 : i32
      %dma_wait3A_92 = tpu.memref_slice %arg9[%dma_wait3A_90, %dma_wait3A_91] : memref<256x16xf32, #tpu.memory_space<vmem>> -> memref<128x16xf32, #tpu.memory_space<vmem>>
      %dma_wait3A_93 = arith.constant 0 : i32
      %dma_wait3A_94 = tpu.memref_slice %arg7[%dma_wait3A_88, %dma_wait3A_89, %dma_wait3A_93] : memref<2x2x128xi32, #tpu.memory_space<vmem>> -> memref<1x1x128xi32, #tpu.memory_space<vmem>>
      %dma_wait3A_95 = tpu.memref_squeeze %dma_wait3A_94 : memref<1x1x128xi32, #tpu.memory_space<vmem>> -> memref<128xi32, #tpu.memory_space<vmem>>
      %dma_wait3A_96 = arith.constant 0 : i32
      %dma_wait3A_97 = arith.constant 0 : i32
      %dma_wait3A_98 = tpu.memref_slice %arg4[%dma_wait3A_96, %dma_wait3A_97] : memref<160768x16xf32, #tpu.memory_space<hbm>> -> memref<160768x16xf32, #tpu.memory_space<hbm>>
      tpu.wait_indirect_dma semaphore(%arg12 : memref<!tpu.dma_semaphore, #tpu.memory_space<semaphore_mem>>) src(%dma_wait3A_98 : memref<160768x16xf32, #tpu.memory_space<hbm>>) dst(%dma_wait3A_92 : memref<128x16xf32, #tpu.memory_space<vmem>>)
      %dma_wait3A_99 = arith.constant 0 : i32
      %dma_wait3A_100 = arith.constant 0 : i32
      %dma_wait3A_101 = tpu.memref_slice %arg10[%dma_wait3A_99, %dma_wait3A_100] : memref<32x128xf32, #tpu.memory_space<vmem>> -> memref<16x128xf32, #tpu.memory_space<vmem>>
      %dma_wait3A_102 = arith.constant 0 : i32
      %dma_wait3A_103 = tpu.memref_slice %arg2[%add3A_76, %dma_wait3A_102] : memref<160768x128xf32, #tpu.memory_space<hbm>> -> memref<16x128xf32, #tpu.memory_space<hbm>>
      %dma_wait3A_104 = arith.constant 0 : i32
      %dma_wait3A_105 = arith.constant 0 : i32
      %dma_wait3A_106 = tpu.memref_slice %arg10[%dma_wait3A_104, %dma_wait3A_105] : memref<32x128xf32, #tpu.memory_space<vmem>> -> memref<16x128xf32, #tpu.memory_space<vmem>>
      %dma_wait3A_107 = arith.constant 0 : i32
      %dma_wait3A_108 = tpu.memref_slice %arg2[%add3A_76, %dma_wait3A_107] : memref<160768x128xf32, #tpu.memory_space<hbm>> -> memref<16x128xf32, #tpu.memory_space<hbm>>
      tpu.wait_dma2 semaphore(%arg12 : memref<!tpu.dma_semaphore, #tpu.memory_space<semaphore_mem>>) src(%dma_wait3A_108 : memref<16x128xf32, #tpu.memory_space<hbm>>) dst(%dma_wait3A_106 : memref<16x128xf32, #tpu.memory_space<vmem>>)
      %add3A_109 = arith.constant 1 : i32
      %add3A_110 = arith.addi %add3A_73, %add3A_109 : i32
      %lt3A = arith.constant 314 : i32
      %lt3A_111 = arith.cmpi slt, %add3A_110, %lt3A : i32
      %convert_element_type3A = arith.extui %lt3A_111 : i1 to i32
      %cond3A = arith.constant 0 : i32
      %cond3A_112 = arith.cmpi ne, %convert_element_type3A, %cond3A : i32
      scf.if %cond3A_112 {
        %add3A_757 = arith.constant 1 : i32
        %add3A_758 = arith.addi %add3A_73, %add3A_757 : i32
        %add3A_759 = arith.addi %mul3A_4, %add3A_758 : i32
        "tpu.region"() ({
          %run_scoped3A = tpu.sem_alloc : memref<!tpu.dma_semaphore, #tpu.memory_space<semaphore_mem>>
          %dma_start3A_795 = arith.constant 1 : i32
          %dma_start3A_796 = arith.constant 0 : i32
          %dma_start3A_797 = arith.constant 0 : i32
          %dma_start3A_798 = tpu.memref_slice %arg7[%dma_start3A_795, %dma_start3A_796, %dma_start3A_797] : memref<2x2x128xi32, #tpu.memory_space<vmem>> -> memref<1x2x128xi32, #tpu.memory_space<vmem>>
          %dma_start3A_799 = arith.constant 0 : i32
          %dma_start3A_800 = arith.constant 0 : i32
          %dma_start3A_801 = tpu.memref_slice %arg5[%add3A_759, %dma_start3A_799, %dma_start3A_800] : memref<10048x2x128xi32, #tpu.memory_space<hbm>> -> memref<1x2x128xi32, #tpu.memory_space<hbm>>
          %dma_start3A_802 = arith.constant 1 : i32
          %dma_start3A_803 = arith.constant 0 : i32
          %dma_start3A_804 = arith.constant 0 : i32
          %dma_start3A_805 = tpu.memref_slice %arg7[%dma_start3A_802, %dma_start3A_803, %dma_start3A_804] : memref<2x2x128xi32, #tpu.memory_space<vmem>> -> memref<1x2x128xi32, #tpu.memory_space<vmem>>
          %dma_start3A_806 = arith.constant 0 : i32
          %dma_start3A_807 = arith.constant 0 : i32
          %dma_start3A_808 = tpu.memref_slice %arg5[%add3A_759, %dma_start3A_806, %dma_start3A_807] : memref<10048x2x128xi32, #tpu.memory_space<hbm>> -> memref<1x2x128xi32, #tpu.memory_space<hbm>>
          tpu.enqueue_dma source(%dma_start3A_808 : memref<1x2x128xi32, #tpu.memory_space<hbm>>) target(%dma_start3A_805 : memref<1x2x128xi32, #tpu.memory_space<vmem>>) target_semaphore(%run_scoped3A : memref<!tpu.dma_semaphore, #tpu.memory_space<semaphore_mem>>)
          %dma_wait3A_809 = arith.constant 1 : i32
          %dma_wait3A_810 = arith.constant 0 : i32
          %dma_wait3A_811 = arith.constant 0 : i32
          %dma_wait3A_812 = tpu.memref_slice %arg7[%dma_wait3A_809, %dma_wait3A_810, %dma_wait3A_811] : memref<2x2x128xi32, #tpu.memory_space<vmem>> -> memref<1x2x128xi32, #tpu.memory_space<vmem>>
          %dma_wait3A_813 = arith.constant 0 : i32
          %dma_wait3A_814 = arith.constant 0 : i32
          %dma_wait3A_815 = tpu.memref_slice %arg5[%add3A_759, %dma_wait3A_813, %dma_wait3A_814] : memref<10048x2x128xi32, #tpu.memory_space<hbm>> -> memref<1x2x128xi32, #tpu.memory_space<hbm>>
          %dma_wait3A_816 = arith.constant 1 : i32
          %dma_wait3A_817 = arith.constant 0 : i32
          %dma_wait3A_818 = arith.constant 0 : i32
          %dma_wait3A_819 = tpu.memref_slice %arg7[%dma_wait3A_816, %dma_wait3A_817, %dma_wait3A_818] : memref<2x2x128xi32, #tpu.memory_space<vmem>> -> memref<1x2x128xi32, #tpu.memory_space<vmem>>
          %dma_wait3A_820 = arith.constant 0 : i32
          %dma_wait3A_821 = arith.constant 0 : i32
          %dma_wait3A_822 = tpu.memref_slice %arg5[%add3A_759, %dma_wait3A_820, %dma_wait3A_821] : memref<10048x2x128xi32, #tpu.memory_space<hbm>> -> memref<1x2x128xi32, #tpu.memory_space<hbm>>
          tpu.wait_dma2 semaphore(%run_scoped3A : memref<!tpu.dma_semaphore, #tpu.memory_space<semaphore_mem>>) src(%dma_wait3A_822 : memref<1x2x128xi32, #tpu.memory_space<hbm>>) dst(%dma_wait3A_819 : memref<1x2x128xi32, #tpu.memory_space<vmem>>)
          tpu.yield
        }) : () -> ()
        %mul3A_760 = arith.constant 16 : i32
        %mul3A_761 = arith.muli %add3A_758, %mul3A_760 : i32
        %add3A_762 = arith.addi %mul3A_2, %mul3A_761 : i32
        %dma_start3A_763 = arith.constant 1 : i32
        %dma_start3A_764 = arith.constant 0 : i32
        %dma_start3A_765 = arith.constant 128 : i32
        %dma_start3A_766 = arith.constant 0 : i32
        %dma_start3A_767 = tpu.memref_slice %arg8[%dma_start3A_765, %dma_start3A_766] : memref<256x256xf32, #tpu.memory_space<vmem>> -> memref<128x256xf32, #tpu.memory_space<vmem>>
        %dma_start3A_768 = arith.constant 0 : i32
        %dma_start3A_769 = tpu.memref_slice %arg7[%dma_start3A_763, %dma_start3A_764, %dma_start3A_768] : memref<2x2x128xi32, #tpu.memory_space<vmem>> -> memref<1x1x128xi32, #tpu.memory_space<vmem>>
        %dma_start3A_770 = tpu.memref_squeeze %dma_start3A_769 : memref<1x1x128xi32, #tpu.memory_space<vmem>> -> memref<128xi32, #tpu.memory_space<vmem>>
        %dma_start3A_771 = arith.constant 0 : i32
        %dma_start3A_772 = arith.constant 0 : i32
        %dma_start3A_773 = tpu.memref_slice %arg3[%dma_start3A_771, %dma_start3A_772] : memref<160768x256xf32, #tpu.memory_space<hbm>> -> memref<160768x256xf32, #tpu.memory_space<hbm>>
        tpu.enqueue_indirect_dma source(%dma_start3A_773 : memref<160768x256xf32, #tpu.memory_space<hbm>>) target(%dma_start3A_767 : memref<128x256xf32, #tpu.memory_space<vmem>>) offsets(%dma_start3A_770 : memref<128xi32, #tpu.memory_space<vmem>>) semaphore(%arg13 : memref<!tpu.dma_semaphore, #tpu.memory_space<semaphore_mem>>)
        %dma_start3A_774 = arith.constant 1 : i32
        %dma_start3A_775 = arith.constant 1 : i32
        %dma_start3A_776 = arith.constant 128 : i32
        %dma_start3A_777 = arith.constant 0 : i32
        %dma_start3A_778 = tpu.memref_slice %arg9[%dma_start3A_776, %dma_start3A_777] : memref<256x16xf32, #tpu.memory_space<vmem>> -> memref<128x16xf32, #tpu.memory_space<vmem>>
        %dma_start3A_779 = arith.constant 0 : i32
        %dma_start3A_780 = tpu.memref_slice %arg7[%dma_start3A_774, %dma_start3A_775, %dma_start3A_779] : memref<2x2x128xi32, #tpu.memory_space<vmem>> -> memref<1x1x128xi32, #tpu.memory_space<vmem>>
        %dma_start3A_781 = tpu.memref_squeeze %dma_start3A_780 : memref<1x1x128xi32, #tpu.memory_space<vmem>> -> memref<128xi32, #tpu.memory_space<vmem>>
        %dma_start3A_782 = arith.constant 0 : i32
        %dma_start3A_783 = arith.constant 0 : i32
        %dma_start3A_784 = tpu.memref_slice %arg4[%dma_start3A_782, %dma_start3A_783] : memref<160768x16xf32, #tpu.memory_space<hbm>> -> memref<160768x16xf32, #tpu.memory_space<hbm>>
        tpu.enqueue_indirect_dma source(%dma_start3A_784 : memref<160768x16xf32, #tpu.memory_space<hbm>>) target(%dma_start3A_778 : memref<128x16xf32, #tpu.memory_space<vmem>>) offsets(%dma_start3A_781 : memref<128xi32, #tpu.memory_space<vmem>>) semaphore(%arg13 : memref<!tpu.dma_semaphore, #tpu.memory_space<semaphore_mem>>)
        %dma_start3A_785 = arith.constant 16 : i32
        %dma_start3A_786 = arith.constant 0 : i32
        %dma_start3A_787 = tpu.memref_slice %arg10[%dma_start3A_785, %dma_start3A_786] : memref<32x128xf32, #tpu.memory_space<vmem>> -> memref<16x128xf32, #tpu.memory_space<vmem>>
        %dma_start3A_788 = arith.constant 0 : i32
        %dma_start3A_789 = tpu.memref_slice %arg2[%add3A_762, %dma_start3A_788] : memref<160768x128xf32, #tpu.memory_space<hbm>> -> memref<16x128xf32, #tpu.memory_space<hbm>>
        %dma_start3A_790 = arith.constant 16 : i32
        %dma_start3A_791 = arith.constant 0 : i32
        %dma_start3A_792 = tpu.memref_slice %arg10[%dma_start3A_790, %dma_start3A_791] : memref<32x128xf32, #tpu.memory_space<vmem>> -> memref<16x128xf32, #tpu.memory_space<vmem>>
        %dma_start3A_793 = arith.constant 0 : i32
        %dma_start3A_794 = tpu.memref_slice %arg2[%add3A_762, %dma_start3A_793] : memref<160768x128xf32, #tpu.memory_space<hbm>> -> memref<16x128xf32, #tpu.memory_space<hbm>>
        tpu.enqueue_dma source(%dma_start3A_794 : memref<16x128xf32, #tpu.memory_space<hbm>>) target(%dma_start3A_792 : memref<16x128xf32, #tpu.memory_space<vmem>>) target_semaphore(%arg13 : memref<!tpu.dma_semaphore, #tpu.memory_space<semaphore_mem>>)
      } else {
      }
      %ge3A = arith.constant 2 : i32
      %ge3A_113 = arith.cmpi sge, %add3A_73, %ge3A : i32
      %convert_element_type3A_114 = arith.extui %ge3A_113 : i1 to i32
      %cond3A_115 = arith.constant 0 : i32
      %cond3A_116 = arith.cmpi ne, %convert_element_type3A_114, %cond3A_115 : i32
      scf.if %cond3A_116 {
        %mul3A_757 = arith.constant 16 : i32
        %mul3A_758 = arith.muli %add3A_73, %mul3A_757 : i32
        %add3A_759 = arith.addi %mul3A_2, %mul3A_758 : i32
        %dma_wait3A_760 = arith.constant 0 : i32
        %dma_wait3A_761 = arith.constant 0 : i32
        %dma_wait3A_762 = tpu.memref_slice %arg11[%dma_wait3A_760, %dma_wait3A_761] : memref<32x128xf32, #tpu.memory_space<vmem>> -> memref<16x128xf32, #tpu.memory_space<vmem>>
        %dma_wait3A_763 = arith.constant 0 : i32
        %dma_wait3A_764 = tpu.memref_slice %arg6[%add3A_759, %dma_wait3A_763] : memref<160768x128xf32, #tpu.memory_space<hbm>> -> memref<16x128xf32, #tpu.memory_space<hbm>>
        %dma_wait3A_765 = arith.constant 0 : i32
        %dma_wait3A_766 = tpu.memref_slice %arg6[%add3A_759, %dma_wait3A_765] : memref<160768x128xf32, #tpu.memory_space<hbm>> -> memref<16x128xf32, #tpu.memory_space<hbm>>
        %dma_wait3A_767 = arith.constant 0 : i32
        %dma_wait3A_768 = arith.constant 0 : i32
        %dma_wait3A_769 = tpu.memref_slice %arg11[%dma_wait3A_767, %dma_wait3A_768] : memref<32x128xf32, #tpu.memory_space<vmem>> -> memref<16x128xf32, #tpu.memory_space<vmem>>
        tpu.wait_dma2 semaphore(%arg14 : memref<!tpu.dma_semaphore, #tpu.memory_space<semaphore_mem>>) src(%dma_wait3A_769 : memref<16x128xf32, #tpu.memory_space<vmem>>) dst(%dma_wait3A_766 : memref<16x128xf32, #tpu.memory_space<hbm>>)
      } else {
      }
      %iota3A = tpu.iota {dimensions = array<i32: 0>} : vector<16xi32>
      %add3A_117 = arith.constant 0 : i32
      %add3A_118 = vector.broadcast %add3A_117 : i32 to vector<16xi32>
      %add3A_119 = arith.addi %add3A_118, %iota3A : vector<16xi32>
      %mul3A_120 = arith.constant 8 : i32
      %mul3A_121 = vector.broadcast %mul3A_120 : i32 to vector<16xi32>
      %mul3A_122 = arith.muli %iota3A, %mul3A_121 : vector<16xi32>
      %add3A_123 = arith.constant 0 : i32
      %add3A_124 = vector.broadcast %add3A_123 : i32 to vector<16xi32>
      %add3A_125 = arith.addi %add3A_124, %mul3A_122 : vector<16xi32>
      %add3A_126 = arith.constant 0 : i32
      %add3A_127 = vector.broadcast %add3A_126 : i32 to vector<16xi32>
      %add3A_128 = arith.addi %add3A_125, %add3A_127 : vector<16xi32>
      %mul3A_129 = arith.constant 8 : i32
      %mul3A_130 = vector.broadcast %mul3A_129 : i32 to vector<16xi32>
      %mul3A_131 = arith.muli %iota3A, %mul3A_130 : vector<16xi32>
      %add3A_132 = arith.constant 0 : i32
      %add3A_133 = vector.broadcast %add3A_132 : i32 to vector<16xi32>
      %add3A_134 = arith.addi %add3A_133, %mul3A_131 : vector<16xi32>
      %add3A_135 = arith.constant 1 : i32
      %add3A_136 = vector.broadcast %add3A_135 : i32 to vector<16xi32>
      %add3A_137 = arith.addi %add3A_134, %add3A_136 : vector<16xi32>
      %mul3A_138 = arith.constant 8 : i32
      %mul3A_139 = vector.broadcast %mul3A_138 : i32 to vector<16xi32>
      %mul3A_140 = arith.muli %iota3A, %mul3A_139 : vector<16xi32>
      %add3A_141 = arith.constant 0 : i32
      %add3A_142 = vector.broadcast %add3A_141 : i32 to vector<16xi32>
      %add3A_143 = arith.addi %add3A_142, %mul3A_140 : vector<16xi32>
      %add3A_144 = arith.constant 2 : i32
      %add3A_145 = vector.broadcast %add3A_144 : i32 to vector<16xi32>
      %add3A_146 = arith.addi %add3A_143, %add3A_145 : vector<16xi32>
      %mul3A_147 = arith.constant 8 : i32
      %mul3A_148 = vector.broadcast %mul3A_147 : i32 to vector<16xi32>
      %mul3A_149 = arith.muli %iota3A, %mul3A_148 : vector<16xi32>
      %add3A_150 = arith.constant 0 : i32
      %add3A_151 = vector.broadcast %add3A_150 : i32 to vector<16xi32>
      %add3A_152 = arith.addi %add3A_151, %mul3A_149 : vector<16xi32>
      %add3A_153 = arith.constant 3 : i32
      %add3A_154 = vector.broadcast %add3A_153 : i32 to vector<16xi32>
      %add3A_155 = arith.addi %add3A_152, %add3A_154 : vector<16xi32>
      %mul3A_156 = arith.constant 8 : i32
      %mul3A_157 = vector.broadcast %mul3A_156 : i32 to vector<16xi32>
      %mul3A_158 = arith.muli %iota3A, %mul3A_157 : vector<16xi32>
      %add3A_159 = arith.constant 0 : i32
      %add3A_160 = vector.broadcast %add3A_159 : i32 to vector<16xi32>
      %add3A_161 = arith.addi %add3A_160, %mul3A_158 : vector<16xi32>
      %add3A_162 = arith.constant 4 : i32
      %add3A_163 = vector.broadcast %add3A_162 : i32 to vector<16xi32>
      %add3A_164 = arith.addi %add3A_161, %add3A_163 : vector<16xi32>
      %mul3A_165 = arith.constant 8 : i32
      %mul3A_166 = vector.broadcast %mul3A_165 : i32 to vector<16xi32>
      %mul3A_167 = arith.muli %iota3A, %mul3A_166 : vector<16xi32>
      %add3A_168 = arith.constant 0 : i32
      %add3A_169 = vector.broadcast %add3A_168 : i32 to vector<16xi32>
      %add3A_170 = arith.addi %add3A_169, %mul3A_167 : vector<16xi32>
      %add3A_171 = arith.constant 5 : i32
      %add3A_172 = vector.broadcast %add3A_171 : i32 to vector<16xi32>
      %add3A_173 = arith.addi %add3A_170, %add3A_172 : vector<16xi32>
      %mul3A_174 = arith.constant 8 : i32
      %mul3A_175 = vector.broadcast %mul3A_174 : i32 to vector<16xi32>
      %mul3A_176 = arith.muli %iota3A, %mul3A_175 : vector<16xi32>
      %add3A_177 = arith.constant 0 : i32
      %add3A_178 = vector.broadcast %add3A_177 : i32 to vector<16xi32>
      %add3A_179 = arith.addi %add3A_178, %mul3A_176 : vector<16xi32>
      %add3A_180 = arith.constant 6 : i32
      %add3A_181 = vector.broadcast %add3A_180 : i32 to vector<16xi32>
      %add3A_182 = arith.addi %add3A_179, %add3A_181 : vector<16xi32>
      %mul3A_183 = arith.constant 8 : i32
      %mul3A_184 = vector.broadcast %mul3A_183 : i32 to vector<16xi32>
      %mul3A_185 = arith.muli %iota3A, %mul3A_184 : vector<16xi32>
      %add3A_186 = arith.constant 0 : i32
      %add3A_187 = vector.broadcast %add3A_186 : i32 to vector<16xi32>
      %add3A_188 = arith.addi %add3A_187, %mul3A_185 : vector<16xi32>
      %add3A_189 = arith.constant 7 : i32
      %add3A_190 = vector.broadcast %add3A_189 : i32 to vector<16xi32>
      %add3A_191 = arith.addi %add3A_188, %add3A_190 : vector<16xi32>
      %broadcast_in_dim3A = arith.constant 0.000000e+00 : f32
      %broadcast_in_dim3A_192 = vector.broadcast %broadcast_in_dim3A : f32 to vector<16xf32>
      %broadcast_in_dim3A_193 = arith.constant 0.000000e+00 : f32
      %broadcast_in_dim3A_194 = vector.broadcast %broadcast_in_dim3A_193 : f32 to vector<16xf32>
      %broadcast_in_dim3A_195 = arith.constant 0.000000e+00 : f32
      %broadcast_in_dim3A_196 = vector.broadcast %broadcast_in_dim3A_195 : f32 to vector<16xf32>
      %broadcast_in_dim3A_197 = arith.constant 0.000000e+00 : f32
      %broadcast_in_dim3A_198 = vector.broadcast %broadcast_in_dim3A_197 : f32 to vector<16xf32>
      %broadcast_in_dim3A_199 = arith.constant 0.000000e+00 : f32
      %broadcast_in_dim3A_200 = vector.broadcast %broadcast_in_dim3A_199 : f32 to vector<16xf32>
      %broadcast_in_dim3A_201 = arith.constant 0.000000e+00 : f32
      %broadcast_in_dim3A_202 = vector.broadcast %broadcast_in_dim3A_201 : f32 to vector<16xf32>
      %broadcast_in_dim3A_203 = arith.constant 0.000000e+00 : f32
      %broadcast_in_dim3A_204 = vector.broadcast %broadcast_in_dim3A_203 : f32 to vector<16xf32>
      %broadcast_in_dim3A_205 = arith.constant 0.000000e+00 : f32
      %broadcast_in_dim3A_206 = vector.broadcast %broadcast_in_dim3A_205 : f32 to vector<16xf32>
      %broadcast_in_dim3A_207 = arith.constant 0.000000e+00 : f32
      %broadcast_in_dim3A_208 = vector.broadcast %broadcast_in_dim3A_207 : f32 to vector<16xf32>
      %broadcast_in_dim3A_209 = arith.constant 0.000000e+00 : f32
      %broadcast_in_dim3A_210 = vector.broadcast %broadcast_in_dim3A_209 : f32 to vector<16xf32>
      %broadcast_in_dim3A_211 = arith.constant 0.000000e+00 : f32
      %broadcast_in_dim3A_212 = vector.broadcast %broadcast_in_dim3A_211 : f32 to vector<16xf32>
      %broadcast_in_dim3A_213 = arith.constant 0.000000e+00 : f32
      %broadcast_in_dim3A_214 = vector.broadcast %broadcast_in_dim3A_213 : f32 to vector<16xf32>
      %broadcast_in_dim3A_215 = arith.constant 0.000000e+00 : f32
      %broadcast_in_dim3A_216 = vector.broadcast %broadcast_in_dim3A_215 : f32 to vector<16xf32>
      %broadcast_in_dim3A_217 = arith.constant 0.000000e+00 : f32
      %broadcast_in_dim3A_218 = vector.broadcast %broadcast_in_dim3A_217 : f32 to vector<16xf32>
      %broadcast_in_dim3A_219 = arith.constant 0.000000e+00 : f32
      %broadcast_in_dim3A_220 = vector.broadcast %broadcast_in_dim3A_219 : f32 to vector<16xf32>
      %broadcast_in_dim3A_221 = arith.constant 0.000000e+00 : f32
      %broadcast_in_dim3A_222 = vector.broadcast %broadcast_in_dim3A_221 : f32 to vector<16xf32>
      %scan3A_223 = arith.constant 0 : i32
      %scan3A_224 = arith.constant 64 : i32
      %scan3A_225 = arith.addi %scan3A_223, %scan3A_224 : i32
      %scan3A_226 = arith.constant 1 : i32
      %scan3A_227:16 = scf.for %scan3A_757 = %scan3A_223 to %scan3A_225 step %scan3A_226 iter_args(%scan3A_758 = %broadcast_in_dim3A_192, %scan3A_759 = %broadcast_in_dim3A_194, %scan3A_760 = %broadcast_in_dim3A_196, %scan3A_761 = %broadcast_in_dim3A_198, %scan3A_762 = %broadcast_in_dim3A_200, %scan3A_763 = %broadcast_in_dim3A_202, %scan3A_764 = %broadcast_in_dim3A_204, %scan3A_765 = %broadcast_in_dim3A_206, %scan3A_766 = %broadcast_in_dim3A_208, %scan3A_767 = %broadcast_in_dim3A_210, %scan3A_768 = %broadcast_in_dim3A_212, %scan3A_769 = %broadcast_in_dim3A_214, %scan3A_770 = %broadcast_in_dim3A_216, %scan3A_771 = %broadcast_in_dim3A_218, %scan3A_772 = %broadcast_in_dim3A_220, %scan3A_773 = %broadcast_in_dim3A_222) -> (vector<16xf32>, vector<16xf32>, vector<16xf32>, vector<16xf32>, vector<16xf32>, vector<16xf32>, vector<16xf32>, vector<16xf32>, vector<16xf32>, vector<16xf32>, vector<16xf32>, vector<16xf32>, vector<16xf32>, vector<16xf32>, vector<16xf32>, vector<16xf32>)  : i32 {
        %broadcast_in_dim3A_774 = arith.constant 0 : i32
        %broadcast_in_dim3A_775 = vector.broadcast %broadcast_in_dim3A_774 : i32 to vector<16xi32>
        %add3A_776 = vector.broadcast %scan3A_757 : i32 to vector<16xi32>
        %add3A_777 = arith.addi %broadcast_in_dim3A_775, %add3A_776 : vector<16xi32>
        %gather3A_778 = tpu.vector_load_idx %arg10[%add3A_119, %add3A_777] : memref<32x128xf32, #tpu.memory_space<vmem>>[vector<16xi32>, vector<16xi32>], vector<16xf32>,
        %gather3A_779 = tpu.vector_load_idx %arg8[%add3A_128, %add3A_777] : memref<256x256xf32, #tpu.memory_space<vmem>>[vector<16xi32>, vector<16xi32>], vector<16xf32>,
        %mul3A_780 = arith.mulf %gather3A_778, %gather3A_779 : vector<16xf32>
        %add3A_781 = arith.addf %scan3A_758, %mul3A_780 : vector<16xf32>
        %gather3A_782 = tpu.vector_load_idx %arg8[%add3A_137, %add3A_777] : memref<256x256xf32, #tpu.memory_space<vmem>>[vector<16xi32>, vector<16xi32>], vector<16xf32>,
        %mul3A_783 = arith.mulf %gather3A_778, %gather3A_782 : vector<16xf32>
        %add3A_784 = arith.addf %scan3A_759, %mul3A_783 : vector<16xf32>
        %gather3A_785 = tpu.vector_load_idx %arg8[%add3A_146, %add3A_777] : memref<256x256xf32, #tpu.memory_space<vmem>>[vector<16xi32>, vector<16xi32>], vector<16xf32>,
        %mul3A_786 = arith.mulf %gather3A_778, %gather3A_785 : vector<16xf32>
        %add3A_787 = arith.addf %scan3A_760, %mul3A_786 : vector<16xf32>
        %gather3A_788 = tpu.vector_load_idx %arg8[%add3A_155, %add3A_777] : memref<256x256xf32, #tpu.memory_space<vmem>>[vector<16xi32>, vector<16xi32>], vector<16xf32>,
        %mul3A_789 = arith.mulf %gather3A_778, %gather3A_788 : vector<16xf32>
        %add3A_790 = arith.addf %scan3A_761, %mul3A_789 : vector<16xf32>
        %gather3A_791 = tpu.vector_load_idx %arg8[%add3A_164, %add3A_777] : memref<256x256xf32, #tpu.memory_space<vmem>>[vector<16xi32>, vector<16xi32>], vector<16xf32>,
        %mul3A_792 = arith.mulf %gather3A_778, %gather3A_791 : vector<16xf32>
        %add3A_793 = arith.addf %scan3A_762, %mul3A_792 : vector<16xf32>
        %gather3A_794 = tpu.vector_load_idx %arg8[%add3A_173, %add3A_777] : memref<256x256xf32, #tpu.memory_space<vmem>>[vector<16xi32>, vector<16xi32>], vector<16xf32>,
        %mul3A_795 = arith.mulf %gather3A_778, %gather3A_794 : vector<16xf32>
        %add3A_796 = arith.addf %scan3A_763, %mul3A_795 : vector<16xf32>
        %gather3A_797 = tpu.vector_load_idx %arg8[%add3A_182, %add3A_777] : memref<256x256xf32, #tpu.memory_space<vmem>>[vector<16xi32>, vector<16xi32>], vector<16xf32>,
        %mul3A_798 = arith.mulf %gather3A_778, %gather3A_797 : vector<16xf32>
        %add3A_799 = arith.addf %scan3A_764, %mul3A_798 : vector<16xf32>
        %gather3A_800 = tpu.vector_load_idx %arg8[%add3A_191, %add3A_777] : memref<256x256xf32, #tpu.memory_space<vmem>>[vector<16xi32>, vector<16xi32>], vector<16xf32>,
        %mul3A_801 = arith.mulf %gather3A_778, %gather3A_800 : vector<16xf32>
        %add3A_802 = arith.addf %scan3A_765, %mul3A_801 : vector<16xf32>
        %broadcast_in_dim3A_803 = arith.constant 64 : i32
        %broadcast_in_dim3A_804 = vector.broadcast %broadcast_in_dim3A_803 : i32 to vector<16xi32>
        %add3A_805 = vector.broadcast %scan3A_757 : i32 to vector<16xi32>
        %add3A_806 = arith.addi %broadcast_in_dim3A_804, %add3A_805 : vector<16xi32>
        %gather3A_807 = tpu.vector_load_idx %arg10[%add3A_119, %add3A_806] : memref<32x128xf32, #tpu.memory_space<vmem>>[vector<16xi32>, vector<16xi32>], vector<16xf32>,
        %gather3A_808 = tpu.vector_load_idx %arg8[%add3A_128, %add3A_806] : memref<256x256xf32, #tpu.memory_space<vmem>>[vector<16xi32>, vector<16xi32>], vector<16xf32>,
        %mul3A_809 = arith.mulf %gather3A_807, %gather3A_808 : vector<16xf32>
        %add3A_810 = arith.addf %scan3A_766, %mul3A_809 : vector<16xf32>
        %gather3A_811 = tpu.vector_load_idx %arg8[%add3A_137, %add3A_806] : memref<256x256xf32, #tpu.memory_space<vmem>>[vector<16xi32>, vector<16xi32>], vector<16xf32>,
        %mul3A_812 = arith.mulf %gather3A_807, %gather3A_811 : vector<16xf32>
        %add3A_813 = arith.addf %scan3A_767, %mul3A_812 : vector<16xf32>
        %gather3A_814 = tpu.vector_load_idx %arg8[%add3A_146, %add3A_806] : memref<256x256xf32, #tpu.memory_space<vmem>>[vector<16xi32>, vector<16xi32>], vector<16xf32>,
        %mul3A_815 = arith.mulf %gather3A_807, %gather3A_814 : vector<16xf32>
        %add3A_816 = arith.addf %scan3A_768, %mul3A_815 : vector<16xf32>
        %gather3A_817 = tpu.vector_load_idx %arg8[%add3A_155, %add3A_806] : memref<256x256xf32, #tpu.memory_space<vmem>>[vector<16xi32>, vector<16xi32>], vector<16xf32>,
        %mul3A_818 = arith.mulf %gather3A_807, %gather3A_817 : vector<16xf32>
        %add3A_819 = arith.addf %scan3A_769, %mul3A_818 : vector<16xf32>
        %gather3A_820 = tpu.vector_load_idx %arg8[%add3A_164, %add3A_806] : memref<256x256xf32, #tpu.memory_space<vmem>>[vector<16xi32>, vector<16xi32>], vector<16xf32>,
        %mul3A_821 = arith.mulf %gather3A_807, %gather3A_820 : vector<16xf32>
        %add3A_822 = arith.addf %scan3A_770, %mul3A_821 : vector<16xf32>
        %gather3A_823 = tpu.vector_load_idx %arg8[%add3A_173, %add3A_806] : memref<256x256xf32, #tpu.memory_space<vmem>>[vector<16xi32>, vector<16xi32>], vector<16xf32>,
        %mul3A_824 = arith.mulf %gather3A_807, %gather3A_823 : vector<16xf32>
        %add3A_825 = arith.addf %scan3A_771, %mul3A_824 : vector<16xf32>
        %gather3A_826 = tpu.vector_load_idx %arg8[%add3A_182, %add3A_806] : memref<256x256xf32, #tpu.memory_space<vmem>>[vector<16xi32>, vector<16xi32>], vector<16xf32>,
        %mul3A_827 = arith.mulf %gather3A_807, %gather3A_826 : vector<16xf32>
        %add3A_828 = arith.addf %scan3A_772, %mul3A_827 : vector<16xf32>
        %gather3A_829 = tpu.vector_load_idx %arg8[%add3A_191, %add3A_806] : memref<256x256xf32, #tpu.memory_space<vmem>>[vector<16xi32>, vector<16xi32>], vector<16xf32>,
        %mul3A_830 = arith.mulf %gather3A_807, %gather3A_829 : vector<16xf32>
        %add3A_831 = arith.addf %scan3A_773, %mul3A_830 : vector<16xf32>
        scf.yield %add3A_781, %add3A_784, %add3A_787, %add3A_790, %add3A_793, %add3A_796, %add3A_799, %add3A_802, %add3A_810, %add3A_813, %add3A_816, %add3A_819, %add3A_822, %add3A_825, %add3A_828, %add3A_831 : vector<16xf32>, vector<16xf32>, vector<16xf32>, vector<16xf32>, vector<16xf32>, vector<16xf32>, vector<16xf32>, vector<16xf32>, vector<16xf32>, vector<16xf32>, vector<16xf32>, vector<16xf32>, vector<16xf32>, vector<16xf32>, vector<16xf32>, vector<16xf32>
      }
      %scan3A_228 = arith.constant 64 : i32
      %broadcast_in_dim3A_229 = arith.constant 0 : i32
      %broadcast_in_dim3A_230 = vector.broadcast %broadcast_in_dim3A_229 : i32 to vector<16xi32>
      %mul3A_231 = arith.constant 1.250000e-01 : f32
      %mul3A_232 = vector.broadcast %mul3A_231 : f32 to vector<16xf32>
      %mul3A_233 = arith.mulf %scan3A_227#0, %mul3A_232 : vector<16xf32>
      %gather3A = tpu.vector_load_idx %arg9[%add3A_128, %broadcast_in_dim3A_230] : memref<256x16xf32, #tpu.memory_space<vmem>>[vector<16xi32>, vector<16xi32>], vector<16xf32>,
      %add3A_234 = arith.addf %mul3A_233, %gather3A : vector<16xf32>
      %mul3A_235 = arith.constant 1.250000e-01 : f32
      %mul3A_236 = vector.broadcast %mul3A_235 : f32 to vector<16xf32>
      %mul3A_237 = arith.mulf %scan3A_227#1, %mul3A_236 : vector<16xf32>
      %gather3A_238 = tpu.vector_load_idx %arg9[%add3A_137, %broadcast_in_dim3A_230] : memref<256x16xf32, #tpu.memory_space<vmem>>[vector<16xi32>, vector<16xi32>], vector<16xf32>,
      %add3A_239 = arith.addf %mul3A_237, %gather3A_238 : vector<16xf32>
      %mul3A_240 = arith.constant 1.250000e-01 : f32
      %mul3A_241 = vector.broadcast %mul3A_240 : f32 to vector<16xf32>
      %mul3A_242 = arith.mulf %scan3A_227#2, %mul3A_241 : vector<16xf32>
      %gather3A_243 = tpu.vector_load_idx %arg9[%add3A_146, %broadcast_in_dim3A_230] : memref<256x16xf32, #tpu.memory_space<vmem>>[vector<16xi32>, vector<16xi32>], vector<16xf32>,
      %add3A_244 = arith.addf %mul3A_242, %gather3A_243 : vector<16xf32>
      %mul3A_245 = arith.constant 1.250000e-01 : f32
      %mul3A_246 = vector.broadcast %mul3A_245 : f32 to vector<16xf32>
      %mul3A_247 = arith.mulf %scan3A_227#3, %mul3A_246 : vector<16xf32>
      %gather3A_248 = tpu.vector_load_idx %arg9[%add3A_155, %broadcast_in_dim3A_230] : memref<256x16xf32, #tpu.memory_space<vmem>>[vector<16xi32>, vector<16xi32>], vector<16xf32>,
      %add3A_249 = arith.addf %mul3A_247, %gather3A_248 : vector<16xf32>
      %mul3A_250 = arith.constant 1.250000e-01 : f32
      %mul3A_251 = vector.broadcast %mul3A_250 : f32 to vector<16xf32>
      %mul3A_252 = arith.mulf %scan3A_227#4, %mul3A_251 : vector<16xf32>
      %gather3A_253 = tpu.vector_load_idx %arg9[%add3A_164, %broadcast_in_dim3A_230] : memref<256x16xf32, #tpu.memory_space<vmem>>[vector<16xi32>, vector<16xi32>], vector<16xf32>,
      %add3A_254 = arith.addf %mul3A_252, %gather3A_253 : vector<16xf32>
      %mul3A_255 = arith.constant 1.250000e-01 : f32
      %mul3A_256 = vector.broadcast %mul3A_255 : f32 to vector<16xf32>
      %mul3A_257 = arith.mulf %scan3A_227#5, %mul3A_256 : vector<16xf32>
      %gather3A_258 = tpu.vector_load_idx %arg9[%add3A_173, %broadcast_in_dim3A_230] : memref<256x16xf32, #tpu.memory_space<vmem>>[vector<16xi32>, vector<16xi32>], vector<16xf32>,
      %add3A_259 = arith.addf %mul3A_257, %gather3A_258 : vector<16xf32>
      %mul3A_260 = arith.constant 1.250000e-01 : f32
      %mul3A_261 = vector.broadcast %mul3A_260 : f32 to vector<16xf32>
      %mul3A_262 = arith.mulf %scan3A_227#6, %mul3A_261 : vector<16xf32>
      %gather3A_263 = tpu.vector_load_idx %arg9[%add3A_182, %broadcast_in_dim3A_230] : memref<256x16xf32, #tpu.memory_space<vmem>>[vector<16xi32>, vector<16xi32>], vector<16xf32>,
      %add3A_264 = arith.addf %mul3A_262, %gather3A_263 : vector<16xf32>
      %mul3A_265 = arith.constant 1.250000e-01 : f32
      %mul3A_266 = vector.broadcast %mul3A_265 : f32 to vector<16xf32>
      %mul3A_267 = arith.mulf %scan3A_227#7, %mul3A_266 : vector<16xf32>
      %gather3A_268 = tpu.vector_load_idx %arg9[%add3A_191, %broadcast_in_dim3A_230] : memref<256x16xf32, #tpu.memory_space<vmem>>[vector<16xi32>, vector<16xi32>], vector<16xf32>,
      %add3A_269 = arith.addf %mul3A_267, %gather3A_268 : vector<16xf32>
      %max3A = arith.maximumf %add3A_234, %add3A_239 : vector<16xf32>
      %max3A_270 = arith.maximumf %max3A, %add3A_244 : vector<16xf32>
      %max3A_271 = arith.maximumf %max3A_270, %add3A_249 : vector<16xf32>
      %max3A_272 = arith.maximumf %max3A_271, %add3A_254 : vector<16xf32>
      %max3A_273 = arith.maximumf %max3A_272, %add3A_259 : vector<16xf32>
      %max3A_274 = arith.maximumf %max3A_273, %add3A_264 : vector<16xf32>
      %max3A_275 = arith.maximumf %max3A_274, %add3A_269 : vector<16xf32>
      %sub3A = arith.subf %add3A_234, %max3A_275 : vector<16xf32>
      %exp3A = math.exp %sub3A : vector<16xf32>
      %sub3A_276 = arith.subf %add3A_239, %max3A_275 : vector<16xf32>
      %exp3A_277 = math.exp %sub3A_276 : vector<16xf32>
      %sub3A_278 = arith.subf %add3A_244, %max3A_275 : vector<16xf32>
      %exp3A_279 = math.exp %sub3A_278 : vector<16xf32>
      %sub3A_280 = arith.subf %add3A_249, %max3A_275 : vector<16xf32>
      %exp3A_281 = math.exp %sub3A_280 : vector<16xf32>
      %sub3A_282 = arith.subf %add3A_254, %max3A_275 : vector<16xf32>
      %exp3A_283 = math.exp %sub3A_282 : vector<16xf32>
      %sub3A_284 = arith.subf %add3A_259, %max3A_275 : vector<16xf32>
      %exp3A_285 = math.exp %sub3A_284 : vector<16xf32>
      %sub3A_286 = arith.subf %add3A_264, %max3A_275 : vector<16xf32>
      %exp3A_287 = math.exp %sub3A_286 : vector<16xf32>
      %sub3A_288 = arith.subf %add3A_269, %max3A_275 : vector<16xf32>
      %exp3A_289 = math.exp %sub3A_288 : vector<16xf32>
      %add3A_290 = arith.addf %exp3A, %exp3A_277 : vector<16xf32>
      %add3A_291 = arith.addf %add3A_290, %exp3A_279 : vector<16xf32>
      %add3A_292 = arith.addf %add3A_291, %exp3A_281 : vector<16xf32>
      %add3A_293 = arith.addf %add3A_292, %exp3A_283 : vector<16xf32>
      %add3A_294 = arith.addf %add3A_293, %exp3A_285 : vector<16xf32>
      %add3A_295 = arith.addf %add3A_294, %exp3A_287 : vector<16xf32>
      %add3A_296 = arith.addf %add3A_295, %exp3A_289 : vector<16xf32>
      %div3A = arith.divf %exp3A, %add3A_296 : vector<16xf32>
      %div3A_297 = arith.divf %exp3A_277, %add3A_296 : vector<16xf32>
      %div3A_298 = arith.divf %exp3A_279, %add3A_296 : vector<16xf32>
      %div3A_299 = arith.divf %exp3A_281, %add3A_296 : vector<16xf32>
      %div3A_300 = arith.divf %exp3A_283, %add3A_296 : vector<16xf32>
      %div3A_301 = arith.divf %exp3A_285, %add3A_296 : vector<16xf32>
      %div3A_302 = arith.divf %exp3A_287, %add3A_296 : vector<16xf32>
      %div3A_303 = arith.divf %exp3A_289, %add3A_296 : vector<16xf32>
      %scan3A_304 = arith.constant 0 : i32
      %scan3A_305 = arith.constant 0 : i32
      %scan3A_306 = arith.constant 64 : i32
      %scan3A_307 = arith.addi %scan3A_305, %scan3A_306 : i32
      %scan3A_308 = arith.constant 1 : i32
      scf.for %scan3A_757 = %scan3A_305 to %scan3A_307 step %scan3A_308  : i32 {
        %broadcast_in_dim3A_758 = arith.constant 128 : i32
        %broadcast_in_dim3A_759 = vector.broadcast %broadcast_in_dim3A_758 : i32 to vector<16xi32>
        %add3A_760 = vector.broadcast %scan3A_757 : i32 to vector<16xi32>
        %add3A_761 = arith.addi %broadcast_in_dim3A_759, %add3A_760 : vector<16xi32>
        %gather3A_762 = tpu.vector_load_idx %arg8[%add3A_128, %add3A_761] : memref<256x256xf32, #tpu.memory_space<vmem>>[vector<16xi32>, vector<16xi32>], vector<16xf32>,
        %mul3A_763 = arith.mulf %div3A, %gather3A_762 : vector<16xf32>
        %gather3A_764 = tpu.vector_load_idx %arg8[%add3A_137, %add3A_761] : memref<256x256xf32, #tpu.memory_space<vmem>>[vector<16xi32>, vector<16xi32>], vector<16xf32>,
        %mul3A_765 = arith.mulf %div3A_297, %gather3A_764 : vector<16xf32>
        %add3A_766 = arith.addf %mul3A_763, %mul3A_765 : vector<16xf32>
        %gather3A_767 = tpu.vector_load_idx %arg8[%add3A_146, %add3A_761] : memref<256x256xf32, #tpu.memory_space<vmem>>[vector<16xi32>, vector<16xi32>], vector<16xf32>,
        %mul3A_768 = arith.mulf %div3A_298, %gather3A_767 : vector<16xf32>
        %add3A_769 = arith.addf %add3A_766, %mul3A_768 : vector<16xf32>
        %gather3A_770 = tpu.vector_load_idx %arg8[%add3A_155, %add3A_761] : memref<256x256xf32, #tpu.memory_space<vmem>>[vector<16xi32>, vector<16xi32>], vector<16xf32>,
        %mul3A_771 = arith.mulf %div3A_299, %gather3A_770 : vector<16xf32>
        %add3A_772 = arith.addf %add3A_769, %mul3A_771 : vector<16xf32>
        %gather3A_773 = tpu.vector_load_idx %arg8[%add3A_164, %add3A_761] : memref<256x256xf32, #tpu.memory_space<vmem>>[vector<16xi32>, vector<16xi32>], vector<16xf32>,
        %mul3A_774 = arith.mulf %div3A_300, %gather3A_773 : vector<16xf32>
        %add3A_775 = arith.addf %add3A_772, %mul3A_774 : vector<16xf32>
        %gather3A_776 = tpu.vector_load_idx %arg8[%add3A_173, %add3A_761] : memref<256x256xf32, #tpu.memory_space<vmem>>[vector<16xi32>, vector<16xi32>], vector<16xf32>,
        %mul3A_777 = arith.mulf %div3A_301, %gather3A_776 : vector<16xf32>
        %add3A_778 = arith.addf %add3A_775, %mul3A_777 : vector<16xf32>
        %gather3A_779 = tpu.vector_load_idx %arg8[%add3A_182, %add3A_761] : memref<256x256xf32, #tpu.memory_space<vmem>>[vector<16xi32>, vector<16xi32>], vector<16xf32>,
        %mul3A_780 = arith.mulf %div3A_302, %gather3A_779 : vector<16xf32>
        %add3A_781 = arith.addf %add3A_778, %mul3A_780 : vector<16xf32>
        %gather3A_782 = tpu.vector_load_idx %arg8[%add3A_191, %add3A_761] : memref<256x256xf32, #tpu.memory_space<vmem>>[vector<16xi32>, vector<16xi32>], vector<16xf32>,
        %mul3A_783 = arith.mulf %div3A_303, %gather3A_782 : vector<16xf32>
        %add3A_784 = arith.addf %add3A_781, %mul3A_783 : vector<16xf32>
        %broadcast_in_dim3A_785 = arith.constant 0 : i32
        %broadcast_in_dim3A_786 = vector.broadcast %broadcast_in_dim3A_785 : i32 to vector<16xi32>
        %add3A_787 = vector.broadcast %scan3A_757 : i32 to vector<16xi32>
        %add3A_788 = arith.addi %broadcast_in_dim3A_786, %add3A_787 : vector<16xi32>
        tpu.vector_store_idx %arg11[%add3A_119, %add3A_788], %add3A_784 : memref<32x128xf32, #tpu.memory_space<vmem>>[vector<16xi32>, vector<16xi32>], vector<16xf32>,
      }
      %scan3A_309 = arith.constant 64 : i32
      %broadcast_in_dim3A_310 = arith.constant 1 : i32
      %broadcast_in_dim3A_311 = vector.broadcast %broadcast_in_dim3A_310 : i32 to vector<16xi32>
      %mul3A_312 = arith.constant 1.250000e-01 : f32
      %mul3A_313 = vector.broadcast %mul3A_312 : f32 to vector<16xf32>
      %mul3A_314 = arith.mulf %scan3A_227#8, %mul3A_313 : vector<16xf32>
      %gather3A_315 = tpu.vector_load_idx %arg9[%add3A_128, %broadcast_in_dim3A_311] : memref<256x16xf32, #tpu.memory_space<vmem>>[vector<16xi32>, vector<16xi32>], vector<16xf32>,
      %add3A_316 = arith.addf %mul3A_314, %gather3A_315 : vector<16xf32>
      %mul3A_317 = arith.constant 1.250000e-01 : f32
      %mul3A_318 = vector.broadcast %mul3A_317 : f32 to vector<16xf32>
      %mul3A_319 = arith.mulf %scan3A_227#9, %mul3A_318 : vector<16xf32>
      %gather3A_320 = tpu.vector_load_idx %arg9[%add3A_137, %broadcast_in_dim3A_311] : memref<256x16xf32, #tpu.memory_space<vmem>>[vector<16xi32>, vector<16xi32>], vector<16xf32>,
      %add3A_321 = arith.addf %mul3A_319, %gather3A_320 : vector<16xf32>
      %mul3A_322 = arith.constant 1.250000e-01 : f32
      %mul3A_323 = vector.broadcast %mul3A_322 : f32 to vector<16xf32>
      %mul3A_324 = arith.mulf %scan3A_227#10, %mul3A_323 : vector<16xf32>
      %gather3A_325 = tpu.vector_load_idx %arg9[%add3A_146, %broadcast_in_dim3A_311] : memref<256x16xf32, #tpu.memory_space<vmem>>[vector<16xi32>, vector<16xi32>], vector<16xf32>,
      %add3A_326 = arith.addf %mul3A_324, %gather3A_325 : vector<16xf32>
      %mul3A_327 = arith.constant 1.250000e-01 : f32
      %mul3A_328 = vector.broadcast %mul3A_327 : f32 to vector<16xf32>
      %mul3A_329 = arith.mulf %scan3A_227#11, %mul3A_328 : vector<16xf32>
      %gather3A_330 = tpu.vector_load_idx %arg9[%add3A_155, %broadcast_in_dim3A_311] : memref<256x16xf32, #tpu.memory_space<vmem>>[vector<16xi32>, vector<16xi32>], vector<16xf32>,
      %add3A_331 = arith.addf %mul3A_329, %gather3A_330 : vector<16xf32>
      %mul3A_332 = arith.constant 1.250000e-01 : f32
      %mul3A_333 = vector.broadcast %mul3A_332 : f32 to vector<16xf32>
      %mul3A_334 = arith.mulf %scan3A_227#12, %mul3A_333 : vector<16xf32>
      %gather3A_335 = tpu.vector_load_idx %arg9[%add3A_164, %broadcast_in_dim3A_311] : memref<256x16xf32, #tpu.memory_space<vmem>>[vector<16xi32>, vector<16xi32>], vector<16xf32>,
      %add3A_336 = arith.addf %mul3A_334, %gather3A_335 : vector<16xf32>
      %mul3A_337 = arith.constant 1.250000e-01 : f32
      %mul3A_338 = vector.broadcast %mul3A_337 : f32 to vector<16xf32>
      %mul3A_339 = arith.mulf %scan3A_227#13, %mul3A_338 : vector<16xf32>
      %gather3A_340 = tpu.vector_load_idx %arg9[%add3A_173, %broadcast_in_dim3A_311] : memref<256x16xf32, #tpu.memory_space<vmem>>[vector<16xi32>, vector<16xi32>], vector<16xf32>,
      %add3A_341 = arith.addf %mul3A_339, %gather3A_340 : vector<16xf32>
      %mul3A_342 = arith.constant 1.250000e-01 : f32
      %mul3A_343 = vector.broadcast %mul3A_342 : f32 to vector<16xf32>
      %mul3A_344 = arith.mulf %scan3A_227#14, %mul3A_343 : vector<16xf32>
      %gather3A_345 = tpu.vector_load_idx %arg9[%add3A_182, %broadcast_in_dim3A_311] : memref<256x16xf32, #tpu.memory_space<vmem>>[vector<16xi32>, vector<16xi32>], vector<16xf32>,
      %add3A_346 = arith.addf %mul3A_344, %gather3A_345 : vector<16xf32>
      %mul3A_347 = arith.constant 1.250000e-01 : f32
      %mul3A_348 = vector.broadcast %mul3A_347 : f32 to vector<16xf32>
      %mul3A_349 = arith.mulf %scan3A_227#15, %mul3A_348 : vector<16xf32>
      %gather3A_350 = tpu.vector_load_idx %arg9[%add3A_191, %broadcast_in_dim3A_311] : memref<256x16xf32, #tpu.memory_space<vmem>>[vector<16xi32>, vector<16xi32>], vector<16xf32>,
      %add3A_351 = arith.addf %mul3A_349, %gather3A_350 : vector<16xf32>
      %max3A_352 = arith.maximumf %add3A_316, %add3A_321 : vector<16xf32>
      %max3A_353 = arith.maximumf %max3A_352, %add3A_326 : vector<16xf32>
      %max3A_354 = arith.maximumf %max3A_353, %add3A_331 : vector<16xf32>
      %max3A_355 = arith.maximumf %max3A_354, %add3A_336 : vector<16xf32>
      %max3A_356 = arith.maximumf %max3A_355, %add3A_341 : vector<16xf32>
      %max3A_357 = arith.maximumf %max3A_356, %add3A_346 : vector<16xf32>
      %max3A_358 = arith.maximumf %max3A_357, %add3A_351 : vector<16xf32>
      %sub3A_359 = arith.subf %add3A_316, %max3A_358 : vector<16xf32>
      %exp3A_360 = math.exp %sub3A_359 : vector<16xf32>
      %sub3A_361 = arith.subf %add3A_321, %max3A_358 : vector<16xf32>
      %exp3A_362 = math.exp %sub3A_361 : vector<16xf32>
      %sub3A_363 = arith.subf %add3A_326, %max3A_358 : vector<16xf32>
      %exp3A_364 = math.exp %sub3A_363 : vector<16xf32>
      %sub3A_365 = arith.subf %add3A_331, %max3A_358 : vector<16xf32>
      %exp3A_366 = math.exp %sub3A_365 : vector<16xf32>
      %sub3A_367 = arith.subf %add3A_336, %max3A_358 : vector<16xf32>
      %exp3A_368 = math.exp %sub3A_367 : vector<16xf32>
      %sub3A_369 = arith.subf %add3A_341, %max3A_358 : vector<16xf32>
      %exp3A_370 = math.exp %sub3A_369 : vector<16xf32>
      %sub3A_371 = arith.subf %add3A_346, %max3A_358 : vector<16xf32>
      %exp3A_372 = math.exp %sub3A_371 : vector<16xf32>
      %sub3A_373 = arith.subf %add3A_351, %max3A_358 : vector<16xf32>
      %exp3A_374 = math.exp %sub3A_373 : vector<16xf32>
      %add3A_375 = arith.addf %exp3A_360, %exp3A_362 : vector<16xf32>
      %add3A_376 = arith.addf %add3A_375, %exp3A_364 : vector<16xf32>
      %add3A_377 = arith.addf %add3A_376, %exp3A_366 : vector<16xf32>
      %add3A_378 = arith.addf %add3A_377, %exp3A_368 : vector<16xf32>
      %add3A_379 = arith.addf %add3A_378, %exp3A_370 : vector<16xf32>
      %add3A_380 = arith.addf %add3A_379, %exp3A_372 : vector<16xf32>
      %add3A_381 = arith.addf %add3A_380, %exp3A_374 : vector<16xf32>
      %div3A_382 = arith.divf %exp3A_360, %add3A_381 : vector<16xf32>
      %div3A_383 = arith.divf %exp3A_362, %add3A_381 : vector<16xf32>
      %div3A_384 = arith.divf %exp3A_364, %add3A_381 : vector<16xf32>
      %div3A_385 = arith.divf %exp3A_366, %add3A_381 : vector<16xf32>
      %div3A_386 = arith.divf %exp3A_368, %add3A_381 : vector<16xf32>
      %div3A_387 = arith.divf %exp3A_370, %add3A_381 : vector<16xf32>
      %div3A_388 = arith.divf %exp3A_372, %add3A_381 : vector<16xf32>
      %div3A_389 = arith.divf %exp3A_374, %add3A_381 : vector<16xf32>
      %scan3A_390 = arith.constant 0 : i32
      %scan3A_391 = arith.constant 0 : i32
      %scan3A_392 = arith.constant 64 : i32
      %scan3A_393 = arith.addi %scan3A_391, %scan3A_392 : i32
      %scan3A_394 = arith.constant 1 : i32
      scf.for %scan3A_757 = %scan3A_391 to %scan3A_393 step %scan3A_394  : i32 {
        %broadcast_in_dim3A_758 = arith.constant 192 : i32
        %broadcast_in_dim3A_759 = vector.broadcast %broadcast_in_dim3A_758 : i32 to vector<16xi32>
        %add3A_760 = vector.broadcast %scan3A_757 : i32 to vector<16xi32>
        %add3A_761 = arith.addi %broadcast_in_dim3A_759, %add3A_760 : vector<16xi32>
        %gather3A_762 = tpu.vector_load_idx %arg8[%add3A_128, %add3A_761] : memref<256x256xf32, #tpu.memory_space<vmem>>[vector<16xi32>, vector<16xi32>], vector<16xf32>,
        %mul3A_763 = arith.mulf %div3A_382, %gather3A_762 : vector<16xf32>
        %gather3A_764 = tpu.vector_load_idx %arg8[%add3A_137, %add3A_761] : memref<256x256xf32, #tpu.memory_space<vmem>>[vector<16xi32>, vector<16xi32>], vector<16xf32>,
        %mul3A_765 = arith.mulf %div3A_383, %gather3A_764 : vector<16xf32>
        %add3A_766 = arith.addf %mul3A_763, %mul3A_765 : vector<16xf32>
        %gather3A_767 = tpu.vector_load_idx %arg8[%add3A_146, %add3A_761] : memref<256x256xf32, #tpu.memory_space<vmem>>[vector<16xi32>, vector<16xi32>], vector<16xf32>,
        %mul3A_768 = arith.mulf %div3A_384, %gather3A_767 : vector<16xf32>
        %add3A_769 = arith.addf %add3A_766, %mul3A_768 : vector<16xf32>
        %gather3A_770 = tpu.vector_load_idx %arg8[%add3A_155, %add3A_761] : memref<256x256xf32, #tpu.memory_space<vmem>>[vector<16xi32>, vector<16xi32>], vector<16xf32>,
        %mul3A_771 = arith.mulf %div3A_385, %gather3A_770 : vector<16xf32>
        %add3A_772 = arith.addf %add3A_769, %mul3A_771 : vector<16xf32>
        %gather3A_773 = tpu.vector_load_idx %arg8[%add3A_164, %add3A_761] : memref<256x256xf32, #tpu.memory_space<vmem>>[vector<16xi32>, vector<16xi32>], vector<16xf32>,
        %mul3A_774 = arith.mulf %div3A_386, %gather3A_773 : vector<16xf32>
        %add3A_775 = arith.addf %add3A_772, %mul3A_774 : vector<16xf32>
        %gather3A_776 = tpu.vector_load_idx %arg8[%add3A_173, %add3A_761] : memref<256x256xf32, #tpu.memory_space<vmem>>[vector<16xi32>, vector<16xi32>], vector<16xf32>,
        %mul3A_777 = arith.mulf %div3A_387, %gather3A_776 : vector<16xf32>
        %add3A_778 = arith.addf %add3A_775, %mul3A_777 : vector<16xf32>
        %gather3A_779 = tpu.vector_load_idx %arg8[%add3A_182, %add3A_761] : memref<256x256xf32, #tpu.memory_space<vmem>>[vector<16xi32>, vector<16xi32>], vector<16xf32>,
        %mul3A_780 = arith.mulf %div3A_388, %gather3A_779 : vector<16xf32>
        %add3A_781 = arith.addf %add3A_778, %mul3A_780 : vector<16xf32>
        %gather3A_782 = tpu.vector_load_idx %arg8[%add3A_191, %add3A_761] : memref<256x256xf32, #tpu.memory_space<vmem>>[vector<16xi32>, vector<16xi32>], vector<16xf32>,
        %mul3A_783 = arith.mulf %div3A_389, %gather3A_782 : vector<16xf32>
        %add3A_784 = arith.addf %add3A_781, %mul3A_783 : vector<16xf32>
        %broadcast_in_dim3A_785 = arith.constant 64 : i32
        %broadcast_in_dim3A_786 = vector.broadcast %broadcast_in_dim3A_785 : i32 to vector<16xi32>
        %add3A_787 = vector.broadcast %scan3A_757 : i32 to vector<16xi32>
        %add3A_788 = arith.addi %broadcast_in_dim3A_786, %add3A_787 : vector<16xi32>
        tpu.vector_store_idx %arg11[%add3A_119, %add3A_788], %add3A_784 : memref<32x128xf32, #tpu.memory_space<vmem>>[vector<16xi32>, vector<16xi32>], vector<16xf32>,
      }
      %scan3A_395 = arith.constant 64 : i32
      %mul3A_396 = arith.constant 16 : i32
      %mul3A_397 = arith.muli %add3A_73, %mul3A_396 : i32
      %add3A_398 = arith.addi %mul3A_2, %mul3A_397 : i32
      %dma_start3A_399 = arith.constant 0 : i32
      %dma_start3A_400 = arith.constant 0 : i32
      %dma_start3A_401 = tpu.memref_slice %arg11[%dma_start3A_399, %dma_start3A_400] : memref<32x128xf32, #tpu.memory_space<vmem>> -> memref<16x128xf32, #tpu.memory_space<vmem>>
      %dma_start3A_402 = arith.constant 0 : i32
      %dma_start3A_403 = tpu.memref_slice %arg6[%add3A_398, %dma_start3A_402] : memref<160768x128xf32, #tpu.memory_space<hbm>> -> memref<16x128xf32, #tpu.memory_space<hbm>>
      %dma_start3A_404 = arith.constant 0 : i32
      %dma_start3A_405 = tpu.memref_slice %arg6[%add3A_398, %dma_start3A_404] : memref<160768x128xf32, #tpu.memory_space<hbm>> -> memref<16x128xf32, #tpu.memory_space<hbm>>
      %dma_start3A_406 = arith.constant 0 : i32
      %dma_start3A_407 = arith.constant 0 : i32
      %dma_start3A_408 = tpu.memref_slice %arg11[%dma_start3A_406, %dma_start3A_407] : memref<32x128xf32, #tpu.memory_space<vmem>> -> memref<16x128xf32, #tpu.memory_space<vmem>>
      tpu.enqueue_dma source(%dma_start3A_408 : memref<16x128xf32, #tpu.memory_space<vmem>>) target(%dma_start3A_405 : memref<16x128xf32, #tpu.memory_space<hbm>>) target_semaphore(%arg14 : memref<!tpu.dma_semaphore, #tpu.memory_space<semaphore_mem>>)
      %add3A_409 = arith.constant 1 : i32
      %add3A_410 = arith.addi %add3A_71, %add3A_409 : i32
      %mul3A_411 = arith.constant 16 : i32
      %mul3A_412 = arith.muli %add3A_410, %mul3A_411 : i32
      %add3A_413 = arith.addi %mul3A_2, %mul3A_412 : i32
      %dma_wait3A_414 = arith.constant 1 : i32
      %dma_wait3A_415 = arith.constant 0 : i32
      %dma_wait3A_416 = arith.constant 128 : i32
      %dma_wait3A_417 = arith.constant 0 : i32
      %dma_wait3A_418 = tpu.memref_slice %arg8[%dma_wait3A_416, %dma_wait3A_417] : memref<256x256xf32, #tpu.memory_space<vmem>> -> memref<128x256xf32, #tpu.memory_space<vmem>>
      %dma_wait3A_419 = arith.constant 0 : i32
      %dma_wait3A_420 = tpu.memref_slice %arg7[%dma_wait3A_414, %dma_wait3A_415, %dma_wait3A_419] : memref<2x2x128xi32, #tpu.memory_space<vmem>> -> memref<1x1x128xi32, #tpu.memory_space<vmem>>
      %dma_wait3A_421 = tpu.memref_squeeze %dma_wait3A_420 : memref<1x1x128xi32, #tpu.memory_space<vmem>> -> memref<128xi32, #tpu.memory_space<vmem>>
      %dma_wait3A_422 = arith.constant 0 : i32
      %dma_wait3A_423 = arith.constant 0 : i32
      %dma_wait3A_424 = tpu.memref_slice %arg3[%dma_wait3A_422, %dma_wait3A_423] : memref<160768x256xf32, #tpu.memory_space<hbm>> -> memref<160768x256xf32, #tpu.memory_space<hbm>>
      tpu.wait_indirect_dma semaphore(%arg13 : memref<!tpu.dma_semaphore, #tpu.memory_space<semaphore_mem>>) src(%dma_wait3A_424 : memref<160768x256xf32, #tpu.memory_space<hbm>>) dst(%dma_wait3A_418 : memref<128x256xf32, #tpu.memory_space<vmem>>)
      %dma_wait3A_425 = arith.constant 1 : i32
      %dma_wait3A_426 = arith.constant 1 : i32
      %dma_wait3A_427 = arith.constant 128 : i32
      %dma_wait3A_428 = arith.constant 0 : i32
      %dma_wait3A_429 = tpu.memref_slice %arg9[%dma_wait3A_427, %dma_wait3A_428] : memref<256x16xf32, #tpu.memory_space<vmem>> -> memref<128x16xf32, #tpu.memory_space<vmem>>
      %dma_wait3A_430 = arith.constant 0 : i32
      %dma_wait3A_431 = tpu.memref_slice %arg7[%dma_wait3A_425, %dma_wait3A_426, %dma_wait3A_430] : memref<2x2x128xi32, #tpu.memory_space<vmem>> -> memref<1x1x128xi32, #tpu.memory_space<vmem>>
      %dma_wait3A_432 = tpu.memref_squeeze %dma_wait3A_431 : memref<1x1x128xi32, #tpu.memory_space<vmem>> -> memref<128xi32, #tpu.memory_space<vmem>>
      %dma_wait3A_433 = arith.constant 0 : i32
      %dma_wait3A_434 = arith.constant 0 : i32
      %dma_wait3A_435 = tpu.memref_slice %arg4[%dma_wait3A_433, %dma_wait3A_434] : memref<160768x16xf32, #tpu.memory_space<hbm>> -> memref<160768x16xf32, #tpu.memory_space<hbm>>
      tpu.wait_indirect_dma semaphore(%arg13 : memref<!tpu.dma_semaphore, #tpu.memory_space<semaphore_mem>>) src(%dma_wait3A_435 : memref<160768x16xf32, #tpu.memory_space<hbm>>) dst(%dma_wait3A_429 : memref<128x16xf32, #tpu.memory_space<vmem>>)
      %dma_wait3A_436 = arith.constant 16 : i32
      %dma_wait3A_437 = arith.constant 0 : i32
      %dma_wait3A_438 = tpu.memref_slice %arg10[%dma_wait3A_436, %dma_wait3A_437] : memref<32x128xf32, #tpu.memory_space<vmem>> -> memref<16x128xf32, #tpu.memory_space<vmem>>
      %dma_wait3A_439 = arith.constant 0 : i32
      %dma_wait3A_440 = tpu.memref_slice %arg2[%add3A_413, %dma_wait3A_439] : memref<160768x128xf32, #tpu.memory_space<hbm>> -> memref<16x128xf32, #tpu.memory_space<hbm>>
      %dma_wait3A_441 = arith.constant 16 : i32
      %dma_wait3A_442 = arith.constant 0 : i32
      %dma_wait3A_443 = tpu.memref_slice %arg10[%dma_wait3A_441, %dma_wait3A_442] : memref<32x128xf32, #tpu.memory_space<vmem>> -> memref<16x128xf32, #tpu.memory_space<vmem>>
      %dma_wait3A_444 = arith.constant 0 : i32
      %dma_wait3A_445 = tpu.memref_slice %arg2[%add3A_413, %dma_wait3A_444] : memref<160768x128xf32, #tpu.memory_space<hbm>> -> memref<16x128xf32, #tpu.memory_space<hbm>>
      tpu.wait_dma2 semaphore(%arg13 : memref<!tpu.dma_semaphore, #tpu.memory_space<semaphore_mem>>) src(%dma_wait3A_445 : memref<16x128xf32, #tpu.memory_space<hbm>>) dst(%dma_wait3A_443 : memref<16x128xf32, #tpu.memory_space<vmem>>)
      %add3A_446 = arith.constant 1 : i32
      %add3A_447 = arith.addi %add3A_410, %add3A_446 : i32
      %lt3A_448 = arith.constant 314 : i32
      %lt3A_449 = arith.cmpi slt, %add3A_447, %lt3A_448 : i32
      %convert_element_type3A_450 = arith.extui %lt3A_449 : i1 to i32
      %cond3A_451 = arith.constant 0 : i32
      %cond3A_452 = arith.cmpi ne, %convert_element_type3A_450, %cond3A_451 : i32
      scf.if %cond3A_452 {
        %add3A_757 = arith.constant 1 : i32
        %add3A_758 = arith.addi %add3A_410, %add3A_757 : i32
        %add3A_759 = arith.addi %mul3A_4, %add3A_758 : i32
        "tpu.region"() ({
          %run_scoped3A = tpu.sem_alloc : memref<!tpu.dma_semaphore, #tpu.memory_space<semaphore_mem>>
          %dma_start3A_795 = arith.constant 0 : i32
          %dma_start3A_796 = arith.constant 0 : i32
          %dma_start3A_797 = arith.constant 0 : i32
          %dma_start3A_798 = tpu.memref_slice %arg7[%dma_start3A_795, %dma_start3A_796, %dma_start3A_797] : memref<2x2x128xi32, #tpu.memory_space<vmem>> -> memref<1x2x128xi32, #tpu.memory_space<vmem>>
          %dma_start3A_799 = arith.constant 0 : i32
          %dma_start3A_800 = arith.constant 0 : i32
          %dma_start3A_801 = tpu.memref_slice %arg5[%add3A_759, %dma_start3A_799, %dma_start3A_800] : memref<10048x2x128xi32, #tpu.memory_space<hbm>> -> memref<1x2x128xi32, #tpu.memory_space<hbm>>
          %dma_start3A_802 = arith.constant 0 : i32
          %dma_start3A_803 = arith.constant 0 : i32
          %dma_start3A_804 = arith.constant 0 : i32
          %dma_start3A_805 = tpu.memref_slice %arg7[%dma_start3A_802, %dma_start3A_803, %dma_start3A_804] : memref<2x2x128xi32, #tpu.memory_space<vmem>> -> memref<1x2x128xi32, #tpu.memory_space<vmem>>
          %dma_start3A_806 = arith.constant 0 : i32
          %dma_start3A_807 = arith.constant 0 : i32
          %dma_start3A_808 = tpu.memref_slice %arg5[%add3A_759, %dma_start3A_806, %dma_start3A_807] : memref<10048x2x128xi32, #tpu.memory_space<hbm>> -> memref<1x2x128xi32, #tpu.memory_space<hbm>>
          tpu.enqueue_dma source(%dma_start3A_808 : memref<1x2x128xi32, #tpu.memory_space<hbm>>) target(%dma_start3A_805 : memref<1x2x128xi32, #tpu.memory_space<vmem>>) target_semaphore(%run_scoped3A : memref<!tpu.dma_semaphore, #tpu.memory_space<semaphore_mem>>)
          %dma_wait3A_809 = arith.constant 0 : i32
          %dma_wait3A_810 = arith.constant 0 : i32
          %dma_wait3A_811 = arith.constant 0 : i32
          %dma_wait3A_812 = tpu.memref_slice %arg7[%dma_wait3A_809, %dma_wait3A_810, %dma_wait3A_811] : memref<2x2x128xi32, #tpu.memory_space<vmem>> -> memref<1x2x128xi32, #tpu.memory_space<vmem>>
          %dma_wait3A_813 = arith.constant 0 : i32
          %dma_wait3A_814 = arith.constant 0 : i32
          %dma_wait3A_815 = tpu.memref_slice %arg5[%add3A_759, %dma_wait3A_813, %dma_wait3A_814] : memref<10048x2x128xi32, #tpu.memory_space<hbm>> -> memref<1x2x128xi32, #tpu.memory_space<hbm>>
          %dma_wait3A_816 = arith.constant 0 : i32
          %dma_wait3A_817 = arith.constant 0 : i32
          %dma_wait3A_818 = arith.constant 0 : i32
          %dma_wait3A_819 = tpu.memref_slice %arg7[%dma_wait3A_816, %dma_wait3A_817, %dma_wait3A_818] : memref<2x2x128xi32, #tpu.memory_space<vmem>> -> memref<1x2x128xi32, #tpu.memory_space<vmem>>
          %dma_wait3A_820 = arith.constant 0 : i32
          %dma_wait3A_821 = arith.constant 0 : i32
          %dma_wait3A_822 = tpu.memref_slice %arg5[%add3A_759, %dma_wait3A_820, %dma_wait3A_821] : memref<10048x2x128xi32, #tpu.memory_space<hbm>> -> memref<1x2x128xi32, #tpu.memory_space<hbm>>
          tpu.wait_dma2 semaphore(%run_scoped3A : memref<!tpu.dma_semaphore, #tpu.memory_space<semaphore_mem>>) src(%dma_wait3A_822 : memref<1x2x128xi32, #tpu.memory_space<hbm>>) dst(%dma_wait3A_819 : memref<1x2x128xi32, #tpu.memory_space<vmem>>)
          tpu.yield
        }) : () -> ()
        %mul3A_760 = arith.constant 16 : i32
        %mul3A_761 = arith.muli %add3A_758, %mul3A_760 : i32
        %add3A_762 = arith.addi %mul3A_2, %mul3A_761 : i32
        %dma_start3A_763 = arith.constant 0 : i32
        %dma_start3A_764 = arith.constant 0 : i32
        %dma_start3A_765 = arith.constant 0 : i32
        %dma_start3A_766 = arith.constant 0 : i32
        %dma_start3A_767 = tpu.memref_slice %arg8[%dma_start3A_765, %dma_start3A_766] : memref<256x256xf32, #tpu.memory_space<vmem>> -> memref<128x256xf32, #tpu.memory_space<vmem>>
        %dma_start3A_768 = arith.constant 0 : i32
        %dma_start3A_769 = tpu.memref_slice %arg7[%dma_start3A_763, %dma_start3A_764, %dma_start3A_768] : memref<2x2x128xi32, #tpu.memory_space<vmem>> -> memref<1x1x128xi32, #tpu.memory_space<vmem>>
        %dma_start3A_770 = tpu.memref_squeeze %dma_start3A_769 : memref<1x1x128xi32, #tpu.memory_space<vmem>> -> memref<128xi32, #tpu.memory_space<vmem>>
        %dma_start3A_771 = arith.constant 0 : i32
        %dma_start3A_772 = arith.constant 0 : i32
        %dma_start3A_773 = tpu.memref_slice %arg3[%dma_start3A_771, %dma_start3A_772] : memref<160768x256xf32, #tpu.memory_space<hbm>> -> memref<160768x256xf32, #tpu.memory_space<hbm>>
        tpu.enqueue_indirect_dma source(%dma_start3A_773 : memref<160768x256xf32, #tpu.memory_space<hbm>>) target(%dma_start3A_767 : memref<128x256xf32, #tpu.memory_space<vmem>>) offsets(%dma_start3A_770 : memref<128xi32, #tpu.memory_space<vmem>>) semaphore(%arg12 : memref<!tpu.dma_semaphore, #tpu.memory_space<semaphore_mem>>)
        %dma_start3A_774 = arith.constant 0 : i32
        %dma_start3A_775 = arith.constant 1 : i32
        %dma_start3A_776 = arith.constant 0 : i32
        %dma_start3A_777 = arith.constant 0 : i32
        %dma_start3A_778 = tpu.memref_slice %arg9[%dma_start3A_776, %dma_start3A_777] : memref<256x16xf32, #tpu.memory_space<vmem>> -> memref<128x16xf32, #tpu.memory_space<vmem>>
        %dma_start3A_779 = arith.constant 0 : i32
        %dma_start3A_780 = tpu.memref_slice %arg7[%dma_start3A_774, %dma_start3A_775, %dma_start3A_779] : memref<2x2x128xi32, #tpu.memory_space<vmem>> -> memref<1x1x128xi32, #tpu.memory_space<vmem>>
        %dma_start3A_781 = tpu.memref_squeeze %dma_start3A_780 : memref<1x1x128xi32, #tpu.memory_space<vmem>> -> memref<128xi32, #tpu.memory_space<vmem>>
        %dma_start3A_782 = arith.constant 0 : i32
        %dma_start3A_783 = arith.constant 0 : i32
        %dma_start3A_784 = tpu.memref_slice %arg4[%dma_start3A_782, %dma_start3A_783] : memref<160768x16xf32, #tpu.memory_space<hbm>> -> memref<160768x16xf32, #tpu.memory_space<hbm>>
        tpu.enqueue_indirect_dma source(%dma_start3A_784 : memref<160768x16xf32, #tpu.memory_space<hbm>>) target(%dma_start3A_778 : memref<128x16xf32, #tpu.memory_space<vmem>>) offsets(%dma_start3A_781 : memref<128xi32, #tpu.memory_space<vmem>>) semaphore(%arg12 : memref<!tpu.dma_semaphore, #tpu.memory_space<semaphore_mem>>)
        %dma_start3A_785 = arith.constant 0 : i32
        %dma_start3A_786 = arith.constant 0 : i32
        %dma_start3A_787 = tpu.memref_slice %arg10[%dma_start3A_785, %dma_start3A_786] : memref<32x128xf32, #tpu.memory_space<vmem>> -> memref<16x128xf32, #tpu.memory_space<vmem>>
        %dma_start3A_788 = arith.constant 0 : i32
        %dma_start3A_789 = tpu.memref_slice %arg2[%add3A_762, %dma_start3A_788] : memref<160768x128xf32, #tpu.memory_space<hbm>> -> memref<16x128xf32, #tpu.memory_space<hbm>>
        %dma_start3A_790 = arith.constant 0 : i32
        %dma_start3A_791 = arith.constant 0 : i32
        %dma_start3A_792 = tpu.memref_slice %arg10[%dma_start3A_790, %dma_start3A_791] : memref<32x128xf32, #tpu.memory_space<vmem>> -> memref<16x128xf32, #tpu.memory_space<vmem>>
        %dma_start3A_793 = arith.constant 0 : i32
        %dma_start3A_794 = tpu.memref_slice %arg2[%add3A_762, %dma_start3A_793] : memref<160768x128xf32, #tpu.memory_space<hbm>> -> memref<16x128xf32, #tpu.memory_space<hbm>>
        tpu.enqueue_dma source(%dma_start3A_794 : memref<16x128xf32, #tpu.memory_space<hbm>>) target(%dma_start3A_792 : memref<16x128xf32, #tpu.memory_space<vmem>>) target_semaphore(%arg12 : memref<!tpu.dma_semaphore, #tpu.memory_space<semaphore_mem>>)
      } else {
      }
      %ge3A_453 = arith.constant 2 : i32
      %ge3A_454 = arith.cmpi sge, %add3A_410, %ge3A_453 : i32
      %convert_element_type3A_455 = arith.extui %ge3A_454 : i1 to i32
      %cond3A_456 = arith.constant 0 : i32
      %cond3A_457 = arith.cmpi ne, %convert_element_type3A_455, %cond3A_456 : i32
      scf.if %cond3A_457 {
        %mul3A_757 = arith.constant 16 : i32
        %mul3A_758 = arith.muli %add3A_410, %mul3A_757 : i32
        %add3A_759 = arith.addi %mul3A_2, %mul3A_758 : i32
        %dma_wait3A_760 = arith.constant 16 : i32
        %dma_wait3A_761 = arith.constant 0 : i32
        %dma_wait3A_762 = tpu.memref_slice %arg11[%dma_wait3A_760, %dma_wait3A_761] : memref<32x128xf32, #tpu.memory_space<vmem>> -> memref<16x128xf32, #tpu.memory_space<vmem>>
        %dma_wait3A_763 = arith.constant 0 : i32
        %dma_wait3A_764 = tpu.memref_slice %arg6[%add3A_759, %dma_wait3A_763] : memref<160768x128xf32, #tpu.memory_space<hbm>> -> memref<16x128xf32, #tpu.memory_space<hbm>>
        %dma_wait3A_765 = arith.constant 0 : i32
        %dma_wait3A_766 = tpu.memref_slice %arg6[%add3A_759, %dma_wait3A_765] : memref<160768x128xf32, #tpu.memory_space<hbm>> -> memref<16x128xf32, #tpu.memory_space<hbm>>
        %dma_wait3A_767 = arith.constant 16 : i32
        %dma_wait3A_768 = arith.constant 0 : i32
        %dma_wait3A_769 = tpu.memref_slice %arg11[%dma_wait3A_767, %dma_wait3A_768] : memref<32x128xf32, #tpu.memory_space<vmem>> -> memref<16x128xf32, #tpu.memory_space<vmem>>
        tpu.wait_dma2 semaphore(%arg15 : memref<!tpu.dma_semaphore, #tpu.memory_space<semaphore_mem>>) src(%dma_wait3A_769 : memref<16x128xf32, #tpu.memory_space<vmem>>) dst(%dma_wait3A_766 : memref<16x128xf32, #tpu.memory_space<hbm>>)
      } else {
      }
      %iota3A_458 = tpu.iota {dimensions = array<i32: 0>} : vector<16xi32>
      %add3A_459 = arith.constant 16 : i32
      %add3A_460 = vector.broadcast %add3A_459 : i32 to vector<16xi32>
      %add3A_461 = arith.addi %add3A_460, %iota3A_458 : vector<16xi32>
      %mul3A_462 = arith.constant 8 : i32
      %mul3A_463 = vector.broadcast %mul3A_462 : i32 to vector<16xi32>
      %mul3A_464 = arith.muli %iota3A_458, %mul3A_463 : vector<16xi32>
      %add3A_465 = arith.constant 128 : i32
      %add3A_466 = vector.broadcast %add3A_465 : i32 to vector<16xi32>
      %add3A_467 = arith.addi %add3A_466, %mul3A_464 : vector<16xi32>
      %add3A_468 = arith.constant 0 : i32
      %add3A_469 = vector.broadcast %add3A_468 : i32 to vector<16xi32>
      %add3A_470 = arith.addi %add3A_467, %add3A_469 : vector<16xi32>
      %mul3A_471 = arith.constant 8 : i32
      %mul3A_472 = vector.broadcast %mul3A_471 : i32 to vector<16xi32>
      %mul3A_473 = arith.muli %iota3A_458, %mul3A_472 : vector<16xi32>
      %add3A_474 = arith.constant 128 : i32
      %add3A_475 = vector.broadcast %add3A_474 : i32 to vector<16xi32>
      %add3A_476 = arith.addi %add3A_475, %mul3A_473 : vector<16xi32>
      %add3A_477 = arith.constant 1 : i32
      %add3A_478 = vector.broadcast %add3A_477 : i32 to vector<16xi32>
      %add3A_479 = arith.addi %add3A_476, %add3A_478 : vector<16xi32>
      %mul3A_480 = arith.constant 8 : i32
      %mul3A_481 = vector.broadcast %mul3A_480 : i32 to vector<16xi32>
      %mul3A_482 = arith.muli %iota3A_458, %mul3A_481 : vector<16xi32>
      %add3A_483 = arith.constant 128 : i32
      %add3A_484 = vector.broadcast %add3A_483 : i32 to vector<16xi32>
      %add3A_485 = arith.addi %add3A_484, %mul3A_482 : vector<16xi32>
      %add3A_486 = arith.constant 2 : i32
      %add3A_487 = vector.broadcast %add3A_486 : i32 to vector<16xi32>
      %add3A_488 = arith.addi %add3A_485, %add3A_487 : vector<16xi32>
      %mul3A_489 = arith.constant 8 : i32
      %mul3A_490 = vector.broadcast %mul3A_489 : i32 to vector<16xi32>
      %mul3A_491 = arith.muli %iota3A_458, %mul3A_490 : vector<16xi32>
      %add3A_492 = arith.constant 128 : i32
      %add3A_493 = vector.broadcast %add3A_492 : i32 to vector<16xi32>
      %add3A_494 = arith.addi %add3A_493, %mul3A_491 : vector<16xi32>
      %add3A_495 = arith.constant 3 : i32
      %add3A_496 = vector.broadcast %add3A_495 : i32 to vector<16xi32>
      %add3A_497 = arith.addi %add3A_494, %add3A_496 : vector<16xi32>
      %mul3A_498 = arith.constant 8 : i32
      %mul3A_499 = vector.broadcast %mul3A_498 : i32 to vector<16xi32>
      %mul3A_500 = arith.muli %iota3A_458, %mul3A_499 : vector<16xi32>
      %add3A_501 = arith.constant 128 : i32
      %add3A_502 = vector.broadcast %add3A_501 : i32 to vector<16xi32>
      %add3A_503 = arith.addi %add3A_502, %mul3A_500 : vector<16xi32>
      %add3A_504 = arith.constant 4 : i32
      %add3A_505 = vector.broadcast %add3A_504 : i32 to vector<16xi32>
      %add3A_506 = arith.addi %add3A_503, %add3A_505 : vector<16xi32>
      %mul3A_507 = arith.constant 8 : i32
      %mul3A_508 = vector.broadcast %mul3A_507 : i32 to vector<16xi32>
      %mul3A_509 = arith.muli %iota3A_458, %mul3A_508 : vector<16xi32>
      %add3A_510 = arith.constant 128 : i32
      %add3A_511 = vector.broadcast %add3A_510 : i32 to vector<16xi32>
      %add3A_512 = arith.addi %add3A_511, %mul3A_509 : vector<16xi32>
      %add3A_513 = arith.constant 5 : i32
      %add3A_514 = vector.broadcast %add3A_513 : i32 to vector<16xi32>
      %add3A_515 = arith.addi %add3A_512, %add3A_514 : vector<16xi32>
      %mul3A_516 = arith.constant 8 : i32
      %mul3A_517 = vector.broadcast %mul3A_516 : i32 to vector<16xi32>
      %mul3A_518 = arith.muli %iota3A_458, %mul3A_517 : vector<16xi32>
      %add3A_519 = arith.constant 128 : i32
      %add3A_520 = vector.broadcast %add3A_519 : i32 to vector<16xi32>
      %add3A_521 = arith.addi %add3A_520, %mul3A_518 : vector<16xi32>
      %add3A_522 = arith.constant 6 : i32
      %add3A_523 = vector.broadcast %add3A_522 : i32 to vector<16xi32>
      %add3A_524 = arith.addi %add3A_521, %add3A_523 : vector<16xi32>
      %mul3A_525 = arith.constant 8 : i32
      %mul3A_526 = vector.broadcast %mul3A_525 : i32 to vector<16xi32>
      %mul3A_527 = arith.muli %iota3A_458, %mul3A_526 : vector<16xi32>
      %add3A_528 = arith.constant 128 : i32
      %add3A_529 = vector.broadcast %add3A_528 : i32 to vector<16xi32>
      %add3A_530 = arith.addi %add3A_529, %mul3A_527 : vector<16xi32>
      %add3A_531 = arith.constant 7 : i32
      %add3A_532 = vector.broadcast %add3A_531 : i32 to vector<16xi32>
      %add3A_533 = arith.addi %add3A_530, %add3A_532 : vector<16xi32>
      %broadcast_in_dim3A_534 = arith.constant 0.000000e+00 : f32
      %broadcast_in_dim3A_535 = vector.broadcast %broadcast_in_dim3A_534 : f32 to vector<16xf32>
      %broadcast_in_dim3A_536 = arith.constant 0.000000e+00 : f32
      %broadcast_in_dim3A_537 = vector.broadcast %broadcast_in_dim3A_536 : f32 to vector<16xf32>
      %broadcast_in_dim3A_538 = arith.constant 0.000000e+00 : f32
      %broadcast_in_dim3A_539 = vector.broadcast %broadcast_in_dim3A_538 : f32 to vector<16xf32>
      %broadcast_in_dim3A_540 = arith.constant 0.000000e+00 : f32
      %broadcast_in_dim3A_541 = vector.broadcast %broadcast_in_dim3A_540 : f32 to vector<16xf32>
      %broadcast_in_dim3A_542 = arith.constant 0.000000e+00 : f32
      %broadcast_in_dim3A_543 = vector.broadcast %broadcast_in_dim3A_542 : f32 to vector<16xf32>
      %broadcast_in_dim3A_544 = arith.constant 0.000000e+00 : f32
      %broadcast_in_dim3A_545 = vector.broadcast %broadcast_in_dim3A_544 : f32 to vector<16xf32>
      %broadcast_in_dim3A_546 = arith.constant 0.000000e+00 : f32
      %broadcast_in_dim3A_547 = vector.broadcast %broadcast_in_dim3A_546 : f32 to vector<16xf32>
      %broadcast_in_dim3A_548 = arith.constant 0.000000e+00 : f32
      %broadcast_in_dim3A_549 = vector.broadcast %broadcast_in_dim3A_548 : f32 to vector<16xf32>
      %broadcast_in_dim3A_550 = arith.constant 0.000000e+00 : f32
      %broadcast_in_dim3A_551 = vector.broadcast %broadcast_in_dim3A_550 : f32 to vector<16xf32>
      %broadcast_in_dim3A_552 = arith.constant 0.000000e+00 : f32
      %broadcast_in_dim3A_553 = vector.broadcast %broadcast_in_dim3A_552 : f32 to vector<16xf32>
      %broadcast_in_dim3A_554 = arith.constant 0.000000e+00 : f32
      %broadcast_in_dim3A_555 = vector.broadcast %broadcast_in_dim3A_554 : f32 to vector<16xf32>
      %broadcast_in_dim3A_556 = arith.constant 0.000000e+00 : f32
      %broadcast_in_dim3A_557 = vector.broadcast %broadcast_in_dim3A_556 : f32 to vector<16xf32>
      %broadcast_in_dim3A_558 = arith.constant 0.000000e+00 : f32
      %broadcast_in_dim3A_559 = vector.broadcast %broadcast_in_dim3A_558 : f32 to vector<16xf32>
      %broadcast_in_dim3A_560 = arith.constant 0.000000e+00 : f32
      %broadcast_in_dim3A_561 = vector.broadcast %broadcast_in_dim3A_560 : f32 to vector<16xf32>
      %broadcast_in_dim3A_562 = arith.constant 0.000000e+00 : f32
      %broadcast_in_dim3A_563 = vector.broadcast %broadcast_in_dim3A_562 : f32 to vector<16xf32>
      %broadcast_in_dim3A_564 = arith.constant 0.000000e+00 : f32
      %broadcast_in_dim3A_565 = vector.broadcast %broadcast_in_dim3A_564 : f32 to vector<16xf32>
      %scan3A_566 = arith.constant 0 : i32
      %scan3A_567 = arith.constant 64 : i32
      %scan3A_568 = arith.addi %scan3A_566, %scan3A_567 : i32
      %scan3A_569 = arith.constant 1 : i32
      %scan3A_570:16 = scf.for %scan3A_757 = %scan3A_566 to %scan3A_568 step %scan3A_569 iter_args(%scan3A_758 = %broadcast_in_dim3A_535, %scan3A_759 = %broadcast_in_dim3A_537, %scan3A_760 = %broadcast_in_dim3A_539, %scan3A_761 = %broadcast_in_dim3A_541, %scan3A_762 = %broadcast_in_dim3A_543, %scan3A_763 = %broadcast_in_dim3A_545, %scan3A_764 = %broadcast_in_dim3A_547, %scan3A_765 = %broadcast_in_dim3A_549, %scan3A_766 = %broadcast_in_dim3A_551, %scan3A_767 = %broadcast_in_dim3A_553, %scan3A_768 = %broadcast_in_dim3A_555, %scan3A_769 = %broadcast_in_dim3A_557, %scan3A_770 = %broadcast_in_dim3A_559, %scan3A_771 = %broadcast_in_dim3A_561, %scan3A_772 = %broadcast_in_dim3A_563, %scan3A_773 = %broadcast_in_dim3A_565) -> (vector<16xf32>, vector<16xf32>, vector<16xf32>, vector<16xf32>, vector<16xf32>, vector<16xf32>, vector<16xf32>, vector<16xf32>, vector<16xf32>, vector<16xf32>, vector<16xf32>, vector<16xf32>, vector<16xf32>, vector<16xf32>, vector<16xf32>, vector<16xf32>)  : i32 {
        %broadcast_in_dim3A_774 = arith.constant 0 : i32
        %broadcast_in_dim3A_775 = vector.broadcast %broadcast_in_dim3A_774 : i32 to vector<16xi32>
        %add3A_776 = vector.broadcast %scan3A_757 : i32 to vector<16xi32>
        %add3A_777 = arith.addi %broadcast_in_dim3A_775, %add3A_776 : vector<16xi32>
        %gather3A_778 = tpu.vector_load_idx %arg10[%add3A_461, %add3A_777] : memref<32x128xf32, #tpu.memory_space<vmem>>[vector<16xi32>, vector<16xi32>], vector<16xf32>,
        %gather3A_779 = tpu.vector_load_idx %arg8[%add3A_470, %add3A_777] : memref<256x256xf32, #tpu.memory_space<vmem>>[vector<16xi32>, vector<16xi32>], vector<16xf32>,
        %mul3A_780 = arith.mulf %gather3A_778, %gather3A_779 : vector<16xf32>
        %add3A_781 = arith.addf %scan3A_758, %mul3A_780 : vector<16xf32>
        %gather3A_782 = tpu.vector_load_idx %arg8[%add3A_479, %add3A_777] : memref<256x256xf32, #tpu.memory_space<vmem>>[vector<16xi32>, vector<16xi32>], vector<16xf32>,
        %mul3A_783 = arith.mulf %gather3A_778, %gather3A_782 : vector<16xf32>
        %add3A_784 = arith.addf %scan3A_759, %mul3A_783 : vector<16xf32>
        %gather3A_785 = tpu.vector_load_idx %arg8[%add3A_488, %add3A_777] : memref<256x256xf32, #tpu.memory_space<vmem>>[vector<16xi32>, vector<16xi32>], vector<16xf32>,
        %mul3A_786 = arith.mulf %gather3A_778, %gather3A_785 : vector<16xf32>
        %add3A_787 = arith.addf %scan3A_760, %mul3A_786 : vector<16xf32>
        %gather3A_788 = tpu.vector_load_idx %arg8[%add3A_497, %add3A_777] : memref<256x256xf32, #tpu.memory_space<vmem>>[vector<16xi32>, vector<16xi32>], vector<16xf32>,
        %mul3A_789 = arith.mulf %gather3A_778, %gather3A_788 : vector<16xf32>
        %add3A_790 = arith.addf %scan3A_761, %mul3A_789 : vector<16xf32>
        %gather3A_791 = tpu.vector_load_idx %arg8[%add3A_506, %add3A_777] : memref<256x256xf32, #tpu.memory_space<vmem>>[vector<16xi32>, vector<16xi32>], vector<16xf32>,
        %mul3A_792 = arith.mulf %gather3A_778, %gather3A_791 : vector<16xf32>
        %add3A_793 = arith.addf %scan3A_762, %mul3A_792 : vector<16xf32>
        %gather3A_794 = tpu.vector_load_idx %arg8[%add3A_515, %add3A_777] : memref<256x256xf32, #tpu.memory_space<vmem>>[vector<16xi32>, vector<16xi32>], vector<16xf32>,
        %mul3A_795 = arith.mulf %gather3A_778, %gather3A_794 : vector<16xf32>
        %add3A_796 = arith.addf %scan3A_763, %mul3A_795 : vector<16xf32>
        %gather3A_797 = tpu.vector_load_idx %arg8[%add3A_524, %add3A_777] : memref<256x256xf32, #tpu.memory_space<vmem>>[vector<16xi32>, vector<16xi32>], vector<16xf32>,
        %mul3A_798 = arith.mulf %gather3A_778, %gather3A_797 : vector<16xf32>
        %add3A_799 = arith.addf %scan3A_764, %mul3A_798 : vector<16xf32>
        %gather3A_800 = tpu.vector_load_idx %arg8[%add3A_533, %add3A_777] : memref<256x256xf32, #tpu.memory_space<vmem>>[vector<16xi32>, vector<16xi32>], vector<16xf32>,
        %mul3A_801 = arith.mulf %gather3A_778, %gather3A_800 : vector<16xf32>
        %add3A_802 = arith.addf %scan3A_765, %mul3A_801 : vector<16xf32>
        %broadcast_in_dim3A_803 = arith.constant 64 : i32
        %broadcast_in_dim3A_804 = vector.broadcast %broadcast_in_dim3A_803 : i32 to vector<16xi32>
        %add3A_805 = vector.broadcast %scan3A_757 : i32 to vector<16xi32>
        %add3A_806 = arith.addi %broadcast_in_dim3A_804, %add3A_805 : vector<16xi32>
        %gather3A_807 = tpu.vector_load_idx %arg10[%add3A_461, %add3A_806] : memref<32x128xf32, #tpu.memory_space<vmem>>[vector<16xi32>, vector<16xi32>], vector<16xf32>,
        %gather3A_808 = tpu.vector_load_idx %arg8[%add3A_470, %add3A_806] : memref<256x256xf32, #tpu.memory_space<vmem>>[vector<16xi32>, vector<16xi32>], vector<16xf32>,
        %mul3A_809 = arith.mulf %gather3A_807, %gather3A_808 : vector<16xf32>
        %add3A_810 = arith.addf %scan3A_766, %mul3A_809 : vector<16xf32>
        %gather3A_811 = tpu.vector_load_idx %arg8[%add3A_479, %add3A_806] : memref<256x256xf32, #tpu.memory_space<vmem>>[vector<16xi32>, vector<16xi32>], vector<16xf32>,
        %mul3A_812 = arith.mulf %gather3A_807, %gather3A_811 : vector<16xf32>
        %add3A_813 = arith.addf %scan3A_767, %mul3A_812 : vector<16xf32>
        %gather3A_814 = tpu.vector_load_idx %arg8[%add3A_488, %add3A_806] : memref<256x256xf32, #tpu.memory_space<vmem>>[vector<16xi32>, vector<16xi32>], vector<16xf32>,
        %mul3A_815 = arith.mulf %gather3A_807, %gather3A_814 : vector<16xf32>
        %add3A_816 = arith.addf %scan3A_768, %mul3A_815 : vector<16xf32>
        %gather3A_817 = tpu.vector_load_idx %arg8[%add3A_497, %add3A_806] : memref<256x256xf32, #tpu.memory_space<vmem>>[vector<16xi32>, vector<16xi32>], vector<16xf32>,
        %mul3A_818 = arith.mulf %gather3A_807, %gather3A_817 : vector<16xf32>
        %add3A_819 = arith.addf %scan3A_769, %mul3A_818 : vector<16xf32>
        %gather3A_820 = tpu.vector_load_idx %arg8[%add3A_506, %add3A_806] : memref<256x256xf32, #tpu.memory_space<vmem>>[vector<16xi32>, vector<16xi32>], vector<16xf32>,
        %mul3A_821 = arith.mulf %gather3A_807, %gather3A_820 : vector<16xf32>
        %add3A_822 = arith.addf %scan3A_770, %mul3A_821 : vector<16xf32>
        %gather3A_823 = tpu.vector_load_idx %arg8[%add3A_515, %add3A_806] : memref<256x256xf32, #tpu.memory_space<vmem>>[vector<16xi32>, vector<16xi32>], vector<16xf32>,
        %mul3A_824 = arith.mulf %gather3A_807, %gather3A_823 : vector<16xf32>
        %add3A_825 = arith.addf %scan3A_771, %mul3A_824 : vector<16xf32>
        %gather3A_826 = tpu.vector_load_idx %arg8[%add3A_524, %add3A_806] : memref<256x256xf32, #tpu.memory_space<vmem>>[vector<16xi32>, vector<16xi32>], vector<16xf32>,
        %mul3A_827 = arith.mulf %gather3A_807, %gather3A_826 : vector<16xf32>
        %add3A_828 = arith.addf %scan3A_772, %mul3A_827 : vector<16xf32>
        %gather3A_829 = tpu.vector_load_idx %arg8[%add3A_533, %add3A_806] : memref<256x256xf32, #tpu.memory_space<vmem>>[vector<16xi32>, vector<16xi32>], vector<16xf32>,
        %mul3A_830 = arith.mulf %gather3A_807, %gather3A_829 : vector<16xf32>
        %add3A_831 = arith.addf %scan3A_773, %mul3A_830 : vector<16xf32>
        scf.yield %add3A_781, %add3A_784, %add3A_787, %add3A_790, %add3A_793, %add3A_796, %add3A_799, %add3A_802, %add3A_810, %add3A_813, %add3A_816, %add3A_819, %add3A_822, %add3A_825, %add3A_828, %add3A_831 : vector<16xf32>, vector<16xf32>, vector<16xf32>, vector<16xf32>, vector<16xf32>, vector<16xf32>, vector<16xf32>, vector<16xf32>, vector<16xf32>, vector<16xf32>, vector<16xf32>, vector<16xf32>, vector<16xf32>, vector<16xf32>, vector<16xf32>, vector<16xf32>
      }
      %scan3A_571 = arith.constant 64 : i32
      %broadcast_in_dim3A_572 = arith.constant 0 : i32
      %broadcast_in_dim3A_573 = vector.broadcast %broadcast_in_dim3A_572 : i32 to vector<16xi32>
      %mul3A_574 = arith.constant 1.250000e-01 : f32
      %mul3A_575 = vector.broadcast %mul3A_574 : f32 to vector<16xf32>
      %mul3A_576 = arith.mulf %scan3A_570#0, %mul3A_575 : vector<16xf32>
      %gather3A_577 = tpu.vector_load_idx %arg9[%add3A_470, %broadcast_in_dim3A_573] : memref<256x16xf32, #tpu.memory_space<vmem>>[vector<16xi32>, vector<16xi32>], vector<16xf32>,
      %add3A_578 = arith.addf %mul3A_576, %gather3A_577 : vector<16xf32>
      %mul3A_579 = arith.constant 1.250000e-01 : f32
      %mul3A_580 = vector.broadcast %mul3A_579 : f32 to vector<16xf32>
      %mul3A_581 = arith.mulf %scan3A_570#1, %mul3A_580 : vector<16xf32>
      %gather3A_582 = tpu.vector_load_idx %arg9[%add3A_479, %broadcast_in_dim3A_573] : memref<256x16xf32, #tpu.memory_space<vmem>>[vector<16xi32>, vector<16xi32>], vector<16xf32>,
      %add3A_583 = arith.addf %mul3A_581, %gather3A_582 : vector<16xf32>
      %mul3A_584 = arith.constant 1.250000e-01 : f32
      %mul3A_585 = vector.broadcast %mul3A_584 : f32 to vector<16xf32>
      %mul3A_586 = arith.mulf %scan3A_570#2, %mul3A_585 : vector<16xf32>
      %gather3A_587 = tpu.vector_load_idx %arg9[%add3A_488, %broadcast_in_dim3A_573] : memref<256x16xf32, #tpu.memory_space<vmem>>[vector<16xi32>, vector<16xi32>], vector<16xf32>,
      %add3A_588 = arith.addf %mul3A_586, %gather3A_587 : vector<16xf32>
      %mul3A_589 = arith.constant 1.250000e-01 : f32
      %mul3A_590 = vector.broadcast %mul3A_589 : f32 to vector<16xf32>
      %mul3A_591 = arith.mulf %scan3A_570#3, %mul3A_590 : vector<16xf32>
      %gather3A_592 = tpu.vector_load_idx %arg9[%add3A_497, %broadcast_in_dim3A_573] : memref<256x16xf32, #tpu.memory_space<vmem>>[vector<16xi32>, vector<16xi32>], vector<16xf32>,
      %add3A_593 = arith.addf %mul3A_591, %gather3A_592 : vector<16xf32>
      %mul3A_594 = arith.constant 1.250000e-01 : f32
      %mul3A_595 = vector.broadcast %mul3A_594 : f32 to vector<16xf32>
      %mul3A_596 = arith.mulf %scan3A_570#4, %mul3A_595 : vector<16xf32>
      %gather3A_597 = tpu.vector_load_idx %arg9[%add3A_506, %broadcast_in_dim3A_573] : memref<256x16xf32, #tpu.memory_space<vmem>>[vector<16xi32>, vector<16xi32>], vector<16xf32>,
      %add3A_598 = arith.addf %mul3A_596, %gather3A_597 : vector<16xf32>
      %mul3A_599 = arith.constant 1.250000e-01 : f32
      %mul3A_600 = vector.broadcast %mul3A_599 : f32 to vector<16xf32>
      %mul3A_601 = arith.mulf %scan3A_570#5, %mul3A_600 : vector<16xf32>
      %gather3A_602 = tpu.vector_load_idx %arg9[%add3A_515, %broadcast_in_dim3A_573] : memref<256x16xf32, #tpu.memory_space<vmem>>[vector<16xi32>, vector<16xi32>], vector<16xf32>,
      %add3A_603 = arith.addf %mul3A_601, %gather3A_602 : vector<16xf32>
      %mul3A_604 = arith.constant 1.250000e-01 : f32
      %mul3A_605 = vector.broadcast %mul3A_604 : f32 to vector<16xf32>
      %mul3A_606 = arith.mulf %scan3A_570#6, %mul3A_605 : vector<16xf32>
      %gather3A_607 = tpu.vector_load_idx %arg9[%add3A_524, %broadcast_in_dim3A_573] : memref<256x16xf32, #tpu.memory_space<vmem>>[vector<16xi32>, vector<16xi32>], vector<16xf32>,
      %add3A_608 = arith.addf %mul3A_606, %gather3A_607 : vector<16xf32>
      %mul3A_609 = arith.constant 1.250000e-01 : f32
      %mul3A_610 = vector.broadcast %mul3A_609 : f32 to vector<16xf32>
      %mul3A_611 = arith.mulf %scan3A_570#7, %mul3A_610 : vector<16xf32>
      %gather3A_612 = tpu.vector_load_idx %arg9[%add3A_533, %broadcast_in_dim3A_573] : memref<256x16xf32, #tpu.memory_space<vmem>>[vector<16xi32>, vector<16xi32>], vector<16xf32>,
      %add3A_613 = arith.addf %mul3A_611, %gather3A_612 : vector<16xf32>
      %max3A_614 = arith.maximumf %add3A_578, %add3A_583 : vector<16xf32>
      %max3A_615 = arith.maximumf %max3A_614, %add3A_588 : vector<16xf32>
      %max3A_616 = arith.maximumf %max3A_615, %add3A_593 : vector<16xf32>
      %max3A_617 = arith.maximumf %max3A_616, %add3A_598 : vector<16xf32>
      %max3A_618 = arith.maximumf %max3A_617, %add3A_603 : vector<16xf32>
      %max3A_619 = arith.maximumf %max3A_618, %add3A_608 : vector<16xf32>
      %max3A_620 = arith.maximumf %max3A_619, %add3A_613 : vector<16xf32>
      %sub3A_621 = arith.subf %add3A_578, %max3A_620 : vector<16xf32>
      %exp3A_622 = math.exp %sub3A_621 : vector<16xf32>
      %sub3A_623 = arith.subf %add3A_583, %max3A_620 : vector<16xf32>
      %exp3A_624 = math.exp %sub3A_623 : vector<16xf32>
      %sub3A_625 = arith.subf %add3A_588, %max3A_620 : vector<16xf32>
      %exp3A_626 = math.exp %sub3A_625 : vector<16xf32>
      %sub3A_627 = arith.subf %add3A_593, %max3A_620 : vector<16xf32>
      %exp3A_628 = math.exp %sub3A_627 : vector<16xf32>
      %sub3A_629 = arith.subf %add3A_598, %max3A_620 : vector<16xf32>
      %exp3A_630 = math.exp %sub3A_629 : vector<16xf32>
      %sub3A_631 = arith.subf %add3A_603, %max3A_620 : vector<16xf32>
      %exp3A_632 = math.exp %sub3A_631 : vector<16xf32>
      %sub3A_633 = arith.subf %add3A_608, %max3A_620 : vector<16xf32>
      %exp3A_634 = math.exp %sub3A_633 : vector<16xf32>
      %sub3A_635 = arith.subf %add3A_613, %max3A_620 : vector<16xf32>
      %exp3A_636 = math.exp %sub3A_635 : vector<16xf32>
      %add3A_637 = arith.addf %exp3A_622, %exp3A_624 : vector<16xf32>
      %add3A_638 = arith.addf %add3A_637, %exp3A_626 : vector<16xf32>
      %add3A_639 = arith.addf %add3A_638, %exp3A_628 : vector<16xf32>
      %add3A_640 = arith.addf %add3A_639, %exp3A_630 : vector<16xf32>
      %add3A_641 = arith.addf %add3A_640, %exp3A_632 : vector<16xf32>
      %add3A_642 = arith.addf %add3A_641, %exp3A_634 : vector<16xf32>
      %add3A_643 = arith.addf %add3A_642, %exp3A_636 : vector<16xf32>
      %div3A_644 = arith.divf %exp3A_622, %add3A_643 : vector<16xf32>
      %div3A_645 = arith.divf %exp3A_624, %add3A_643 : vector<16xf32>
      %div3A_646 = arith.divf %exp3A_626, %add3A_643 : vector<16xf32>
      %div3A_647 = arith.divf %exp3A_628, %add3A_643 : vector<16xf32>
      %div3A_648 = arith.divf %exp3A_630, %add3A_643 : vector<16xf32>
      %div3A_649 = arith.divf %exp3A_632, %add3A_643 : vector<16xf32>
      %div3A_650 = arith.divf %exp3A_634, %add3A_643 : vector<16xf32>
      %div3A_651 = arith.divf %exp3A_636, %add3A_643 : vector<16xf32>
      %scan3A_652 = arith.constant 0 : i32
      %scan3A_653 = arith.constant 0 : i32
      %scan3A_654 = arith.constant 64 : i32
      %scan3A_655 = arith.addi %scan3A_653, %scan3A_654 : i32
      %scan3A_656 = arith.constant 1 : i32
      scf.for %scan3A_757 = %scan3A_653 to %scan3A_655 step %scan3A_656  : i32 {
        %broadcast_in_dim3A_758 = arith.constant 128 : i32
        %broadcast_in_dim3A_759 = vector.broadcast %broadcast_in_dim3A_758 : i32 to vector<16xi32>
        %add3A_760 = vector.broadcast %scan3A_757 : i32 to vector<16xi32>
        %add3A_761 = arith.addi %broadcast_in_dim3A_759, %add3A_760 : vector<16xi32>
        %gather3A_762 = tpu.vector_load_idx %arg8[%add3A_470, %add3A_761] : memref<256x256xf32, #tpu.memory_space<vmem>>[vector<16xi32>, vector<16xi32>], vector<16xf32>,
        %mul3A_763 = arith.mulf %div3A_644, %gather3A_762 : vector<16xf32>
        %gather3A_764 = tpu.vector_load_idx %arg8[%add3A_479, %add3A_761] : memref<256x256xf32, #tpu.memory_space<vmem>>[vector<16xi32>, vector<16xi32>], vector<16xf32>,
        %mul3A_765 = arith.mulf %div3A_645, %gather3A_764 : vector<16xf32>
        %add3A_766 = arith.addf %mul3A_763, %mul3A_765 : vector<16xf32>
        %gather3A_767 = tpu.vector_load_idx %arg8[%add3A_488, %add3A_761] : memref<256x256xf32, #tpu.memory_space<vmem>>[vector<16xi32>, vector<16xi32>], vector<16xf32>,
        %mul3A_768 = arith.mulf %div3A_646, %gather3A_767 : vector<16xf32>
        %add3A_769 = arith.addf %add3A_766, %mul3A_768 : vector<16xf32>
        %gather3A_770 = tpu.vector_load_idx %arg8[%add3A_497, %add3A_761] : memref<256x256xf32, #tpu.memory_space<vmem>>[vector<16xi32>, vector<16xi32>], vector<16xf32>,
        %mul3A_771 = arith.mulf %div3A_647, %gather3A_770 : vector<16xf32>
        %add3A_772 = arith.addf %add3A_769, %mul3A_771 : vector<16xf32>
        %gather3A_773 = tpu.vector_load_idx %arg8[%add3A_506, %add3A_761] : memref<256x256xf32, #tpu.memory_space<vmem>>[vector<16xi32>, vector<16xi32>], vector<16xf32>,
        %mul3A_774 = arith.mulf %div3A_648, %gather3A_773 : vector<16xf32>
        %add3A_775 = arith.addf %add3A_772, %mul3A_774 : vector<16xf32>
        %gather3A_776 = tpu.vector_load_idx %arg8[%add3A_515, %add3A_761] : memref<256x256xf32, #tpu.memory_space<vmem>>[vector<16xi32>, vector<16xi32>], vector<16xf32>,
        %mul3A_777 = arith.mulf %div3A_649, %gather3A_776 : vector<16xf32>
        %add3A_778 = arith.addf %add3A_775, %mul3A_777 : vector<16xf32>
        %gather3A_779 = tpu.vector_load_idx %arg8[%add3A_524, %add3A_761] : memref<256x256xf32, #tpu.memory_space<vmem>>[vector<16xi32>, vector<16xi32>], vector<16xf32>,
        %mul3A_780 = arith.mulf %div3A_650, %gather3A_779 : vector<16xf32>
        %add3A_781 = arith.addf %add3A_778, %mul3A_780 : vector<16xf32>
        %gather3A_782 = tpu.vector_load_idx %arg8[%add3A_533, %add3A_761] : memref<256x256xf32, #tpu.memory_space<vmem>>[vector<16xi32>, vector<16xi32>], vector<16xf32>,
        %mul3A_783 = arith.mulf %div3A_651, %gather3A_782 : vector<16xf32>
        %add3A_784 = arith.addf %add3A_781, %mul3A_783 : vector<16xf32>
        %broadcast_in_dim3A_785 = arith.constant 0 : i32
        %broadcast_in_dim3A_786 = vector.broadcast %broadcast_in_dim3A_785 : i32 to vector<16xi32>
        %add3A_787 = vector.broadcast %scan3A_757 : i32 to vector<16xi32>
        %add3A_788 = arith.addi %broadcast_in_dim3A_786, %add3A_787 : vector<16xi32>
        tpu.vector_store_idx %arg11[%add3A_461, %add3A_788], %add3A_784 : memref<32x128xf32, #tpu.memory_space<vmem>>[vector<16xi32>, vector<16xi32>], vector<16xf32>,
      }
      %scan3A_657 = arith.constant 64 : i32
      %broadcast_in_dim3A_658 = arith.constant 1 : i32
      %broadcast_in_dim3A_659 = vector.broadcast %broadcast_in_dim3A_658 : i32 to vector<16xi32>
      %mul3A_660 = arith.constant 1.250000e-01 : f32
      %mul3A_661 = vector.broadcast %mul3A_660 : f32 to vector<16xf32>
      %mul3A_662 = arith.mulf %scan3A_570#8, %mul3A_661 : vector<16xf32>
      %gather3A_663 = tpu.vector_load_idx %arg9[%add3A_470, %broadcast_in_dim3A_659] : memref<256x16xf32, #tpu.memory_space<vmem>>[vector<16xi32>, vector<16xi32>], vector<16xf32>,
      %add3A_664 = arith.addf %mul3A_662, %gather3A_663 : vector<16xf32>
      %mul3A_665 = arith.constant 1.250000e-01 : f32
      %mul3A_666 = vector.broadcast %mul3A_665 : f32 to vector<16xf32>
      %mul3A_667 = arith.mulf %scan3A_570#9, %mul3A_666 : vector<16xf32>
      %gather3A_668 = tpu.vector_load_idx %arg9[%add3A_479, %broadcast_in_dim3A_659] : memref<256x16xf32, #tpu.memory_space<vmem>>[vector<16xi32>, vector<16xi32>], vector<16xf32>,
      %add3A_669 = arith.addf %mul3A_667, %gather3A_668 : vector<16xf32>
      %mul3A_670 = arith.constant 1.250000e-01 : f32
      %mul3A_671 = vector.broadcast %mul3A_670 : f32 to vector<16xf32>
      %mul3A_672 = arith.mulf %scan3A_570#10, %mul3A_671 : vector<16xf32>
      %gather3A_673 = tpu.vector_load_idx %arg9[%add3A_488, %broadcast_in_dim3A_659] : memref<256x16xf32, #tpu.memory_space<vmem>>[vector<16xi32>, vector<16xi32>], vector<16xf32>,
      %add3A_674 = arith.addf %mul3A_672, %gather3A_673 : vector<16xf32>
      %mul3A_675 = arith.constant 1.250000e-01 : f32
      %mul3A_676 = vector.broadcast %mul3A_675 : f32 to vector<16xf32>
      %mul3A_677 = arith.mulf %scan3A_570#11, %mul3A_676 : vector<16xf32>
      %gather3A_678 = tpu.vector_load_idx %arg9[%add3A_497, %broadcast_in_dim3A_659] : memref<256x16xf32, #tpu.memory_space<vmem>>[vector<16xi32>, vector<16xi32>], vector<16xf32>,
      %add3A_679 = arith.addf %mul3A_677, %gather3A_678 : vector<16xf32>
      %mul3A_680 = arith.constant 1.250000e-01 : f32
      %mul3A_681 = vector.broadcast %mul3A_680 : f32 to vector<16xf32>
      %mul3A_682 = arith.mulf %scan3A_570#12, %mul3A_681 : vector<16xf32>
      %gather3A_683 = tpu.vector_load_idx %arg9[%add3A_506, %broadcast_in_dim3A_659] : memref<256x16xf32, #tpu.memory_space<vmem>>[vector<16xi32>, vector<16xi32>], vector<16xf32>,
      %add3A_684 = arith.addf %mul3A_682, %gather3A_683 : vector<16xf32>
      %mul3A_685 = arith.constant 1.250000e-01 : f32
      %mul3A_686 = vector.broadcast %mul3A_685 : f32 to vector<16xf32>
      %mul3A_687 = arith.mulf %scan3A_570#13, %mul3A_686 : vector<16xf32>
      %gather3A_688 = tpu.vector_load_idx %arg9[%add3A_515, %broadcast_in_dim3A_659] : memref<256x16xf32, #tpu.memory_space<vmem>>[vector<16xi32>, vector<16xi32>], vector<16xf32>,
      %add3A_689 = arith.addf %mul3A_687, %gather3A_688 : vector<16xf32>
      %mul3A_690 = arith.constant 1.250000e-01 : f32
      %mul3A_691 = vector.broadcast %mul3A_690 : f32 to vector<16xf32>
      %mul3A_692 = arith.mulf %scan3A_570#14, %mul3A_691 : vector<16xf32>
      %gather3A_693 = tpu.vector_load_idx %arg9[%add3A_524, %broadcast_in_dim3A_659] : memref<256x16xf32, #tpu.memory_space<vmem>>[vector<16xi32>, vector<16xi32>], vector<16xf32>,
      %add3A_694 = arith.addf %mul3A_692, %gather3A_693 : vector<16xf32>
      %mul3A_695 = arith.constant 1.250000e-01 : f32
      %mul3A_696 = vector.broadcast %mul3A_695 : f32 to vector<16xf32>
      %mul3A_697 = arith.mulf %scan3A_570#15, %mul3A_696 : vector<16xf32>
      %gather3A_698 = tpu.vector_load_idx %arg9[%add3A_533, %broadcast_in_dim3A_659] : memref<256x16xf32, #tpu.memory_space<vmem>>[vector<16xi32>, vector<16xi32>], vector<16xf32>,
      %add3A_699 = arith.addf %mul3A_697, %gather3A_698 : vector<16xf32>
      %max3A_700 = arith.maximumf %add3A_664, %add3A_669 : vector<16xf32>
      %max3A_701 = arith.maximumf %max3A_700, %add3A_674 : vector<16xf32>
      %max3A_702 = arith.maximumf %max3A_701, %add3A_679 : vector<16xf32>
      %max3A_703 = arith.maximumf %max3A_702, %add3A_684 : vector<16xf32>
      %max3A_704 = arith.maximumf %max3A_703, %add3A_689 : vector<16xf32>
      %max3A_705 = arith.maximumf %max3A_704, %add3A_694 : vector<16xf32>
      %max3A_706 = arith.maximumf %max3A_705, %add3A_699 : vector<16xf32>
      %sub3A_707 = arith.subf %add3A_664, %max3A_706 : vector<16xf32>
      %exp3A_708 = math.exp %sub3A_707 : vector<16xf32>
      %sub3A_709 = arith.subf %add3A_669, %max3A_706 : vector<16xf32>
      %exp3A_710 = math.exp %sub3A_709 : vector<16xf32>
      %sub3A_711 = arith.subf %add3A_674, %max3A_706 : vector<16xf32>
      %exp3A_712 = math.exp %sub3A_711 : vector<16xf32>
      %sub3A_713 = arith.subf %add3A_679, %max3A_706 : vector<16xf32>
      %exp3A_714 = math.exp %sub3A_713 : vector<16xf32>
      %sub3A_715 = arith.subf %add3A_684, %max3A_706 : vector<16xf32>
      %exp3A_716 = math.exp %sub3A_715 : vector<16xf32>
      %sub3A_717 = arith.subf %add3A_689, %max3A_706 : vector<16xf32>
      %exp3A_718 = math.exp %sub3A_717 : vector<16xf32>
      %sub3A_719 = arith.subf %add3A_694, %max3A_706 : vector<16xf32>
      %exp3A_720 = math.exp %sub3A_719 : vector<16xf32>
      %sub3A_721 = arith.subf %add3A_699, %max3A_706 : vector<16xf32>
      %exp3A_722 = math.exp %sub3A_721 : vector<16xf32>
      %add3A_723 = arith.addf %exp3A_708, %exp3A_710 : vector<16xf32>
      %add3A_724 = arith.addf %add3A_723, %exp3A_712 : vector<16xf32>
      %add3A_725 = arith.addf %add3A_724, %exp3A_714 : vector<16xf32>
      %add3A_726 = arith.addf %add3A_725, %exp3A_716 : vector<16xf32>
      %add3A_727 = arith.addf %add3A_726, %exp3A_718 : vector<16xf32>
      %add3A_728 = arith.addf %add3A_727, %exp3A_720 : vector<16xf32>
      %add3A_729 = arith.addf %add3A_728, %exp3A_722 : vector<16xf32>
      %div3A_730 = arith.divf %exp3A_708, %add3A_729 : vector<16xf32>
      %div3A_731 = arith.divf %exp3A_710, %add3A_729 : vector<16xf32>
      %div3A_732 = arith.divf %exp3A_712, %add3A_729 : vector<16xf32>
      %div3A_733 = arith.divf %exp3A_714, %add3A_729 : vector<16xf32>
      %div3A_734 = arith.divf %exp3A_716, %add3A_729 : vector<16xf32>
      %div3A_735 = arith.divf %exp3A_718, %add3A_729 : vector<16xf32>
      %div3A_736 = arith.divf %exp3A_720, %add3A_729 : vector<16xf32>
      %div3A_737 = arith.divf %exp3A_722, %add3A_729 : vector<16xf32>
      %scan3A_738 = arith.constant 0 : i32
      %scan3A_739 = arith.constant 0 : i32
      %scan3A_740 = arith.constant 64 : i32
      %scan3A_741 = arith.addi %scan3A_739, %scan3A_740 : i32
      %scan3A_742 = arith.constant 1 : i32
      scf.for %scan3A_757 = %scan3A_739 to %scan3A_741 step %scan3A_742  : i32 {
        %broadcast_in_dim3A_758 = arith.constant 192 : i32
        %broadcast_in_dim3A_759 = vector.broadcast %broadcast_in_dim3A_758 : i32 to vector<16xi32>
        %add3A_760 = vector.broadcast %scan3A_757 : i32 to vector<16xi32>
        %add3A_761 = arith.addi %broadcast_in_dim3A_759, %add3A_760 : vector<16xi32>
        %gather3A_762 = tpu.vector_load_idx %arg8[%add3A_470, %add3A_761] : memref<256x256xf32, #tpu.memory_space<vmem>>[vector<16xi32>, vector<16xi32>], vector<16xf32>,
        %mul3A_763 = arith.mulf %div3A_730, %gather3A_762 : vector<16xf32>
        %gather3A_764 = tpu.vector_load_idx %arg8[%add3A_479, %add3A_761] : memref<256x256xf32, #tpu.memory_space<vmem>>[vector<16xi32>, vector<16xi32>], vector<16xf32>,
        %mul3A_765 = arith.mulf %div3A_731, %gather3A_764 : vector<16xf32>
        %add3A_766 = arith.addf %mul3A_763, %mul3A_765 : vector<16xf32>
        %gather3A_767 = tpu.vector_load_idx %arg8[%add3A_488, %add3A_761] : memref<256x256xf32, #tpu.memory_space<vmem>>[vector<16xi32>, vector<16xi32>], vector<16xf32>,
        %mul3A_768 = arith.mulf %div3A_732, %gather3A_767 : vector<16xf32>
        %add3A_769 = arith.addf %add3A_766, %mul3A_768 : vector<16xf32>
        %gather3A_770 = tpu.vector_load_idx %arg8[%add3A_497, %add3A_761] : memref<256x256xf32, #tpu.memory_space<vmem>>[vector<16xi32>, vector<16xi32>], vector<16xf32>,
        %mul3A_771 = arith.mulf %div3A_733, %gather3A_770 : vector<16xf32>
        %add3A_772 = arith.addf %add3A_769, %mul3A_771 : vector<16xf32>
        %gather3A_773 = tpu.vector_load_idx %arg8[%add3A_506, %add3A_761] : memref<256x256xf32, #tpu.memory_space<vmem>>[vector<16xi32>, vector<16xi32>], vector<16xf32>,
        %mul3A_774 = arith.mulf %div3A_734, %gather3A_773 : vector<16xf32>
        %add3A_775 = arith.addf %add3A_772, %mul3A_774 : vector<16xf32>
        %gather3A_776 = tpu.vector_load_idx %arg8[%add3A_515, %add3A_761] : memref<256x256xf32, #tpu.memory_space<vmem>>[vector<16xi32>, vector<16xi32>], vector<16xf32>,
        %mul3A_777 = arith.mulf %div3A_735, %gather3A_776 : vector<16xf32>
        %add3A_778 = arith.addf %add3A_775, %mul3A_777 : vector<16xf32>
        %gather3A_779 = tpu.vector_load_idx %arg8[%add3A_524, %add3A_761] : memref<256x256xf32, #tpu.memory_space<vmem>>[vector<16xi32>, vector<16xi32>], vector<16xf32>,
        %mul3A_780 = arith.mulf %div3A_736, %gather3A_779 : vector<16xf32>
        %add3A_781 = arith.addf %add3A_778, %mul3A_780 : vector<16xf32>
        %gather3A_782 = tpu.vector_load_idx %arg8[%add3A_533, %add3A_761] : memref<256x256xf32, #tpu.memory_space<vmem>>[vector<16xi32>, vector<16xi32>], vector<16xf32>,
        %mul3A_783 = arith.mulf %div3A_737, %gather3A_782 : vector<16xf32>
        %add3A_784 = arith.addf %add3A_781, %mul3A_783 : vector<16xf32>
        %broadcast_in_dim3A_785 = arith.constant 64 : i32
        %broadcast_in_dim3A_786 = vector.broadcast %broadcast_in_dim3A_785 : i32 to vector<16xi32>
        %add3A_787 = vector.broadcast %scan3A_757 : i32 to vector<16xi32>
        %add3A_788 = arith.addi %broadcast_in_dim3A_786, %add3A_787 : vector<16xi32>
        tpu.vector_store_idx %arg11[%add3A_461, %add3A_788], %add3A_784 : memref<32x128xf32, #tpu.memory_space<vmem>>[vector<16xi32>, vector<16xi32>], vector<16xf32>,
      }
      %scan3A_743 = arith.constant 64 : i32
      %mul3A_744 = arith.constant 16 : i32
      %mul3A_745 = arith.muli %add3A_410, %mul3A_744 : i32
      %add3A_746 = arith.addi %mul3A_2, %mul3A_745 : i32
      %dma_start3A_747 = arith.constant 16 : i32
      %dma_start3A_748 = arith.constant 0 : i32
      %dma_start3A_749 = tpu.memref_slice %arg11[%dma_start3A_747, %dma_start3A_748] : memref<32x128xf32, #tpu.memory_space<vmem>> -> memref<16x128xf32, #tpu.memory_space<vmem>>
      %dma_start3A_750 = arith.constant 0 : i32
      %dma_start3A_751 = tpu.memref_slice %arg6[%add3A_746, %dma_start3A_750] : memref<160768x128xf32, #tpu.memory_space<hbm>> -> memref<16x128xf32, #tpu.memory_space<hbm>>
      %dma_start3A_752 = arith.constant 0 : i32
      %dma_start3A_753 = tpu.memref_slice %arg6[%add3A_746, %dma_start3A_752] : memref<160768x128xf32, #tpu.memory_space<hbm>> -> memref<16x128xf32, #tpu.memory_space<hbm>>
      %dma_start3A_754 = arith.constant 16 : i32
      %dma_start3A_755 = arith.constant 0 : i32
      %dma_start3A_756 = tpu.memref_slice %arg11[%dma_start3A_754, %dma_start3A_755] : memref<32x128xf32, #tpu.memory_space<vmem>> -> memref<16x128xf32, #tpu.memory_space<vmem>>
      tpu.enqueue_dma source(%dma_start3A_756 : memref<16x128xf32, #tpu.memory_space<vmem>>) target(%dma_start3A_753 : memref<16x128xf32, #tpu.memory_space<hbm>>) target_semaphore(%arg15 : memref<!tpu.dma_semaphore, #tpu.memory_space<semaphore_mem>>)
    }
    %scan3A_43 = arith.constant 157 : i32
    %add3A_44 = arith.constant 4992 : i32
    %add3A_45 = arith.addi %mul3A_2, %add3A_44 : i32
    %dma_wait3A = arith.constant 0 : i32
    %dma_wait3A_46 = arith.constant 0 : i32
    %dma_wait3A_47 = tpu.memref_slice %arg11[%dma_wait3A, %dma_wait3A_46] : memref<32x128xf32, #tpu.memory_space<vmem>> -> memref<16x128xf32, #tpu.memory_space<vmem>>
    %dma_wait3A_48 = arith.constant 0 : i32
    %dma_wait3A_49 = tpu.memref_slice %arg6[%add3A_45, %dma_wait3A_48] : memref<160768x128xf32, #tpu.memory_space<hbm>> -> memref<16x128xf32, #tpu.memory_space<hbm>>
    %dma_wait3A_50 = arith.constant 0 : i32
    %dma_wait3A_51 = tpu.memref_slice %arg6[%add3A_45, %dma_wait3A_50] : memref<160768x128xf32, #tpu.memory_space<hbm>> -> memref<16x128xf32, #tpu.memory_space<hbm>>
    %dma_wait3A_52 = arith.constant 0 : i32
    %dma_wait3A_53 = arith.constant 0 : i32
    %dma_wait3A_54 = tpu.memref_slice %arg11[%dma_wait3A_52, %dma_wait3A_53] : memref<32x128xf32, #tpu.memory_space<vmem>> -> memref<16x128xf32, #tpu.memory_space<vmem>>
    tpu.wait_dma2 semaphore(%arg14 : memref<!tpu.dma_semaphore, #tpu.memory_space<semaphore_mem>>) src(%dma_wait3A_54 : memref<16x128xf32, #tpu.memory_space<vmem>>) dst(%dma_wait3A_51 : memref<16x128xf32, #tpu.memory_space<hbm>>)
    %add3A_55 = arith.constant 5008 : i32
    %add3A_56 = arith.addi %mul3A_2, %add3A_55 : i32
    %dma_wait3A_57 = arith.constant 16 : i32
    %dma_wait3A_58 = arith.constant 0 : i32
    %dma_wait3A_59 = tpu.memref_slice %arg11[%dma_wait3A_57, %dma_wait3A_58] : memref<32x128xf32, #tpu.memory_space<vmem>> -> memref<16x128xf32, #tpu.memory_space<vmem>>
    %dma_wait3A_60 = arith.constant 0 : i32
    %dma_wait3A_61 = tpu.memref_slice %arg6[%add3A_56, %dma_wait3A_60] : memref<160768x128xf32, #tpu.memory_space<hbm>> -> memref<16x128xf32, #tpu.memory_space<hbm>>
    %dma_wait3A_62 = arith.constant 0 : i32
    %dma_wait3A_63 = tpu.memref_slice %arg6[%add3A_56, %dma_wait3A_62] : memref<160768x128xf32, #tpu.memory_space<hbm>> -> memref<16x128xf32, #tpu.memory_space<hbm>>
    %dma_wait3A_64 = arith.constant 16 : i32
    %dma_wait3A_65 = arith.constant 0 : i32
    %dma_wait3A_66 = tpu.memref_slice %arg11[%dma_wait3A_64, %dma_wait3A_65] : memref<32x128xf32, #tpu.memory_space<vmem>> -> memref<16x128xf32, #tpu.memory_space<vmem>>
    tpu.wait_dma2 semaphore(%arg15 : memref<!tpu.dma_semaphore, #tpu.memory_space<semaphore_mem>>) src(%dma_wait3A_66 : memref<16x128xf32, #tpu.memory_space<vmem>>) dst(%dma_wait3A_63 : memref<16x128xf32, #tpu.memory_space<hbm>>)
    return
  }
}

module attributes {stable_mosaic.version = 14 : i64} {
  func.func @body(%arg0: i32, %arg1: memref<1024x128xf32, #tpu.memory_space<vmem>>, %arg2: memref<128x128xf32, #tpu.memory_space<vmem>>, %arg3: memref<128x256xf32, #tpu.memory_space<vmem>>, %arg4: memref<128x128xf32, #tpu.memory_space<vmem>>, %arg5: memref<128x16xf32, #tpu.memory_space<vmem>>, %arg6: memref<1x128xf32, #tpu.memory_space<vmem>>, %arg7: memref<1024x128xf32, #tpu.memory_space<vmem>>, %arg8: memref<1024x256xf32, #tpu.memory_space<vmem>>, %arg9: memref<1024x128xf32, #tpu.memory_space<vmem>>, %arg10: memref<1024x16xf32, #tpu.memory_space<vmem>>) attributes {dimension_semantics = [#tpu.dimension_semantics<arbitrary>], iteration_bounds = array<i64: 157>, scalar_prefetch = 0 : i64, scratch_operands = 0 : i64, tpu.core_type = #tpu.core_type<tc>, window_params = [{transform_indices = @transform_0, window_bounds = array<i64: 1024, 128>}, {pipeline_mode = #tpu.pipeline_mode<synchronous>, transform_indices = @transform_1, window_bounds = array<i64: 128, 128>}, {pipeline_mode = #tpu.pipeline_mode<synchronous>, transform_indices = @transform_2, window_bounds = array<i64: 128, 256>}, {pipeline_mode = #tpu.pipeline_mode<synchronous>, transform_indices = @transform_3, window_bounds = array<i64: 128, 128>}, {pipeline_mode = #tpu.pipeline_mode<synchronous>, transform_indices = @transform_4, window_bounds = array<i64: 128, 16>}, {pipeline_mode = #tpu.pipeline_mode<synchronous>, transform_indices = @transform_5, window_bounds = array<i64: 1, 128>}, {transform_indices = @transform_6, window_bounds = array<i64: 1024, 128>}, {transform_indices = @transform_7, window_bounds = array<i64: 1024, 256>}, {transform_indices = @transform_8, window_bounds = array<i64: 1024, 128>}, {transform_indices = @transform_9, window_bounds = array<i64: 1024, 16>}]} {
    %get3A = arith.constant 0 : index
    %get3A_0 = arith.constant 0 : index
    %get3A_1 = vector.load %arg1[%get3A, %get3A_0] : memref<1024x128xf32, #tpu.memory_space<vmem>>, vector<1024x128xf32>
    %get3A_2 = arith.constant 0 : index
    %get3A_3 = arith.constant 0 : index
    %get3A_4 = vector.load %arg2[%get3A_2, %get3A_3] : memref<128x128xf32, #tpu.memory_space<vmem>>, vector<128x128xf32>
    %dot_general3A = arith.constant dense<0.000000e+00> : vector<1024x128xf32>
    %dot_general3A_5 = tpu.matmul %get3A_1, %get3A_4, %dot_general3A {dimension_numbers = #tpu.dot_dimension_numbers<[1], [0], [0], [1], [0, 0, 1, 1], [], []>, transpose_lhs_hint = false} : vector<1024x128xf32>, vector<128x128xf32>, vector<1024x128xf32> -> vector<1024x128xf32>
    %swap3A = arith.constant 0 : index
    %swap3A_6 = arith.constant 0 : index
    %swap3A_7 = vector.load %arg7[%swap3A, %swap3A_6] : memref<1024x128xf32, #tpu.memory_space<vmem>>, vector<1024x128xf32>
    tpu.vector_store %arg7[%swap3A, %swap3A_6], %dot_general3A_5 {strides = array<i32>} : memref<1024x128xf32, #tpu.memory_space<vmem>>, vector<1024x128xf32>,
    %get3A_8 = arith.constant 0 : index
    %get3A_9 = arith.constant 0 : index
    %get3A_10 = vector.load %arg3[%get3A_8, %get3A_9] : memref<128x256xf32, #tpu.memory_space<vmem>>, vector<128x256xf32>
    %dot_general3A_11 = arith.constant dense<0.000000e+00> : vector<1024x256xf32>
    %dot_general3A_12 = tpu.matmul %get3A_1, %get3A_10, %dot_general3A_11 {dimension_numbers = #tpu.dot_dimension_numbers<[1], [0], [0], [1], [0, 0, 1, 1], [], []>, transpose_lhs_hint = false} : vector<1024x128xf32>, vector<128x256xf32>, vector<1024x256xf32> -> vector<1024x256xf32>
    %swap3A_13 = arith.constant 0 : index
    %swap3A_14 = arith.constant 0 : index
    %swap3A_15 = vector.load %arg8[%swap3A_13, %swap3A_14] : memref<1024x256xf32, #tpu.memory_space<vmem>>, vector<1024x256xf32>
    tpu.vector_store %arg8[%swap3A_13, %swap3A_14], %dot_general3A_12 {strides = array<i32>} : memref<1024x256xf32, #tpu.memory_space<vmem>>, vector<1024x256xf32>,
    %get3A_16 = arith.constant 0 : index
    %get3A_17 = arith.constant 0 : index
    %get3A_18 = vector.load %arg4[%get3A_16, %get3A_17] : memref<128x128xf32, #tpu.memory_space<vmem>>, vector<128x128xf32>
    %dot_general3A_19 = arith.constant dense<0.000000e+00> : vector<1024x128xf32>
    %dot_general3A_20 = tpu.matmul %get3A_1, %get3A_18, %dot_general3A_19 {dimension_numbers = #tpu.dot_dimension_numbers<[1], [0], [0], [1], [0, 0, 1, 1], [], []>, transpose_lhs_hint = false} : vector<1024x128xf32>, vector<128x128xf32>, vector<1024x128xf32> -> vector<1024x128xf32>
    %get3A_21 = arith.constant 0 : index
    %get3A_22 = arith.constant 0 : index
    %get3A_23 = vector.load %arg6[%get3A_21, %get3A_22] : memref<1x128xf32, #tpu.memory_space<vmem>>, vector<1x128xf32>
    %add3A = vector.broadcast %get3A_23 : vector<1x128xf32> to vector<1024x128xf32>
    %add3A_24 = arith.addf %dot_general3A_20, %add3A : vector<1024x128xf32>
    %logistic3A = arith.negf %add3A_24 : vector<1024x128xf32>
    %logistic3A_25 = math.exp %logistic3A : vector<1024x128xf32>
    %logistic3A_26 = arith.constant 1.000000e+00 : f32
    %logistic3A_27 = vector.broadcast %logistic3A_26 : f32 to vector<1024x128xf32>
    %logistic3A_28 = arith.addf %logistic3A_27, %logistic3A_25 : vector<1024x128xf32>
    %logistic3A_29 = arith.divf %logistic3A_27, %logistic3A_28 : vector<1024x128xf32>
    %swap3A_30 = arith.constant 0 : index
    %swap3A_31 = arith.constant 0 : index
    %swap3A_32 = vector.load %arg9[%swap3A_30, %swap3A_31] : memref<1024x128xf32, #tpu.memory_space<vmem>>, vector<1024x128xf32>
    tpu.vector_store %arg9[%swap3A_30, %swap3A_31], %logistic3A_29 {strides = array<i32>} : memref<1024x128xf32, #tpu.memory_space<vmem>>, vector<1024x128xf32>,
    %get3A_33 = arith.constant 0 : index
    %get3A_34 = arith.constant 0 : index
    %get3A_35 = vector.load %arg5[%get3A_33, %get3A_34] : memref<128x16xf32, #tpu.memory_space<vmem>>, vector<128x16xf32>
    %dot_general3A_36 = arith.constant dense<0.000000e+00> : vector<1024x16xf32>
    %dot_general3A_37 = tpu.matmul %get3A_1, %get3A_35, %dot_general3A_36 {dimension_numbers = #tpu.dot_dimension_numbers<[1], [0], [0], [1], [0, 0, 1, 1], [], []>, transpose_lhs_hint = false} : vector<1024x128xf32>, vector<128x16xf32>, vector<1024x16xf32> -> vector<1024x16xf32>
    %swap3A_38 = arith.constant 0 : index
    %swap3A_39 = arith.constant 0 : index
    %swap3A_40 = vector.load %arg10[%swap3A_38, %swap3A_39] : memref<1024x16xf32, #tpu.memory_space<vmem>>, vector<1024x16xf32>
    tpu.vector_store %arg10[%swap3A_38, %swap3A_39], %dot_general3A_37 {strides = array<i32>} : memref<1024x16xf32, #tpu.memory_space<vmem>>, vector<1024x16xf32>,
    return
  }
  func.func @transform_0(%arg0: i32) -> (i32, i32) {
    %c0_i32 = arith.constant 0 : i32
    %c0_i32_0 = arith.constant 0 : i32
    return %arg0, %c0_i32 : i32, i32
  }
  func.func @transform_1(%arg0: i32) -> (i32, i32) {
    %c0_i32 = arith.constant 0 : i32
    %c0_i32_0 = arith.constant 0 : i32
    %c0_i32_1 = arith.constant 0 : i32
    return %c0_i32, %c0_i32_0 : i32, i32
  }
  func.func @transform_2(%arg0: i32) -> (i32, i32) {
    %c0_i32 = arith.constant 0 : i32
    %c0_i32_0 = arith.constant 0 : i32
    %c0_i32_1 = arith.constant 0 : i32
    return %c0_i32, %c0_i32_0 : i32, i32
  }
  func.func @transform_3(%arg0: i32) -> (i32, i32) {
    %c0_i32 = arith.constant 0 : i32
    %c0_i32_0 = arith.constant 0 : i32
    %c0_i32_1 = arith.constant 0 : i32
    return %c0_i32, %c0_i32_0 : i32, i32
  }
  func.func @transform_4(%arg0: i32) -> (i32, i32) {
    %c0_i32 = arith.constant 0 : i32
    %c0_i32_0 = arith.constant 0 : i32
    %c0_i32_1 = arith.constant 0 : i32
    return %c0_i32, %c0_i32_0 : i32, i32
  }
  func.func @transform_5(%arg0: i32) -> (i32, i32) {
    %c0_i32 = arith.constant 0 : i32
    %c0_i32_0 = arith.constant 0 : i32
    %c0_i32_1 = arith.constant 0 : i32
    return %c0_i32, %c0_i32_0 : i32, i32
  }
  func.func @transform_6(%arg0: i32) -> (i32, i32) {
    %c0_i32 = arith.constant 0 : i32
    %c0_i32_0 = arith.constant 0 : i32
    return %arg0, %c0_i32 : i32, i32
  }
  func.func @transform_7(%arg0: i32) -> (i32, i32) {
    %c0_i32 = arith.constant 0 : i32
    %c0_i32_0 = arith.constant 0 : i32
    return %arg0, %c0_i32 : i32, i32
  }
  func.func @transform_8(%arg0: i32) -> (i32, i32) {
    %c0_i32 = arith.constant 0 : i32
    %c0_i32_0 = arith.constant 0 : i32
    return %arg0, %c0_i32 : i32, i32
  }
  func.func @transform_9(%arg0: i32) -> (i32, i32) {
    %c0_i32 = arith.constant 0 : i32
    %c0_i32_0 = arith.constant 0 : i32
    return %arg0, %c0_i32 : i32, i32
  }
}

module attributes {stable_mosaic.version = 14 : i64} {
  func.func @body(%arg0: i32, %arg1: memref<1024x128xf32, #tpu.memory_space<vmem>>, %arg2: memref<1024x128xf32, #tpu.memory_space<vmem>>, %arg3: memref<128x128xf32, #tpu.memory_space<vmem>>, %arg4: memref<1x128xf32, #tpu.memory_space<vmem>>, %arg5: memref<1024x128xf32, #tpu.memory_space<vmem>>) attributes {dimension_semantics = [#tpu.dimension_semantics<arbitrary>], iteration_bounds = array<i64: 157>, scalar_prefetch = 0 : i64, scratch_operands = 0 : i64, tpu.core_type = #tpu.core_type<tc>, window_params = [{transform_indices = @transform_0, window_bounds = array<i64: 1024, 128>}, {transform_indices = @transform_1, window_bounds = array<i64: 1024, 128>}, {pipeline_mode = #tpu.pipeline_mode<synchronous>, transform_indices = @transform_2, window_bounds = array<i64: 128, 128>}, {pipeline_mode = #tpu.pipeline_mode<synchronous>, transform_indices = @transform_3, window_bounds = array<i64: 1, 128>}, {transform_indices = @transform_4, window_bounds = array<i64: 1024, 128>}]} {
    %get3A = arith.constant 0 : index
    %get3A_0 = arith.constant 0 : index
    %get3A_1 = vector.load %arg1[%get3A, %get3A_0] : memref<1024x128xf32, #tpu.memory_space<vmem>>, vector<1024x128xf32>
    %get3A_2 = arith.constant 0 : index
    %get3A_3 = arith.constant 0 : index
    %get3A_4 = vector.load %arg2[%get3A_2, %get3A_3] : memref<1024x128xf32, #tpu.memory_space<vmem>>, vector<1024x128xf32>
    %mul3A = arith.mulf %get3A_1, %get3A_4 : vector<1024x128xf32>
    %get3A_5 = arith.constant 0 : index
    %get3A_6 = arith.constant 0 : index
    %get3A_7 = vector.load %arg3[%get3A_5, %get3A_6] : memref<128x128xf32, #tpu.memory_space<vmem>>, vector<128x128xf32>
    %dot_general3A = arith.constant dense<0.000000e+00> : vector<1024x128xf32>
    %dot_general3A_8 = tpu.matmul %mul3A, %get3A_7, %dot_general3A {dimension_numbers = #tpu.dot_dimension_numbers<[1], [0], [0], [1], [0, 0, 1, 1], [], []>, transpose_lhs_hint = false} : vector<1024x128xf32>, vector<128x128xf32>, vector<1024x128xf32> -> vector<1024x128xf32>
    %get3A_9 = arith.constant 0 : index
    %get3A_10 = arith.constant 0 : index
    %get3A_11 = vector.load %arg4[%get3A_9, %get3A_10] : memref<1x128xf32, #tpu.memory_space<vmem>>, vector<1x128xf32>
    %add3A = vector.broadcast %get3A_11 : vector<1x128xf32> to vector<1024x128xf32>
    %add3A_12 = arith.addf %dot_general3A_8, %add3A : vector<1024x128xf32>
    %swap3A = arith.constant 0 : index
    %swap3A_13 = arith.constant 0 : index
    %swap3A_14 = vector.load %arg5[%swap3A, %swap3A_13] : memref<1024x128xf32, #tpu.memory_space<vmem>>, vector<1024x128xf32>
    tpu.vector_store %arg5[%swap3A, %swap3A_13], %add3A_12 {strides = array<i32>} : memref<1024x128xf32, #tpu.memory_space<vmem>>, vector<1024x128xf32>,
    return
  }
  func.func @transform_0(%arg0: i32) -> (i32, i32) {
    %c0_i32 = arith.constant 0 : i32
    %c0_i32_0 = arith.constant 0 : i32
    return %arg0, %c0_i32 : i32, i32
  }
  func.func @transform_1(%arg0: i32) -> (i32, i32) {
    %c0_i32 = arith.constant 0 : i32
    %c0_i32_0 = arith.constant 0 : i32
    return %arg0, %c0_i32 : i32, i32
  }
  func.func @transform_2(%arg0: i32) -> (i32, i32) {
    %c0_i32 = arith.constant 0 : i32
    %c0_i32_0 = arith.constant 0 : i32
    %c0_i32_1 = arith.constant 0 : i32
    return %c0_i32, %c0_i32_0 : i32, i32
  }
  func.func @transform_3(%arg0: i32) -> (i32, i32) {
    %c0_i32 = arith.constant 0 : i32
    %c0_i32_0 = arith.constant 0 : i32
    %c0_i32_1 = arith.constant 0 : i32
    return %c0_i32, %c0_i32_0 : i32, i32
  }
  func.func @transform_4(%arg0: i32) -> (i32, i32) {
    %c0_i32 = arith.constant 0 : i32
    %c0_i32_0 = arith.constant 0 : i32
    return %arg0, %c0_i32 : i32, i32
  }
}

</mosaic_0001>

<sc_bundles>
// kernel: kernel.5.cloned.1.call-start
scs
__scs_entry_jumppad:
0x0: {  	(pc) =	sbr.rel $0x88, $3  }
0x1: {  	(tag) =	ssettag $0x0;
	lr =	simm.s32 $0x1  }
0x2: {  	[smem:$0x3F97] =	sst lr;
	_ =	strace $0xD0000000  }
0x3: {  	_ = 	snop  }
0x4: {  	_ = 	snop  }
0x5: {  	_ = 	snop  }
0x6: {  	_ = 	snop  }
0x7: {  	_ = 	snop  }
__scs_overlays_trampoline_lowered:
0x8: {  	[smem:$0x3FA6] =	sst s0  }
0x9: {  	[smem:$0x3FA7] =	sst s1  }
0xa: {  	[smem:$0x3FA8] =	sst s2  }
0xb: {  	[smem:$0x3FA9] =	sst s3  }
0xc: {  	[smem:$0x3FAA] =	sst s4  }
0xd: {  	[smem:$0x3FAB] =	sst s5  }
0xe: {  	[smem:$0x3FAC] =	sst s6  }
0xf: {  	[smem:$0x3FAD] =	sst s7  }
0x10: {  	[smem:$0x3FAE] =	sst s8  }
0x11: {  	[smem:$0x3FAF] =	sst s9;
	s0 =	simm.s32 @!p0 $0x0  }
0x12: {  	s1 =	sld [smem:$0x3F95];
	s0 =	simm.s32 @p0 $0x1  }
0x13: {  	[smem:$0x3FB0] =	sst s0;
	s0 =	simm.s32 @!p1 $0x0  }
0x14: {  	s2 =	sld [smem:$0x3F94];
	s0 =	simm.s32 @p1 $0x1  }
0x15: {  	[smem:$0x3FB1] =	sst s0;
	s0 =	simm.s32 @!p2 $0x0  }
0x16: {  	s3 =	sld [smem:$0x3FDB];
	s0 =	simm.s32 @p2 $0x1  }
0x17: {  	s4 =	simm.s32 $0x1BF5;
	[smem:$0x3FB3] =	sst s0  }
0x18: {  	s0 =	sld [smem:$0x3F96];
	_ =	swait.ge [sflag:s4], $0x0  }
0x19: {  	s7 =	sld [smem:$0x3F97]  }
0x1a: {  	s8 =	sadd.s32 $0xFFFFE003, lr  }
0x1b: {  	s9 =	sadd.s32 $0xFFFFFEF7, lr;
	s5 =	simm.s32 $0xFFFFFFFF;
	p2 =	slt.u32 s8, $0xFFFFF086  }
0x1c: {  	p1 =	slt.u32 s9, $0xF7A;
	s5 =	simm.s32 @!p2 $0x0  }
0x1d: {  	s5 =	simm.s32 @p1 $0x1;
	p0 =	seq.s32 s7, s2  }
0x1e: {  	s7 =	smul.u32 @!p0 $0xF7A, s2;
	p2 =	seq.s32 @!p0 s5, $0x0  }
0x1f: {  	s9 =	smul.u32 $0xF7A, s1;
	s8 =	simm.s32 @!p0 $0x1BF5;
	p2 =	por !p2, p0  }
0x20: {  	[sflag:s8] =	ssyncset.s32 @!p0 $0xFFFFF086;
	s6 =	sadd.s32 @!p0 s3, s7;
	s7 =	simm.s32 @!p0 $0x108  }
0x21: {  	s3 =	sadd.s32 s3, s9;
	s6 =	sadd.s32 @!p0 $0x88, s6;
	s7 =	simm.s32 @p2 $0x1082  }
0x22: {  	[simem:s7], [sflag:s8] =	dma.local @!p0 [hbm:s6], $0xF7A  }
0x23: {  	s9 =	sor.u32 $0xD0000000, s2;
	s6 =	simm.s32 $0x108;
	_ =	swait.ge @!p0 [sflag:s8], $0x0  }
0x24: {  	s3 =	sadd.s32 $0x88, s3;
	s6 =	simm.s32 @!p1 $0x1082;
	[sflag:s4] =	ssyncset.s32 $0xFFFFF086  }
0x25: {  	[simem:s6], [sflag:s4] =	dma.local [hbm:s3], $0xF7A  }
0x26: {  	[smem:$0x3F97] =	sst s1;
	(tag) =	ssettag s2;
	_ =	strace s9  }
0x27: {  	s1 =	sld [smem:$0x3FA7]  }
0x28: {  	s2 =	sld [smem:$0x3FA8]  }
0x29: {  	s4 =	sld [smem:$0x3FAA]  }
0x2a: {  	p0 =	seq.s32 s5, $0x0;
	s5 =	sld [smem:$0x3FAB]  }
0x2b: {  	s6 =	sld [smem:$0x3FAC]  }
0x2c: {  	s7 =	sld [smem:$0x3FAD]  }
0x2d: {  	s3 =	simm.s32 $0x108;
	s8 =	sld [smem:$0x3FAE]  }
0x2e: {  	s3 =	simm.s32 @!p0 $0x1082;
	s9 =	sld [smem:$0x3FAF]  }
0x2f: {  	lr =	sadd.s32 s0, s3;
	s0 =	sld [smem:$0x3FA6]  }
0x30: {  	s3 =	sld [smem:$0x3FA9]  }
0x31: {  	[smem:$0x3FB2] =	sst s10  }
0x32: {  	s10 =	sld [smem:$0x3FB0];
	_ =	sdelay $0x3  }
0x33: {  	p0 =	seq.s32 s10, $0x1;
	s10 =	sld [smem:$0x3FB2];
	_ =	sdelay $0x3  }
0x34: {  	[smem:$0x3FB2] =	sst s10  }
0x35: {  	s10 =	sld [smem:$0x3FB1];
	_ =	sdelay $0x3  }
0x36: {  	p1 =	seq.s32 s10, $0x1;
	s10 =	sld [smem:$0x3FB2];
	_ =	sdelay $0x3  }
0x37: {  	[smem:$0x3FB2] =	sst s10  }
0x38: {  	s10 =	sld [smem:$0x3FB3]  }
0x39: {  	_ = 	snop;
	(pc) =	sbr.ind lr, $3  }
0x3a: {  	_ = 	snop  }
0x3b: {  	_ = 	snop  }
0x3c: {  	p2 =	seq.s32 s10, $0x1;
	s10 =	sld [smem:$0x3FB2]  }
0x3d: {  	_ =	shalt  }
0x3e: {  	_ =	shalt  }
0x3f: {  	_ =	shalt  }
0x40: {  	_ =	shalt  }
0x41: {  	_ =	shalt  }
0x42: {  	_ =	shalt  }
0x43: {  	_ =	shalt  }
0x44: {  	_ =	shalt  }
0x45: {  	_ =	shalt  }
0x46: {  	_ =	shalt  }
0x47: {  	_ =	shalt  }
0x48: {  	_ =	shalt  }
0x49: {  	_ =	shalt  }
0x4a: {  	_ =	shalt  }
0x4b: {  	_ =	shalt  }
0x4c: {  	_ =	shalt  }
0x4d: {  	_ =	shalt  }
0x4e: {  	_ =	shalt  }
0x4f: {  	_ =	shalt  }
0x50: {  	_ =	shalt  }
0x51: {  	_ =	shalt  }
0x52: {  	_ =	shalt  }
0x53: {  	_ =	shalt  }
0x54: {  	_ =	shalt  }
0x55: {  	_ =	shalt  }
0x56: {  	_ =	shalt  }
0x57: {  	_ =	shalt  }
0x58: {  	_ =	shalt  }
0x59: {  	_ =	shalt  }
0x5a: {  	_ =	shalt  }
0x5b: {  	_ =	shalt  }
0x5c: {  	_ =	shalt  }
0x5d: {  	_ =	shalt  }
0x5e: {  	_ =	shalt  }
0x5f: {  	_ =	shalt  }
0x60: {  	_ =	shalt  }
0x61: {  	_ =	shalt  }
0x62: {  	_ =	shalt  }
0x63: {  	_ =	shalt  }
0x64: {  	_ =	shalt  }
0x65: {  	_ =	shalt  }
0x66: {  	_ =	shalt  }
0x67: {  	_ =	shalt  }
0x68: {  	_ =	shalt  }
0x69: {  	_ =	shalt  }
0x6a: {  	_ =	shalt  }
0x6b: {  	_ =	shalt  }
0x6c: {  	_ =	shalt  }
0x6d: {  	_ =	shalt  }
0x6e: {  	_ =	shalt  }
0x6f: {  	_ =	shalt  }
0x70: {  	_ =	shalt  }
0x71: {  	_ =	shalt  }
0x72: {  	_ =	shalt  }
0x73: {  	_ =	shalt  }
0x74: {  	_ =	shalt  }
0x75: {  	_ =	shalt  }
0x76: {  	_ =	shalt  }
0x77: {  	_ =	shalt  }
0x78: {  	_ =	shalt  }
0x79: {  	_ =	shalt  }
0x7a: {  	_ =	shalt  }
0x7b: {  	_ =	shalt  }
0x7c: {  	_ =	shalt  }
0x7d: {  	_ =	shalt  }
0x7e: {  	_ =	shalt  }
0x7f: {  	_ =	shalt  }
0x80: {  	_ =	shalt  }
0x81: {  	_ =	shalt  }
0x82: {  	_ =	shalt  }
0x83: {  	_ =	shalt  }
0x84: {  	_ =	shalt  }
0x85: {  	_ =	shalt  }
0x86: {  	_ =	shalt  }
0x87: {  	_ =	shalt  }
.Lfunc_end0:
.L_simem_size_0:
called_computation.1_lowered:
.L_overlay_start_0:
0x88: {  	s2 =	sld [smem:$0x3FD9]  }
0x89: {  	s3 =	sld [smem:$0x3FFE];
	_ =	sdelay $0x1  }
0x8a: {  	s1 =	srdreg.scid  }
0x8b: {  	s0 =	sand.u32 $0x1, s1  }
0x8c: {  	s17 =	sshll.u32 s0, $0xA;
	s2 =	sadd.s32 s3, s2  }
0x8d: {  	s2 =	sadd.s32 s2, s17  }
0x8e: {  	[smem:$0x3FBE] =	sst s2  }
0x8f: {  	_ = 	snop  }
0x90: {  	s2 =	sld [smem:$0x3FD0];
	(tm) =	ssettm $0x1  }
0x91: {  	s18 =	sld [smem:$0x3FFB];
	_ =	sdelay $0x3  }
0x92: {  	_ =	strace s18  }
0x93: {  	s3 =	sld [smem:$0x3FFC];
	_ =	sdelay $0x3  }
0x94: {  	_ =	strace s3  }
0x95: {  	s3 =	sld [smem:$0x3FFD];
	_ =	sdelay $0x3  }
0x96: {  	_ =	strace s3  }
0x97: {  	_ =	strace $0x8FFFFFFF  }
0x98: {  	s19 =	sld [smem:$0x3FDB];
	_ =	sdelay $0x1  }
0x99: {  	s4 =	simm.s32 $_scs_section_size  }
0x9a: {  	s5 =	simm.s32 $_size__tile_overlayer_lowered;
	s6 =	simm.s32 $_tile_overlayer_lowered  }
0x9b: {  	s22 =	simm.s32 $0x1BFF;
	s21 =	sshll.u32 s6, $0x1;
	s3 =	sadd.s32 s4, s19  }
0x9c: {  	s7 =	simm.s32 $0x0;
	s20 =	sshll.u32 s5, $0x1;
	s5 =	sadd.s32 s21, s3  }
0x9d: {  	[timem:s7], [sflag:s22] =	dma.local [hbm:s5], s20  }
0x9e: {  	_ =	swait.ge [sflag:s22], s20  }
0x9f: {  	s4 =	ssub.s32 $0x0, s20;
	[sflag:s22] =	ssyncset.done $0x0  }
0xa0: {  	[sflag:s22] =	ssyncadd.s32 s4;
	_ =	sdelay $0x1  }
0xa1: {  	s23 =	simm.s32 $0x1B8B  }
0xa2: {  	_ =	swait.ge [sflag:s23], $0x1  }
0xa3: {  	[sflag:s23] =	ssyncset.done $0x0  }
0xa4: {  	s25 =	simm.s32 $0x1B8E;
	s24 =	sld [smem:$0x3FFE];
	[sflag:s23] =	ssyncadd.s32 $0xFFFFFFFF  }
0xa5: {  	s26 =	simm.s32 $execute0_lowered;
	[smem:$0x3FD2] =	sst s25  }
0xa6: {  	s5 =	sshll.u32 s26, $0x1;
	_ =	strace $0x80000049;
	[dreg:$0x1] =	wrdreg $0xFFFFFFFF  }
0xa7: {  	s28 =	simm.s32 $_size_execute0_lowered;
	s3 =	sadd.s32 s3, s5;
	[dreg:$0x0] =	wrdreg $0x0  }
0xa8: {  	s5 =	sshll.u32 s28, $0x1;
	[dreg:$0x2] =	wrdreg s3  }
0xa9: {  	[dreg:$0x3] =	wrdreg s5  }
0xaa: {  	[dreg:$0x4] =	wrdreg $0xC0  }
0xab: {  	_ =	task [dreg:s7], $0x5FFFF  }
0xac: {  	[dreg:$0x1] =	wrdreg $0xFFFFFFFF  }
0xad: {  	[dreg:$0x0] =	wrdreg $0x60  }
0xae: {  	[dreg:$0x2] =	wrdreg s24  }
0xaf: {  	[dreg:$0x3] =	wrdreg s2  }
0xb0: {  	[dreg:$0x4] =	wrdreg $0x9  }
0xb1: {  	_ =	task.clear_ibuf [dreg:s7], $0x5FFFF;
	_ =	strace $0x90000049  }
0xb2: {  	s29 =	simm.s32 $0x9;
	_ =	strace $0x8000004B  }
0xb3: {  	_ =	swait.ge [sflag:s29], $0x1  }
0xb4: {  	[sflag:s29] =	ssyncadd.s32 $0xFFFFFFFF  }
0xb5: {  	_ =	strace $0x9000004B  }
0xb6: {  	_ =	sfence  }
0xb7: {  	s30 =	sld [smem:$0x0];
	_ =	sdelay $0x2  }
0xb8: {  	s31 =	sshll.u32 s1, $0xD;
	s1 =	sshrl.u32 s1, $0x2  }
0xb9: {  	s3 =	sand.u32 $0x4000, s31;
	s1 =	sadd.s32 s1, s30  }
0xba: {  	s0 =	sor.u32 s3, s0;
	s1 =	sshll.u32 s1, $0x11  }
0xbb: {  	s0 =	sor.u32 s1, s0  }
0xbc: {  	s0 =	sadd.s32 $0x8F2B, s0  }
0xbd: {  	[sflag:s0] =	ssyncadd.remote.s32 $0x1  }
0xbe: {  	_ =	sfence.sel $0xFFFF  }
0xbf: {  	[dreg:$0x0] =	wrdreg $0xFFFFFFFF;
	(pc) =	sbr.abs _section_cstart, $3  }
0xc0: {  	[dreg:$0x1] =	wrdreg $0xFFFFFFFF  }
0xc1: {  	_ =	task.clear_ibuf [dreg:s7], $0x2FFFF;
	_ =	strace $0x9FFFFFFF  }
0xc2: {  	(tm) =	ssettm $0x7FFFFFFF  }
0xc3: {  	_ =	shalt  }
tec
execute0_lowered:
.L_overlay_start_1:
0x0: {  	(tag) =	ssettag $0x1  }
0x1: {  	v1 =	vlaneseq.u32  }
0x2: {  	v63 =	vmul.u32 $0x80, v1  }
0x3: {  	s0 =	rddreg [dreg:$0x0];
	s3 =	simm.s32 $0x0;
	v60 =	vmul.u32 $0x800, v1  }
0x4: {  	[smem:$0x7FF] =	sst s3;
	v2 =	vor.u32 $0x10, v63  }
0x5: {  	s1 =	rddreg [dreg:$0x1];
	_ =	strace $0x8000004A;
	v11 =	vor.u32 $0x100, v60;
	[tilespmem:$0x1FDC0] =	vst v2  }
0x6: {  	v12 =	vor.u32 $0x200, v60;
	[tilespmem:$0x1FF10] =	vst v11  }
0x7: {  	v13 =	vor.u32 $0x300, v60;
	[tilespmem:$0x1FF20] =	vst v12  }
0x8: {  	v14 =	vor.u32 $0x400, v60;
	[tilespmem:$0x1FF30] =	vst v13  }
0x9: {  	v10 =	vor.u32 $0x500, v60;
	[tilespmem:$0x1FF40] =	vst v14  }
0xa: {  	v28 =	vor.u32 $0x600, v60;
	[tilespmem:$0x1FF50] =	vst v10  }
0xb: {  	v26 =	vor.u32 $0x700, v60;
	[tilespmem:$0x1FF60] =	vst v28  }
0xc: {  	v30 =	vor.u32 $0x40, v60;
	[tilespmem:$0x1FF70] =	vst v26  }
0xd: {  	v31 =	vor.u32 $0x140, v60;
	[tilespmem:$0x1FF80] =	vst v30  }
0xe: {  	v15 =	vor.u32 $0x240, v60;
	[tilespmem:$0x1FF90] =	vst v31  }
0xf: {  	v16 =	vor.u32 $0x340, v60;
	[tilespmem:$0x1FFA0] =	vst v15  }
0x10: {  	v0 =	vor.u32 $0x440, v60;
	[tilespmem:$0x1FFB0] =	vst v16  }
0x11: {  	v61 =	vor.u32 $0x40, v63;
	[tilespmem:$0x1FFC0] =	vst v0  }
0x12: {  	v1 =	vor.u32 $0x540, v60;
	[tilespmem:$0x1FFD0] =	vst v61  }
0x13: {  	v62 =	vor.u32 $0x740, v60;
	[tilespmem:$0x1FFE0] =	vst v1  }
0x14: {  	v2 =	vor.u32 $0x20, v63;
	[tilespmem:$0x1FFF0] =	vst v62  }
0x15: {  	[tilespmem:$0x1FDD0] =	vst v2;
	v2 =	vor.u32 $0x30, v63  }
0x16: {  	[tilespmem:$0x1FDE0] =	vst v2;
	v2 =	vor.u32 $0x50, v63  }
0x17: {  	[tilespmem:$0x1FDF0] =	vst v2;
	v2 =	vor.u32 $0x60, v63  }
0x18: {  	[tilespmem:$0x1FE00] =	vst v2;
	v2 =	vor.u32 $0x70, v63  }
0x19: {  	[tilespmem:$0x1FE10] =	vst v2;
	v2 =	vor.u32 $0x80, v60  }
0x1a: {  	[tilespmem:$0x1FE20] =	vst v2;
	v2 =	vor.u32 $0x180, v60  }
0x1b: {  	[tilespmem:$0x1FE30] =	vst v2;
	v2 =	vor.u32 $0x280, v60  }
0x1c: {  	s2 =	srdreg.scid;
	s4 =	stileid.u32;
	s13 =	simm.s32 $0x5;
	[tilespmem:$0x1FE40] =	vst v2;
	v2 =	vor.u32 $0x380, v60  }
0x1d: {  	s14 =	simm.s32 $0x80;
	s15 =	simm.s32 $0x200;
	s16 =	simm.s32 $0x10200;
	[tilespmem:$0x1FE50] =	vst v2;
	v2 =	vor.u32 $0x480, v60  }
0x1e: {  	s17 =	simm.s32 $0x11200;
	s18 =	simm.s32 $0x1;
	s19 =	simm.s32 $0x100;
	[tilespmem:$0x1FE60] =	vst v2;
	v2 =	vor.u32 $0x580, v60  }
0x1f: {  	s20 =	simm.s32 $0x8200;
	s21 =	simm.s32 $0x180;
	s22 =	simm.s32 $0x10A00;
	[tilespmem:$0x1FE70] =	vst v2;
	v2 =	vor.u32 $0x680, v60  }
0x20: {  	s23 =	simm.s32 $0x11A00;
	s24 =	simm.s32 $0x12200;
	s28 =	simm.s32 $0x3;
	[tilespmem:$0x1FE80] =	vst v2;
	v2 =	vor.u32 $0x780, v60  }
0x21: {  	s29 =	simm.s32 $0x4;
	s2 =	sand.u32 $0x1, s2;
	s5 =	sshll.u32 s4, $0x1;
	[tilespmem:$0x1FE90] =	vst v2;
	v2 =	vor.u32 $0x1, v63  }
0x22: {  	s30 =	simm.s32 $0x0;
	s4 =	sadd.s32 $0x9D2800, s0;
	s9 =	sor.u32 s2, s5;
	[tilespmem:$0x1FEA0] =	vst v2;
	v2 =	vor.u32 $0x11, v63  }
0x23: {  	s6 =	sadd.s32 $0x2800, s0;
	s2 =	ssub.s32 $0x2, s2;
	s10 =	smul.u32 $0x2740, s9;
	[tilespmem:$0x1FEB0] =	vst v2;
	v2 =	vor.u32 $0x21, v63  }
0x24: {  	s7 =	sadd.s32 $0x51000, s0;
	s8 =	sshrl.u32 s2, $0x1;
	s11 =	smul.u32 $0x13A00, s9;
	[tilespmem:$0x1FEC0] =	vst v2;
	v2 =	vor.u32 $0x31, v63  }
0x25: {  	s5 =	sadd.s32 $0xEBA800, s0;
	s25 =	ssub.s32 s2, s8;
	s26 =	sadd.s32 s6, s10;
	[tilespmem:$0x1FED0] =	vst v2;
	v2 =	vor.u32 $0x41, v63  }
0x26: {  	s8 =	smul.u32 $0x13A, s9;
	s31 =	sadd.s32 s4, s11;
	[dreg:$0x3] =	wrdreg s26;
	[tilespmem:$0x1FEE0] =	vst v2;
	v2 =	vor.u32 $0x51, v63  }
0x27: {  	s11 =	smul.u32 $0x9D000, s9;
	s0 =	smax.u32 s25, $0x1;
	[dreg:$0x4] =	wrdreg s31;
	[tilespmem:$0x1FEF0] =	vst v2;
	v2 =	vor.u32 $0x61, v63  }
0x28: {  	v9 =	vor.u32 $0x640, v60;
	s25 =	simm.s32 $0x2;
	[dreg:$0x5] =	wrdreg s0;
	s26 =	simm.s32 $0x12A00;
	[tilespmem:$0x1FF00] =	vst v2  }
.LBB2_1:
0x29: {  	s0 =	rddreg [dreg:$0x3]  }
0x2a: {  	[tilespmem:s3], [sflag:$0x5] =	stream.linear.gather [hbm4b:s0+s3], $0x100, $0x38;
	[tilespmem:$0x13200] =	vst v63  }
0x2b: {  	_ =	swait.ge [sflag:s13], $0x100  }
0x2c: {  	[sflag:s13] =	ssyncset.done $0x0  }
0x2d: {  	[sflag:s13] =	ssyncadd.s32 $0xFFFFFF00  }
0x2e: {  	[tilespmem:s15], [sflag:$0x1] =	stream.indirect.gather [hbm4b:s5+s14], $0x100, s3, s14, $0xb8;
	[tilespmem:$0x13200] =	vst v63  }
0x2f: {  	_ = 	snop  }
0x30: {  	[tilespmem:s16], [sflag:$0x1] =	stream.indirect.gather [hbm4b:s1+s14], $0x10, s14, s14, $0xb8;
	[tilespmem:$0x13200] =	vst v63  }
0x31: {  	s31 =	simm.s32 $0x0;
	s12 =	rddreg [dreg:$0x4]  }
0x32: {  	[tilespmem:s17], [sflag:$0x1] =	stream.linear.gather [hbm4b:s12+s3], $0x800, $0x38;
	[tilespmem:$0x13200] =	vst v63  }
.LBB2_2:
0x33: {  	_ =	swait.ge [sflag:s18], $0x8000  }
0x34: {  	[sflag:s18] =	ssyncset.done $0x0  }
0x35: {  	[sflag:s18] =	ssyncadd.s32 $0xFFFF8000  }
0x36: {  	_ =	swait.ge [sflag:s18], $0x800  }
0x37: {  	s0 =	sshllo.u32 s31, $0x1;
	[sflag:s18] =	ssyncset.done $0x0  }
0x38: {  	s2 =	sadd.s32 s8, s0;
	[sflag:s18] =	ssyncadd.s32 $0xFFFFF800  }
0x39: {  	s2 =	sshll.u32 s2, $0x5;
	_ =	swait.ge [sflag:s18], $0x800  }
0x3a: {  	s2 =	sand.u32 $0x1FFFFFE0, s2;
	[sflag:s18] =	ssyncset.done $0x0  }
0x3b: {  	s2 =	sadd.s32 s6, s2;
	[sflag:s18] =	ssyncadd.s32 $0xFFFFF800  }
0x3c: {  	[tilespmem:s19], [sflag:$0x5] =	stream.linear.gather [hbm4b:s2+s3], $0x100, $0x38;
	[tilespmem:$0x13200] =	vst v63  }
0x3d: {  	_ =	swait.ge [sflag:s13], $0x100  }
0x3e: {  	s12 =	simm.s32 $0x0;
	s0 =	sshll.u32 s0, $0xB;
	[sflag:s13] =	ssyncset.done $0x0  }
0x3f: {  	v2 =	vmov s12;
	s0 =	sadd.s32 s11, s0;
	[sflag:s13] =	ssyncadd.s32 $0xFFFFFF00  }
0x40: {  	v2 =	vand.u32 $0x3F, v2;
	[tilespmem:s20], [sflag:$0x2] =	stream.indirect.gather [hbm4b:s5+s14], $0x100, s19, s14, $0xb8;
	[tilespmem:$0x13200] =	vst v63  }
0x41: {  	p0 =	seq.s32 s31, $0x0;
	s0 =	sshrl.u32 s0, $0x3;
	v2 =	vbroadcast v2, $0x0  }
0x42: {  	[tilespmem:s22], [sflag:$0x2] =	stream.indirect.gather [hbm4b:s1+s14], $0x10, s21, s14, $0xb8;
	[tilespmem:$0x13200] =	vst v63  }
0x43: {  	s9 =	sadd.s32 s4, s0;
	v3 =	vor.u32 v61, v2;
	s2 =	simm.s32 @!p0 $0x3  }
0x44: {  	v4 =	vor.u32 v62, v2;
	[tilespmem:s23], [sflag:$0x2] =	stream.linear.gather [hbm4b:s9+s3], $0x800, $0x38;
	[tilespmem:$0x13200] =	vst v63  }
0x45: {  	v5 =	vor.u32 v63, v2;
	_ =	swait.ge @!p0 [sflag:s2], $0x800  }
0x46: {  	v6 =	vor.u32 v60, v2;
	[sflag:s2] =	ssyncset.done @!p0 $0x0  }
0x47: {  	v7 =	vor.u32 v11, v2;
	[sflag:s2] =	ssyncadd.s32 @!p0 $0xFFFFF800  }
0x48: {  	v19 =	vor.u32 v14, v2;
	v18 =	vld.idx.msk [tilespmem:v3+s17+$0x0], $0xffff  }
0x49: {  	v20 =	vor.u32 v10, v2;
	v4 =	vld.idx.msk [tilespmem:v4+s15+$0x0], $0xffff  }
0x4a: {  	v23 =	vor.u32 v30, v2;
	v5 =	vld.idx.msk [tilespmem:v5+s17+$0x0], $0xffff  }
0x4b: {  	v33 =	vor.u32 v15, v2;
	v6 =	vld.idx.msk [tilespmem:v6+s15+$0x0], $0xffff  }
0x4c: {  	v7 =	vld.idx.msk [tilespmem:v7+s15+$0x0], $0xffff  }
0x4d: {  	v8 =	vor.u32 v12, v2;
	v21 =	vor.u32 v28, v2;
	v22 =	vor.u32 v26, v2;
	v19 =	vld.idx.msk [tilespmem:v19+s15+$0x0], $0xffff  }
0x4e: {  	v32 =	vor.u32 v31, v2;
	v34 =	vor.u32 v16, v2;
	v35 =	vor.u32 v0, v2;
	v36 =	vld.idx.msk [tilespmem:v20+s15+$0x0], $0xffff  }
0x4f: {  	v3 =	vor.u32 v13, v2;
	v20 =	vor.u32 v1, v2;
	v2 =	vor.u32 v9, v2;
	v23 =	vld.idx.msk [tilespmem:v23+s15+$0x0], $0xffff  }
0x50: {  	v33 =	vld.idx.msk [tilespmem:v33+s15+$0x0], $0xffff  }
0x51: {  	s10 =	simm.s32 $0x1  }
0x52: {  	v39 =	vimm.f32 $0.0e+00;
	v37 =	vmov s10;
	v8 =	vld.idx.msk [tilespmem:v8+s15+$0x0], $0xffff;
	v4 =	vmul.f32 v4, v18  }
0x53: {  	v17 =	vmovc v15;
	v37 =	vand.u32 $0x3F, v37;
	v21 =	vld.idx.msk [tilespmem:v21+s15+$0x0], $0xffff;
	v6 =	vmul.f32 v6, v5;
	v7 =	vmul.f32 v7, v5  }
0x54: {  	v27 =	vmovc v16;
	v55 =	vld.idx.msk [tilespmem:v2+s15+$0x0], $0xffff;
	v2 =	vmul.f32 v19, v5;
	v38 =	vadd.f32 v4, v39;
	v4 =	vbroadcast v37, $0x0  }
0x55: {  	v16 =	vmovc v28;
	v28 =	vmov v10;
	v22 =	vld.idx.msk [tilespmem:v22+s15+$0x0], $0xffff;
	v23 =	vmul.f32 v23, v18;
	v33 =	vmul.f32 v33, v18  }
0x56: {  	v56 =	vadd.f32 v6, v39;
	v57 =	vadd.f32 v7, v39;
	v7 =	vld.idx.msk [tilespmem:v32+s15+$0x0], $0xffff;
	v32 =	vor.u32 v61, v4  }
0x57: {  	v34 =	vld.idx.msk [tilespmem:v34+s15+$0x0], $0xffff;
	v6 =	vmul.f32 v8, v5;
	v8 =	vor.u32 v63, v4;
	v42 =	vor.u32 v62, v4  }
0x58: {  	v35 =	vld.idx.msk [tilespmem:v35+s15+$0x0], $0xffff;
	v37 =	vor.u32 v60, v4;
	v41 =	vor.u32 v11, v4;
	v43 =	vor.u32 v12, v4  }
0x59: {  	v3 =	vld.idx.msk [tilespmem:v3+s15+$0x0], $0xffff;
	v44 =	vor.u32 v13, v4;
	v45 =	vor.u32 v14, v4;
	v46 =	vor.u32 v10, v4  }
0x5a: {  	v48 =	vld.idx.msk [tilespmem:v20+s15+$0x0], $0xffff;
	v58 =	vor.u32 v16, v4;
	v59 =	vor.u32 v26, v4;
	v54 =	vor.u32 v30, v4  }
0x5b: {  	v53 =	vor.u32 v31, v4;
	v52 =	vor.u32 v17, v4;
	v51 =	vor.u32 v27, v4;
	v40 =	vld.idx.msk [tilespmem:v32+s17+$0x0], $0xffff  }
0x5c: {  	v50 =	vor.u32 v0, v4;
	v49 =	vor.u32 v1, v4;
	v47 =	vor.u32 v9, v4;
	v32 =	vld.idx.msk [tilespmem:v42+s15+$0x0], $0xffff  }
0x5d: {  	v20 =	vadd.f32 v6, v39;
	v4 =	vmul.f32 v36, v5;
	v6 =	vmul.f32 v21, v5;
	v19 =	vld.idx.msk [tilespmem:v8+s17+$0x0], $0xffff  }
0x5e: {  	v2 =	vadd.f32 v2, v39;
	v3 =	vmul.f32 v3, v5;
	v5 =	vmul.f32 v22, v5;
	v8 =	vld.idx.msk [tilespmem:v37+s15+$0x0], $0xffff  }
0x5f: {  	v21 =	vadd.f32 v4, v39;
	v22 =	vadd.f32 v6, v39;
	v6 =	vmul.f32 v35, v18;
	v36 =	vld.idx.msk [tilespmem:v41+s15+$0x0], $0xffff  }
0x60: {  	v3 =	vadd.f32 v3, v39;
	v7 =	vmul.f32 v7, v18;
	v37 =	vmul.f32 v34, v18;
	v34 =	vld.idx.msk [tilespmem:v43+s15+$0x0], $0xffff  }
0x61: {  	v4 =	vadd.f32 v5, v39;
	v43 =	vmul.f32 v48, v18;
	v35 =	vld.idx.msk [tilespmem:v44+s15+$0x0], $0xffff;
	v48 =	vadd.f32 v23, v39  }
0x62: {  	s12 =	simm.s32 $0x2;
	v55 =	vmul.f32 v55, v18;
	v5 =	vld.idx.msk [tilespmem:v45+s15+$0x0], $0xffff;
	v45 =	vadd.f32 v7, v39;
	v44 =	vadd.f32 v33, v39  }
0x63: {  	v15 =	vmovc v16;
	v16 =	vmovc v1;
	v23 =	vld.idx.msk [tilespmem:v46+s15+$0x0], $0xffff;
	v41 =	vadd.f32 v6, v39;
	v7 =	vmov s12;
	v42 =	vmul.f32 v32, v40  }
0x64: {  	v33 =	vld.idx.msk [tilespmem:v59+s15+$0x0], $0xffff;
	v46 =	vadd.f32 v37, v39;
	v43 =	vadd.f32 v43, v39;
	v6 =	vmul.f32 v8, v19  }
0x65: {  	s9 =	simm.s32 $0x3;
	s2 =	sshll.u32 s31, $0x1;
	v27 =	vmovc v9;
	v32 =	vld.idx.msk [tilespmem:v58+s15+$0x0], $0xffff;
	v8 =	vand.u32 $0x3F, v7;
	v7 =	vmul.f32 v36, v19;
	v42 =	vadd.f32 v42, v38  }
.LBB2_3:
0x66: {  	v18 =	vld.idx.msk [tilespmem:v54+s15+$0x0], $0xffff  }
0x67: {  	v8 =	vbroadcast v8, $0x0;
	v38 =	vld.idx.msk [tilespmem:v52+s15+$0x0], $0xffff  }
0x68: {  	v29 =	vld [tilespmem:$0x1FFA0]  }
0x69: {  	v1 =	vmovc v60;
	v9 =	vmovc v63;
	v10 =	vld.idx.msk [tilespmem:v50+s15+$0x0], $0xffff;
	v17 =	vmov v11;
	v25 =	vmov v13;
	v36 =	vor.u32 v60, v8  }
0x6a: {  	v56 =	vadd.f32 v6, v56;
	v39 =	vadd.f32 v55, v39;
	v55 =	vor.u32 v11, v8;
	v60 =	vld.idx.msk [tilespmem:v51+s15+$0x0], $0xffff  }
0x6b: {  	v57 =	vadd.f32 v7, v57;
	v6 =	vmul.f32 v34, v19;
	v34 =	vld.idx.msk [tilespmem:v53+s15+$0x0], $0xffff;
	v37 =	vor.u32 v61, v8  }
0x6c: {  	v7 =	vmul.f32 v35, v19;
	v35 =	vor.u32 v63, v8;
	v61 =	vor.u32 v13, v8;
	v13 =	vld.idx.msk [tilespmem:v49+s15+$0x0], $0xffff  }
0x6d: {  	v24 =	vmovc v12;
	v58 =	vor.u32 v12, v8;
	v11 =	vor.u32 v15, v8;
	v52 =	vor.u32 v29, v8;
	v29 =	vld [tilespmem:$0x1FFB0]  }
0x6e: {  	v59 =	vor.u32 v62, v8;
	v3 =	vadd.f32 v7, v3;
	v7 =	vmul.f32 v32, v19;
	v32 =	vld.idx.msk [tilespmem:v36+s15+$0x0], $0xffff  }
0x6f: {  	v20 =	vadd.f32 v6, v20;
	v6 =	vmul.f32 v23, v19;
	v23 =	vmul.f32 v33, v19;
	v33 =	vld.idx.msk [tilespmem:v55+s15+$0x0], $0xffff  }
0x70: {  	v12 =	vor.u32 v26, v8;
	v54 =	vor.u32 v30, v8;
	v5 =	vmul.f32 v5, v19;
	v37 =	vld.idx.msk [tilespmem:v37+s17+$0x0], $0xffff  }
0x71: {  	v50 =	vor.u32 v0, v8;
	v62 =	vor.u32 v14, v8;
	v63 =	vor.u32 v28, v8;
	v19 =	vld.idx.msk [tilespmem:v35+s17+$0x0], $0xffff  }
0x72: {  	v2 =	vadd.f32 v5, v2;
	v5 =	vmul.f32 v18, v40;
	v18 =	vmul.f32 v34, v40;
	v34 =	vld.idx.msk [tilespmem:v58+s15+$0x0], $0xffff  }
0x73: {  	v53 =	vor.u32 v31, v8;
	v51 =	vor.u32 v29, v8;
	v29 =	vmov v14;
	v14 =	vld.idx.msk [tilespmem:v47+s15+$0x0], $0xffff  }
0x74: {  	v49 =	vor.u32 v16, v8;
	v21 =	vadd.f32 v6, v21;
	v47 =	vor.u32 v27, v8;
	v8 =	vld.idx.msk [tilespmem:v59+s15+$0x0], $0xffff  }
0x75: {  	v6 =	vmul.f32 v38, v40;
	v22 =	vadd.f32 v7, v22;
	v7 =	vmul.f32 v10, v40;
	v35 =	vld.idx.msk [tilespmem:v61+s15+$0x0], $0xffff  }
0x76: {  	p0 =	sne.s32 s9, $0x3F;
	v4 =	vadd.f32 v23, v4;
	v48 =	vadd.f32 v5, v48;
	v10 =	vmul.f32 v13, v40;
	v61 =	vld [tilespmem:$0x1FFD0]  }
.Ltmp0:
0x77: {  	v5 =	vld.idx.msk [tilespmem:v62+s15+$0x0], $0xffff;
	v59 =	vmul.f32 v60, v40;
	v44 =	vadd.f32 v6, v44;
	v41 =	vadd.f32 v7, v41;
	(pc) =	sbr.rel @p0 .LBB2_3-.Ltmp0, $4  }
0x78: {  	v13 =	vmovc v25;
	v23 =	vld.idx.msk [tilespmem:v63+s15+$0x0], $0xffff;
	v63 =	vmov v9;
	v45 =	vadd.f32 v18, v45;
	v43 =	vadd.f32 v10, v43  }
0x79: {  	v62 =	vld [tilespmem:$0x1FFF0];
	v60 =	vmovc v1;
	v46 =	vadd.f32 v59, v46;
	v6 =	vmul.f32 v32, v19;
	v8 =	vmul.f32 v8, v37  }
0x7a: {  	v7 =	vmov s9;
	v32 =	vld.idx.msk [tilespmem:v11+s15+$0x0], $0xffff;
	v11 =	vmovc v17;
	v55 =	vmul.f32 v14, v40;
	v14 =	vmovc v29;
	v40 =	vmov v37  }
0x7b: {  	s9 =	sadd.s32 $0x1, s9;
	v42 =	vadd.f32 v8, v42;
	v8 =	vand.u32 $0x3F, v7;
	v7 =	vmul.f32 v33, v19;
	v33 =	vld.idx.msk [tilespmem:v12+s15+$0x0], $0xffff;
	v12 =	vmovc v24  }
0x7c: {  	v18 =	vbroadcast v8, $0x0;
	_ =	sdelay $0x1  }
0x7d: {  	v8 =	vor.u32 v63, v18  }
0x7e: {  	v11 =	vor.u32 v11, v18;
	_ =	sdelay $0x3  }
0x7f: {  	v8 =	vld.idx.msk [tilespmem:v8+s17+$0x0], $0xffff  }
0x80: {  	v10 =	vor.u32 v60, v18;
	v11 =	vld.idx.msk [tilespmem:v11+s15+$0x0], $0xffff  }
0x81: {  	v12 =	vor.u32 v12, v18;
	_ =	sdelay $0x1  }
0x82: {  	v13 =	vor.u32 v13, v18  }
0x83: {  	v14 =	vor.u32 v14, v18  }
0x84: {  	v7 =	vadd.f32 v7, v57;
	v36 =	vor.u32 v28, v18;
	v10 =	vld.idx.msk [tilespmem:v10+s15+$0x0], $0xffff;
	v11 =	vmul.f32 v11, v8  }
0x85: {  	v37 =	vor.u32 v15, v18;
	v12 =	vld.idx.msk [tilespmem:v12+s15+$0x0], $0xffff  }
0x86: {  	v38 =	vor.u32 v26, v18;
	v7 =	vadd.f32 v11, v7;
	v11 =	vld [tilespmem:$0x1FDC0]  }
0x87: {  	v13 =	vld.idx.msk [tilespmem:v13+s15+$0x0], $0xffff  }
0x88: {  	v14 =	vld.idx.msk [tilespmem:v14+s15+$0x0], $0xffff  }
0x89: {  	v5 =	vmul.f32 v5, v19;
	v36 =	vld.idx.msk [tilespmem:v36+s15+$0x0], $0xffff  }
0x8a: {  	v59 =	vld.idx.msk [tilespmem:v37+s15+$0x0], $0xffff  }
0x8b: {  	v34 =	vmul.f32 v34, v19;
	v35 =	vmul.f32 v35, v19;
	v2 =	vadd.f32 v5, v2;
	v5 =	vld.idx.msk [tilespmem:v38+s15+$0x0], $0xffff  }
0x8c: {  	v6 =	vadd.f32 v6, v56;
	v23 =	vmul.f32 v23, v19;
	v10 =	vmul.f32 v10, v8  }
0x8d: {  	v20 =	vadd.f32 v34, v20;
	v3 =	vadd.f32 v35, v3;
	v12 =	vmul.f32 v12, v8  }
0x8e: {  	v21 =	vadd.f32 v23, v21;
	v6 =	vadd.f32 v10, v6;
	v10 =	vmul.f32 v13, v8;
	v11 =	vld.idx.msk [tilespmem:v11+s16+$0x0], $0xffff  }
0x8f: {  	v35 =	vmul.f32 v14, v8;
	v37 =	vmul.f32 v36, v8;
	v12 =	vadd.f32 v12, v20;
	v20 =	vld [tilespmem:$0x1FDD0]  }
0x90: {  	v5 =	vmul.f32 v5, v8;
	v3 =	vadd.f32 v10, v3;
	v10 =	vmul.f32 v59, v8;
	v8 =	vld [tilespmem:$0x1FDE0]  }
0x91: {  	v7 =	vmul.f32 $1.250000000e-01, v7  }
0x92: {  	v14 =	vadd.f32 v37, v21;
	v21 =	vld [tilespmem:$0x1FDF0]  }
0x93: {  	v7 =	vadd.f32 v11, v7;
	v11 =	vld [tilespmem:$0x1FE00]  }
0x94: {  	v56 =	vld [tilespmem:$0x1FE10];
	v32 =	vmul.f32 v32, v19;
	v19 =	vmul.f32 v33, v19;
	_ =	sdelay $0x1  }
0x95: {  	v4 =	vadd.f32 v19, v4;
	v19 =	vld.idx.msk [tilespmem:v63+s16+$0x0], $0xffff  }
0x96: {  	v20 =	vld.idx.msk [tilespmem:v20+s16+$0x0], $0xffff  }
0x97: {  	v8 =	vld.idx.msk [tilespmem:v8+s16+$0x0], $0xffff  }
0x98: {  	v38 =	vld.idx.msk [tilespmem:v61+s16+$0x0], $0xffff;
	v6 =	vmul.f32 $1.250000000e-01, v6  }
0x99: {  	v22 =	vadd.f32 v32, v22;
	v2 =	vadd.f32 v35, v2;
	v12 =	vmul.f32 $1.250000000e-01, v12;
	v21 =	vld.idx.msk [tilespmem:v21+s16+$0x0], $0xffff  }
0x9a: {  	v4 =	vadd.f32 v5, v4;
	v6 =	vadd.f32 v19, v6;
	v3 =	vmul.f32 $1.250000000e-01, v3;
	v11 =	vld.idx.msk [tilespmem:v11+s16+$0x0], $0xffff  }
0x9b: {  	v2 =	vmul.f32 $1.250000000e-01, v2;
	v10 =	vadd.f32 v10, v22;
	v5 =	vadd.f32 v20, v12;
	v12 =	vld.idx.msk [tilespmem:v56+s16+$0x0], $0xffff  }
0x9c: {  	v3 =	vadd.f32 v8, v3;
	v8 =	vmul.f32 $1.250000000e-01, v14;
	v57 =	vmax.f32 v6, v7  }
0x9d: {  	v2 =	vadd.f32 v38, v2;
	v10 =	vmul.f32 $1.250000000e-01, v10;
	v58 =	vmax.f32 v57, v5  }
0x9e: {  	v4 =	vmul.f32 $1.250000000e-01, v4;
	v8 =	vadd.f32 v21, v8;
	v13 =	vmax.f32 v58, v3  }
0x9f: {  	v10 =	vadd.f32 v11, v10;
	v11 =	vmax.f32 v13, v2  }
0xa0: {  	v4 =	vadd.f32 v12, v4;
	v11 =	vmax.f32 v11, v8  }
0xa1: {  	v11 =	vmax.f32 v11, v10  }
0xa2: {  	v11 =	vmax.f32 v11, v4  }
0xa3: {  	v6 =	vsub.f32 v6, v11  }
0xa4: {  	v7 =	vsub.f32 v7, v11  }
0xa5: {  	v6 =	vmul.f32 $1.442695020e+00, v6  }
0xa6: {  	v5 =	vsub.f32 v5, v11;
	v7 =	vmul.f32 $1.442695020e+00, v7  }
0xa7: {  	(erf) = vpow2.f32 v6  }
0xa8: {  	v3 =	vsub.f32 v3, v11;
	v5 =	vmul.f32 $1.442695020e+00, v5;
	(erf) = vpow2.f32 v7;
	_ =	sdelay $0x1  }
0xa9: {  	v2 =	vsub.f32 v2, v11;
	v3 =	vmul.f32 $1.442695020e+00, v3;
	(erf) = vpow2.f32 v5;
	_ =	sdelay $0x1  }
0xaa: {  	v2 =	vmul.f32 $1.442695020e+00, v2;
	(erf) = vpow2.f32 v3;
	v3 =	vsub.f32 v8, v11;
	_ =	sdelay $0x1  }
0xab: {  	(erf) = vpow2.f32 v2;
	v2 =	vmul.f32 $1.442695020e+00, v3;
	v3 =	vsub.f32 v10, v11  }
0xac: {  	v19 =	vor.u32 v62, v18  }
0xad: {  	v5 =	vpop (erf);
	(erf) = vpow2.f32 v2;
	v2 =	vmul.f32 $1.442695020e+00, v3;
	v3 =	vsub.f32 v4, v11  }
0xae: {  	v26 =	vld [tilespmem:$0x1FE60];
	v22 =	vor.u32 v30, v18;
	v4 =	vpop (erf)  }
0xaf: {  	v32 =	vld.idx.msk [tilespmem:v49+s15+$0x0], $0xffff;
	(erf) = vpow2.f32 v2;
	v2 =	vmul.f32 $1.442695020e+00, v3;
	v3 =	vadd.f32 v4, v5  }
0xb0: {  	v49 =	vld [tilespmem:$0x1FE80];
	v6 =	vpop (erf)  }
0xb1: {  	v37 =	vadd.f32 v55, v39;
	v55 =	vld [tilespmem:$0x1FE50];
	(erf) = vpow2.f32 v2;
	v2 =	vadd.f32 v3, v6  }
0xb2: {  	v19 =	vld.idx.msk [tilespmem:v19+s15+$0x0], $0xffff;
	v7 =	vpop (erf)  }
0xb3: {  	v22 =	vld.idx.msk [tilespmem:v22+s15+$0x0], $0xffff;
	v2 =	vadd.f32 v2, v7  }
0xb4: {  	v20 =	vld.idx.msk [tilespmem:v51+s15+$0x0], $0xffff;
	v8 =	vpop (erf)  }
0xb5: {  	v59 =	vor.u32 v61, v18;
	v51 =	vld [tilespmem:$0x1FFA0];
	v2 =	vadd.f32 v2, v8  }
0xb6: {  	v14 =	vld.idx.msk [tilespmem:v52+s15+$0x0], $0xffff;
	v10 =	vpop (erf)  }
0xb7: {  	v52 =	vld [tilespmem:$0x1FE20];
	v2 =	vadd.f32 v2, v10  }
0xb8: {  	v12 =	vld.idx.msk [tilespmem:v53+s15+$0x0], $0xffff;
	v11 =	vpop (erf)  }
0xb9: {  	v53 =	vld [tilespmem:$0x1FE30];
	v2 =	vadd.f32 v2, v11  }
0xba: {  	v13 =	vld.idx.msk [tilespmem:v59+s17+$0x0], $0xffff;
	v36 =	vpop (erf)  }
0xbb: {  	s10 =	simm.s32 $0x0;
	v58 =	vor.u32 v51, v18;
	v3 =	vld.idx.msk [tilespmem:v54+s15+$0x0], $0xffff;
	v2 =	vadd.f32 v2, v36  }
0xbc: {  	v23 =	vmov s10;
	v54 =	vld [tilespmem:$0x1FE40]  }
0xbd: {  	v23 =	vand.u32 $0x3F, v23;
	v20 =	vmul.f32 v20, v40;
	v59 =	vld [tilespmem:$0x1FFB0];
	(erf) = vrcp.f32 v2  }
0xbe: {  	v21 =	vld.idx.msk [tilespmem:v50+s15+$0x0], $0xffff;
	v62 =	vor.u32 v52, v23  }
0xbf: {  	v20 =	vadd.f32 v20, v46;
	v46 =	vld [tilespmem:$0x1FE90];
	v35 =	vor.u32 v53, v23  }
0xc0: {  	v50 =	vor.u32 v31, v18;
	v38 =	vld.idx.msk [tilespmem:v58+s15+$0x0], $0xffff  }
0xc1: {  	v31 =	vor.u32 v0, v18;
	v39 =	vor.u32 v54, v23;
	v2 =	vld.idx.msk [tilespmem:v47+s15+$0x0], $0xffff  }
0xc2: {  	v0 =	vmovc v27;
	v58 =	vor.u32 v26, v23;
	v47 =	vor.u32 v59, v18;
	v59 =	vor.u32 v27, v18;
	v27 =	vld [tilespmem:$0x1FE70]  }
0xc3: {  	v34 =	vld.idx.msk [tilespmem:v62+s15+$0x0], $0xffff;
	v62 =	vor.u32 v55, v23  }
0xc4: {  	v32 =	vmul.f32 v32, v40;
	v56 =	vor.u32 v16, v18;
	v14 =	vmul.f32 v14, v40;
	v35 =	vld.idx.msk [tilespmem:v35+s15+$0x0], $0xffff  }
0xc5: {  	v33 =	vld.idx.msk [tilespmem:v50+s15+$0x0], $0xffff;
	v21 =	vmul.f32 v21, v40;
	v12 =	vmul.f32 v12, v40  }
0xc6: {  	v14 =	vadd.f32 v14, v44;
	v57 =	vmul.f32 v19, v13;
	v3 =	vmul.f32 v3, v40;
	v39 =	vld.idx.msk [tilespmem:v39+s15+$0x0], $0xffff;
	v44 =	vpop (erf)  }
0xc7: {  	v50 =	vld.idx.msk [tilespmem:v58+s15+$0x0], $0xffff;
	v5 =	vmul.f32 v44, v5;
	v19 =	vmul.f32 v44, v4;
	v4 =	vor.u32 v27, v23  }
0xc8: {  	v21 =	vadd.f32 v21, v41;
	v48 =	vadd.f32 v3, v48;
	v3 =	vmul.f32 v44, v6;
	v6 =	vld.idx.msk [tilespmem:v62+s15+$0x0], $0xffff  }
0xc9: {  	v41 =	vadd.f32 v32, v43;
	v62 =	vld.idx.msk [tilespmem:v56+s15+$0x0], $0xffff;
	v34 =	vmul.f32 v34, v5;
	v35 =	vmul.f32 v35, v19  }
0xca: {  	v22 =	vmul.f32 v22, v13;
	v18 =	vadd.f32 v57, v42;
	v2 =	vmul.f32 v2, v40;
	v40 =	vld.idx.msk [tilespmem:v31+s15+$0x0], $0xffff  }
0xcb: {  	v47 =	vld.idx.msk [tilespmem:v47+s15+$0x0], $0xffff;
	v32 =	vmul.f32 v44, v7;
	v56 =	vmul.f32 v39, v3;
	v7 =	vadd.f32 v35, v34  }
0xcc: {  	v31 =	vor.u32 v49, v23;
	v37 =	vadd.f32 v2, v37;
	v2 =	vadd.f32 v22, v48;
	v57 =	vld.idx.msk [tilespmem:v4+s15+$0x0], $0xffff  }
0xcd: {  	v22 =	vld.idx.msk [tilespmem:v59+s15+$0x0], $0xffff;
	v34 =	vmul.f32 v44, v8;
	v6 =	vmul.f32 v6, v32;
	v7 =	vadd.f32 v56, v7  }
0xce: {  	v35 =	vmul.f32 v44, v10;
	v10 =	vor.u32 v46, v23;
	v8 =	vmul.f32 v62, v13  }
0xcf: {  	v62 =	vmul.f32 v50, v34;
	v6 =	vadd.f32 v6, v7;
	v7 =	vmul.f32 v40, v13  }
0xd0: {  	v33 =	vmul.f32 v33, v13;
	v38 =	vmul.f32 v38, v13  }
0xd1: {  	v59 =	vld.idx.msk [tilespmem:v31+s15+$0x0], $0xffff;
	v21 =	vadd.f32 v7, v21;
	v6 =	vadd.f32 v62, v6;
	v7 =	vmul.f32 v57, v35  }
0xd2: {  	v12 =	vadd.f32 v12, v45;
	v58 =	vmul.f32 v47, v13;
	v13 =	vmul.f32 v22, v13  }
0xd3: {  	v22 =	vadd.f32 v8, v41;
	v8 =	vadd.f32 v7, v6;
	v6 =	vld.idx.msk [tilespmem:v10+s15+$0x0], $0xffff  }
0xd4: {  	v23 =	vadd.f32 v58, v20;
	v20 =	vadd.f32 v13, v37;
	v37 =	vmul.f32 v44, v11  }
0xd5: {  	s9 =	simm.s32 $0x1;
	v36 =	vmul.f32 v44, v36  }
0xd6: {  	v4 =	vadd.f32 v33, v12;
	v11 =	vmov s9;
	v39 =	vmul.f32 v59, v37  }
0xd7: {  	s12 =	simm.s32 $0x2;
	v33 =	vadd.f32 v38, v14;
	v38 =	vand.u32 $0x3F, v11;
	v7 =	vor.u32 s10, v63  }
.LBB2_5:
0xd8: {  	p0 =	sne.s32 s12, $0x3F;
	v10 =	vor.u32 v52, v38;
	v8 =	vadd.f32 v39, v8;
	v6 =	vmul.f32 v6, v36  }
0xd9: {  	v11 =	vor.u32 v53, v38  }
0xda: {  	v6 =	vadd.f32 v6, v8  }
0xdb: {  	v8 =	vor.u32 v54, v38  }
0xdc: {  	[tilespmem:v7+s24+$0x0] =	vst.idx.msk $0xffff, v6  }
0xdd: {  	v7 =	vor.u32 v55, v38;
	v6 =	vld.idx.msk [tilespmem:v10+s15+$0x0], $0xffff  }
0xde: {  	v10 =	vld.idx.msk [tilespmem:v11+s15+$0x0], $0xffff  }
0xdf: {  	v11 =	vor.u32 v26, v38  }
0xe0: {  	v8 =	vld.idx.msk [tilespmem:v8+s15+$0x0], $0xffff  }
0xe1: {  	v12 =	vor.u32 v27, v38  }
0xe2: {  	v7 =	vld.idx.msk [tilespmem:v7+s15+$0x0], $0xffff  }
0xe3: {  	v13 =	vor.u32 v49, v38  }
0xe4: {  	v6 =	vmul.f32 v6, v5;
	v10 =	vmul.f32 v10, v19;
	v11 =	vld.idx.msk [tilespmem:v11+s15+$0x0], $0xffff  }
0xe5: {  	v14 =	vor.u32 v46, v38  }
0xe6: {  	v6 =	vadd.f32 v10, v6;
	v8 =	vmul.f32 v8, v3;
	v10 =	vld.idx.msk [tilespmem:v12+s15+$0x0], $0xffff;
	_ =	sdelay $0x1  }
0xe7: {  	v6 =	vadd.f32 v8, v6;
	v7 =	vmul.f32 v7, v32;
	v12 =	vld.idx.msk [tilespmem:v13+s15+$0x0], $0xffff;
	_ =	sdelay $0x1  }
0xe8: {  	v7 =	vadd.f32 v7, v6;
	v8 =	vmul.f32 v11, v34;
	v6 =	vld.idx.msk [tilespmem:v14+s15+$0x0], $0xffff  }
.Ltmp1:
0xe9: {  	(pc) =	sbr.rel @p0 .LBB2_5-.Ltmp1, $3  }
0xea: {  	v7 =	vadd.f32 v8, v7;
	v8 =	vmul.f32 v10, v35;
	_ =	sdelay $0x1  }
0xeb: {  	v10 =	vmov s12;
	v8 =	vadd.f32 v8, v7;
	v39 =	vmul.f32 v12, v37  }
0xec: {  	v38 =	vand.u32 $0x3F, v10;
	v7 =	vor.u32 s9, v63;
	s9 =	smov.u32 s12;
	s12 =	sadd.s32 $0x1, s12  }
0xed: {  	v10 =	vor.u32 v52, v38;
	v8 =	vadd.f32 v39, v8;
	v6 =	vmul.f32 v6, v36  }
0xee: {  	v11 =	vor.u32 v53, v38  }
0xef: {  	v6 =	vadd.f32 v6, v8  }
0xf0: {  	v8 =	vor.u32 v54, v38  }
0xf1: {  	[tilespmem:v7+s24+$0x0] =	vst.idx.msk $0xffff, v6  }
0xf2: {  	v7 =	vor.u32 v55, v38;
	v6 =	vld.idx.msk [tilespmem:v10+s15+$0x0], $0xffff  }
0xf3: {  	v10 =	vld.idx.msk [tilespmem:v11+s15+$0x0], $0xffff  }
0xf4: {  	v11 =	vor.u32 v26, v38  }
0xf5: {  	v8 =	vld.idx.msk [tilespmem:v8+s15+$0x0], $0xffff  }
0xf6: {  	v12 =	vor.u32 v27, v38  }
0xf7: {  	v7 =	vld.idx.msk [tilespmem:v7+s15+$0x0], $0xffff  }
0xf8: {  	v13 =	vor.u32 v49, v38;
	v5 =	vmul.f32 v6, v5;
	v6 =	vmul.f32 v10, v19  }
0xf9: {  	v10 =	vld.idx.msk [tilespmem:v11+s15+$0x0], $0xffff  }
0xfa: {  	v11 =	vor.u32 v46, v38;
	v5 =	vadd.f32 v6, v5;
	v3 =	vmul.f32 v8, v3  }
0xfb: {  	v6 =	vld.idx.msk [tilespmem:v12+s15+$0x0], $0xffff  }
0xfc: {  	v3 =	vadd.f32 v3, v5;
	v5 =	vmul.f32 v7, v32  }
0xfd: {  	v7 =	vld.idx.msk [tilespmem:v13+s15+$0x0], $0xffff  }
0xfe: {  	v3 =	vadd.f32 v5, v3;
	v5 =	vmul.f32 v10, v34  }
0xff: {  	v8 =	vld.idx.msk [tilespmem:v11+s15+$0x0], $0xffff  }
0x100: {  	v3 =	vadd.f32 v5, v3;
	v5 =	vmul.f32 v6, v35;
	_ =	sdelay $0x1  }
0x101: {  	v3 =	vadd.f32 v5, v3;
	v5 =	vmul.f32 v7, v37  }
0x102: {  	v6 =	vor.u32 s9, v63  }
0x103: {  	v3 =	vadd.f32 v5, v3;
	v5 =	vmul.f32 v8, v36;
	_ =	sdelay $0x1  }
0x104: {  	v3 =	vadd.f32 v5, v3  }
0x105: {  	v5 =	vld [tilespmem:$0x1FEB0]  }
0x106: {  	[tilespmem:v6+s24+$0x0] =	vst.idx.msk $0xffff, v3;
	v3 =	vld [tilespmem:$0x1FEA0];
	_ =	sdelay $0x6  }
0x107: {  	v5 =	vld.idx.msk [tilespmem:v5+s16+$0x0], $0xffff  }
0x108: {  	v3 =	vld.idx.msk [tilespmem:v3+s16+$0x0], $0xffff  }
0x109: {  	v6 =	vld [tilespmem:$0x1FEC0]  }
0x10a: {  	v8 =	vld [tilespmem:$0x1FED0]  }
0x10b: {  	v2 =	vmul.f32 $1.250000000e-01, v2;
	v4 =	vmul.f32 $1.250000000e-01, v4;
	v10 =	vld [tilespmem:$0x1FEE0]  }
0x10c: {  	v48 =	vld [tilespmem:$0x1FEF0]  }
0x10d: {  	v2 =	vadd.f32 v3, v2;
	v3 =	vadd.f32 v5, v4;
	v5 =	vld [tilespmem:$0x1FF00];
	_ =	sdelay $0x3  }
0x10e: {  	v7 =	vor.u32 $0x71, v63;
	v6 =	vld.idx.msk [tilespmem:v6+s16+$0x0], $0xffff  }
0x10f: {  	v8 =	vld.idx.msk [tilespmem:v8+s16+$0x0], $0xffff  }
0x110: {  	v10 =	vld.idx.msk [tilespmem:v10+s16+$0x0], $0xffff  }
0x111: {  	v11 =	vmul.f32 $1.250000000e-01, v33;
	v12 =	vld.idx.msk [tilespmem:v48+s16+$0x0], $0xffff  }
0x112: {  	v4 =	vmul.f32 $1.250000000e-01, v23;
	v5 =	vld.idx.msk [tilespmem:v5+s16+$0x0], $0xffff  }
0x113: {  	v7 =	vld.idx.msk [tilespmem:v7+s16+$0x0], $0xffff;
	v6 =	vadd.f32 v6, v11;
	v11 =	vmul.f32 $1.250000000e-01, v21  }
0x114: {  	v4 =	vadd.f32 v8, v4;
	v8 =	vmul.f32 $1.250000000e-01, v22;
	v49 =	vmax.f32 v2, v3  }
0x115: {  	v10 =	vadd.f32 v10, v11;
	v11 =	vmul.f32 $1.250000000e-01, v20;
	v13 =	vmax.f32 v49, v6  }
0x116: {  	v50 =	vmul.f32 $1.250000000e-01, v18;
	v8 =	vadd.f32 v12, v8;
	v13 =	vmax.f32 v13, v4  }
0x117: {  	v5 =	vadd.f32 v5, v11;
	v11 =	vmax.f32 v13, v10  }
0x118: {  	v7 =	vadd.f32 v7, v50;
	v11 =	vmax.f32 v11, v8  }
0x119: {  	v11 =	vmax.f32 v11, v5  }
0x11a: {  	v11 =	vmax.f32 v11, v7  }
0x11b: {  	v2 =	vsub.f32 v2, v11  }
0x11c: {  	v3 =	vsub.f32 v3, v11  }
0x11d: {  	v2 =	vmul.f32 $1.442695020e+00, v2  }
0x11e: {  	v6 =	vsub.f32 v6, v11;
	v3 =	vmul.f32 $1.442695020e+00, v3  }
0x11f: {  	(erf) = vpow2.f32 v2  }
0x120: {  	v2 =	vmul.f32 $1.442695020e+00, v6;
	(erf) = vpow2.f32 v3;
	v3 =	vsub.f32 v4, v11;
	_ =	sdelay $0x1  }
0x121: {  	(erf) = vpow2.f32 v2;
	v2 =	vmul.f32 $1.442695020e+00, v3;
	v3 =	vsub.f32 v10, v11;
	_ =	sdelay $0x1  }
0x122: {  	(erf) = vpow2.f32 v2;
	v2 =	vmul.f32 $1.442695020e+00, v3;
	v3 =	vsub.f32 v8, v11;
	_ =	sdelay $0x1  }
0x123: {  	(erf) = vpow2.f32 v2;
	v2 =	vmul.f32 $1.442695020e+00, v3;
	v3 =	vsub.f32 v5, v11;
	_ =	sdelay $0x1  }
0x124: {  	v6 =	vpop (erf);
	(erf) = vpow2.f32 v2;
	v2 =	vmul.f32 $1.442695020e+00, v3;
	v3 =	vsub.f32 v7, v11  }
0x125: {  	v7 =	vpop (erf)  }
0x126: {  	(erf) = vpow2.f32 v2;
	v2 =	vmul.f32 $1.442695020e+00, v3;
	v3 =	vadd.f32 v7, v6  }
0x127: {  	v8 =	vpop (erf)  }
0x128: {  	(erf) = vpow2.f32 v2;
	v2 =	vadd.f32 v3, v8  }
0x129: {  	v10 =	vpop (erf)  }
0x12a: {  	v2 =	vadd.f32 v2, v10  }
0x12b: {  	v11 =	vpop (erf)  }
0x12c: {  	v2 =	vadd.f32 v2, v11  }
0x12d: {  	v51 =	vpop (erf)  }
0x12e: {  	v2 =	vadd.f32 v2, v51  }
0x12f: {  	v52 =	vpop (erf)  }
0x130: {  	v2 =	vadd.f32 v2, v52  }
0x131: {  	v14 =	vpop (erf)  }
0x132: {  	s10 =	simm.s32 $0x0;
	v2 =	vadd.f32 v2, v14  }
0x133: {  	v3 =	vmov s10  }
0x134: {  	v4 =	vor.u32 $0x1C0, v60;
	v53 =	vand.u32 $0x3F, v3;
	(erf) = vrcp.f32 v2  }
0x135: {  	v21 =	vor.u32 $0xC0, v60;
	v18 =	vor.u32 v4, v53  }
0x136: {  	v2 =	vor.u32 v21, v53  }
0x137: {  	v5 =	vor.u32 $0x2C0, v60  }
0x138: {  	v19 =	vor.u32 v5, v53  }
0x139: {  	v3 =	vor.u32 $0x3C0, v60  }
0x13a: {  	v23 =	vor.u32 v3, v53;
	v54 =	vld.idx.msk [tilespmem:v18+s15+$0x0], $0xffff  }
0x13b: {  	v20 =	vor.u32 $0x4C0, v60;
	v22 =	vld.idx.msk [tilespmem:v2+s15+$0x0], $0xffff  }
0x13c: {  	v55 =	vor.u32 v20, v53  }
0x13d: {  	v57 =	vld.idx.msk [tilespmem:v19+s15+$0x0], $0xffff;
	v56 =	vpop (erf)  }
0x13e: {  	v32 =	vor.u32 $0x5C0, v60;
	v18 =	vmul.f32 v56, v6;
	v19 =	vmul.f32 v56, v7  }
0x13f: {  	v6 =	vor.u32 v32, v53;
	v2 =	vmul.f32 v56, v8;
	v7 =	vld.idx.msk [tilespmem:v23+s15+$0x0], $0xffff  }
0x140: {  	v34 =	vor.u32 $0x6C0, v60;
	v23 =	vmul.f32 v22, v18;
	v35 =	vmul.f32 v54, v19  }
0x141: {  	v37 =	vor.u32 $0x7C0, v60;
	v36 =	vld.idx.msk [tilespmem:v55+s15+$0x0], $0xffff;
	v8 =	vor.u32 v34, v53  }
0x142: {  	v22 =	vmul.f32 v56, v10;
	v58 =	vmul.f32 v57, v2;
	v10 =	vadd.f32 v35, v23  }
0x143: {  	v23 =	vmul.f32 v56, v11;
	v11 =	vor.u32 v37, v53  }
0x144: {  	v6 =	vld.idx.msk [tilespmem:v6+s15+$0x0], $0xffff;
	v7 =	vmul.f32 v7, v22;
	v10 =	vadd.f32 v58, v10;
	_ =	sdelay $0x1  }
0x145: {  	v59 =	vld.idx.msk [tilespmem:v8+s15+$0x0], $0xffff;
	v8 =	vmul.f32 v36, v23;
	v7 =	vadd.f32 v7, v10  }
0x146: {  	v33 =	vmul.f32 v56, v51  }
0x147: {  	v8 =	vadd.f32 v8, v7;
	v7 =	vld.idx.msk [tilespmem:v11+s15+$0x0], $0xffff  }
0x148: {  	s9 =	simm.s32 $0x1;
	v35 =	vmul.f32 v56, v52;
	v10 =	vmul.f32 v6, v33  }
0x149: {  	v62 =	vmov s9  }
0x14a: {  	v36 =	vmul.f32 v56, v14;
	v39 =	vmul.f32 v59, v35;
	v8 =	vadd.f32 v10, v8  }
0x14b: {  	v38 =	vand.u32 $0x3F, v62;
	v6 =	vor.u32 s10, v61;
	s10 =	simm.s32 $0x2  }
.LBB2_7:
0x14c: {  	p0 =	sne.s32 s10, $0x3F;
	v10 =	vor.u32 v21, v38;
	v8 =	vadd.f32 v39, v8;
	v7 =	vmul.f32 v7, v36  }
0x14d: {  	v11 =	vor.u32 v4, v38  }
0x14e: {  	v7 =	vadd.f32 v7, v8  }
0x14f: {  	v8 =	vor.u32 v5, v38  }
0x150: {  	[tilespmem:v6+s24+$0x0] =	vst.idx.msk $0xffff, v7  }
0x151: {  	v7 =	vor.u32 v3, v38;
	v6 =	vld.idx.msk [tilespmem:v10+s15+$0x0], $0xffff  }
0x152: {  	v10 =	vld.idx.msk [tilespmem:v11+s15+$0x0], $0xffff  }
0x153: {  	v11 =	vor.u32 v20, v38  }
0x154: {  	v8 =	vld.idx.msk [tilespmem:v8+s15+$0x0], $0xffff  }
0x155: {  	v12 =	vor.u32 v32, v38  }
0x156: {  	v7 =	vld.idx.msk [tilespmem:v7+s15+$0x0], $0xffff  }
0x157: {  	v13 =	vor.u32 v34, v38  }
0x158: {  	v6 =	vmul.f32 v6, v18;
	v10 =	vmul.f32 v10, v19;
	v11 =	vld.idx.msk [tilespmem:v11+s15+$0x0], $0xffff  }
0x159: {  	v14 =	vor.u32 v37, v38  }
0x15a: {  	v6 =	vadd.f32 v10, v6;
	v8 =	vmul.f32 v8, v2;
	v10 =	vld.idx.msk [tilespmem:v12+s15+$0x0], $0xffff;
	_ =	sdelay $0x1  }
0x15b: {  	v6 =	vadd.f32 v8, v6;
	v7 =	vmul.f32 v7, v22;
	v12 =	vld.idx.msk [tilespmem:v13+s15+$0x0], $0xffff;
	_ =	sdelay $0x1  }
0x15c: {  	v6 =	vadd.f32 v7, v6;
	v8 =	vmul.f32 v11, v23;
	v7 =	vld.idx.msk [tilespmem:v14+s15+$0x0], $0xffff  }
.Ltmp2:
0x15d: {  	(pc) =	sbr.rel @p0 .LBB2_7-.Ltmp2, $4  }
0x15e: {  	v8 =	vadd.f32 v8, v6;
	v10 =	vmul.f32 v10, v33  }
0x15f: {  	v6 =	vor.u32 s9, v61;
	s9 =	smov.u32 s10  }
0x160: {  	v11 =	vmov s10;
	v8 =	vadd.f32 v10, v8;
	v39 =	vmul.f32 v12, v35  }
0x161: {  	v38 =	vand.u32 $0x3F, v11;
	s10 =	sadd.s32 $0x1, s10  }
0x162: {  	v10 =	vor.u32 v21, v38;
	v8 =	vadd.f32 v39, v8;
	v7 =	vmul.f32 v7, v36  }
0x163: {  	v4 =	vor.u32 v4, v38  }
0x164: {  	v7 =	vadd.f32 v7, v8  }
0x165: {  	v5 =	vor.u32 v5, v38  }
0x166: {  	[tilespmem:v6+s24+$0x0] =	vst.idx.msk $0xffff, v7  }
0x167: {  	v3 =	vor.u32 v3, v38;
	v6 =	vld.idx.msk [tilespmem:v10+s15+$0x0], $0xffff  }
0x168: {  	v4 =	vld.idx.msk [tilespmem:v4+s15+$0x0], $0xffff  }
0x169: {  	v7 =	vor.u32 v20, v38  }
0x16a: {  	v5 =	vld.idx.msk [tilespmem:v5+s15+$0x0], $0xffff  }
0x16b: {  	v8 =	vor.u32 v32, v38  }
0x16c: {  	v3 =	vld.idx.msk [tilespmem:v3+s15+$0x0], $0xffff  }
0x16d: {  	v10 =	vor.u32 v34, v38;
	v6 =	vmul.f32 v6, v18;
	v4 =	vmul.f32 v4, v19  }
0x16e: {  	v7 =	vld.idx.msk [tilespmem:v7+s15+$0x0], $0xffff  }
0x16f: {  	v11 =	vor.u32 v37, v38;
	v2 =	vmul.f32 v5, v2;
	v4 =	vadd.f32 v4, v6  }
0x170: {  	v5 =	vld.idx.msk [tilespmem:v8+s15+$0x0], $0xffff  }
0x171: {  	v3 =	vmul.f32 v3, v22;
	v2 =	vadd.f32 v2, v4  }
0x172: {  	v4 =	vld.idx.msk [tilespmem:v10+s15+$0x0], $0xffff  }
0x173: {  	v2 =	vadd.f32 v3, v2;
	v3 =	vmul.f32 v7, v23  }
0x174: {  	v6 =	vld.idx.msk [tilespmem:v11+s15+$0x0], $0xffff  }
0x175: {  	v2 =	vadd.f32 v3, v2;
	v3 =	vmul.f32 v5, v33;
	_ =	sdelay $0x1  }
0x176: {  	v2 =	vadd.f32 v3, v2;
	v3 =	vmul.f32 v4, v35  }
0x177: {  	v4 =	vor.u32 s9, v61  }
0x178: {  	v2 =	vadd.f32 v3, v2;
	v3 =	vmul.f32 v6, v36  }
0x179: {  	s12 =	sshll.u32 s31, $0xC  }
0x17a: {  	s9 =	sadd.s32 s11, s12;
	v2 =	vadd.f32 v3, v2  }
0x17b: {  	s9 =	sshrl.u32 s9, $0x3  }
0x17c: {  	s9 =	sadd.s32 s7, s9;
	[tilespmem:v4+s24+$0x0] =	vst.idx.msk $0xffff, v2  }
0x17d: {  	[hbm4b:s9+s3] =	stream.linear.scatter [tilespmem:s24], [sflag:$0x3], $0x800, $0x38;
	[tilespmem:$0x13200] =	vst v63  }
0x17e: {  	_ =	swait.ge [sflag:s25], $0x8000  }
0x17f: {  	[sflag:s25] =	ssyncset.done $0x0  }
0x180: {  	[sflag:s25] =	ssyncadd.s32 $0xFFFF8000  }
0x181: {  	p0 =	seq.s32 s31, $0x9C;
	_ =	swait.ge [sflag:s25], $0x800  }
0x182: {  	s2 =	sadd.s32 @!p0 $0x2, s2;
	[sflag:s25] =	ssyncset.done $0x0  }
0x183: {  	s9 =	sadd.s32 @!p0 s8, s2;
	[sflag:s25] =	ssyncadd.s32 $0xFFFFF800  }
0x184: {  	s9 =	sshll.u32 @!p0 s9, $0x5;
	_ =	swait.ge [sflag:s25], $0x800  }
0x185: {  	s9 =	sand.u32 @!p0 $0x1FFFFFC0, s9;
	[sflag:s25] =	ssyncset.done $0x0  }
0x186: {  	s10 =	simm.s32 @!p0 $0x0;
	s9 =	sadd.s32 @!p0 s6, s9;
	[sflag:s25] =	ssyncadd.s32 $0xFFFFF800  }
0x187: {  	[tilespmem:s10], [sflag:$0x5] =	stream.linear.gather @!p0 [hbm4b:s9+s10], $0x100, $0x38;
	[tilespmem:$0x13200] =	vst v63  }
0x188: {  	s9 =	simm.s32 @!p0 $0x5  }
0x189: {  	_ =	swait.ge @!p0 [sflag:s9], $0x100  }
0x18a: {  	s12 =	simm.s32 @!p0 $0x200;
	s2 =	sshll.u32 @!p0 s2, $0xB;
	[sflag:s9] =	ssyncset.done @!p0 $0x0  }
0x18b: {  	s2 =	sadd.s32 @!p0 s11, s2;
	[sflag:s9] =	ssyncadd.s32 @!p0 $0xFFFFFF00;
	s9 =	simm.s32 @!p0 $0x80  }
0x18c: {  	[tilespmem:s12], [sflag:$0x1] =	stream.indirect.gather @!p0 [hbm4b:s5+s9], $0x100, s10, s9, $0xb8;
	[tilespmem:$0x13200] =	vst v63  }
0x18d: {  	s2 =	sshrl.u32 @!p0 s2, $0x3;
	s12 =	simm.s32 @!p0 $0x10200  }
0x18e: {  	[tilespmem:s12], [sflag:$0x1] =	stream.indirect.gather @!p0 [hbm4b:s1+s9], $0x10, s9, s9, $0xb8;
	[tilespmem:$0x13200] =	vst v63  }
0x18f: {  	s2 =	sadd.s32 @!p0 s4, s2;
	s9 =	simm.s32 @!p0 $0x11200  }
0x190: {  	[tilespmem:s9], [sflag:$0x1] =	stream.linear.gather @!p0 [hbm4b:s2+s10], $0x800, $0x38;
	[tilespmem:$0x13200] =	vst v63  }
0x191: {  	s10 =	simm.s32 $0x0  }
0x192: {  	v2 =	vmov s10  }
0x193: {  	v2 =	vand.u32 $0x3F, v2  }
0x194: {  	v2 =	vbroadcast v2, $0x0  }
0x195: {  	v39 =	vor.u32 $0x840, v63  }
0x196: {  	v42 =	vor.u32 $0x8740, v60;
	p1 =	seq.s32 @!p0 s31, $0x0;
	v3 =	vor.u32 v39, v2  }
0x197: {  	v40 =	vor.u32 $0x800, v63;
	p0 =	por p0, !p1;
	v4 =	vor.u32 v42, v2  }
0x198: {  	v18 =	vor.u32 $0x8000, v60;
	_ =	swait.ge @p0 [sflag:s29], $0x800;
	v5 =	vor.u32 v40, v2  }
0x199: {  	v19 =	vor.u32 $0x8100, v60;
	[sflag:s29] =	ssyncset.done @p0 $0x0;
	v6 =	vor.u32 v18, v2  }
0x19a: {  	v20 =	vor.u32 $0x8200, v60;
	[sflag:s29] =	ssyncadd.s32 @p0 $0xFFFFF800;
	v7 =	vor.u32 v19, v2  }
0x19b: {  	v22 =	vor.u32 $0x8400, v60;
	v8 =	vor.u32 v20, v2;
	v41 =	vld.idx.msk [tilespmem:v3+s17+$0x0], $0xffff  }
0x19c: {  	v23 =	vor.u32 $0x8500, v60;
	v10 =	vor.u32 v22, v2;
	v4 =	vld.idx.msk [tilespmem:v4+s15+$0x0], $0xffff  }
0x19d: {  	v47 =	vor.u32 $0x8240, v60;
	v11 =	vor.u32 v23, v2;
	v5 =	vld.idx.msk [tilespmem:v5+s17+$0x0], $0xffff  }
0x19e: {  	v48 =	vor.u32 $0x8340, v60;
	v51 =	vor.u32 v47, v2;
	v6 =	vld.idx.msk [tilespmem:v6+s15+$0x0], $0xffff  }
0x19f: {  	v21 =	vor.u32 $0x8300, v60;
	v52 =	vor.u32 v48, v2;
	v7 =	vld.idx.msk [tilespmem:v7+s15+$0x0], $0xffff  }
0x1a0: {  	v63 =	vimm.f32 $0.0e+00;
	v33 =	vor.u32 $0x8600, v60;
	v3 =	vor.u32 v21, v2;
	v8 =	vld.idx.msk [tilespmem:v8+s15+$0x0], $0xffff  }
0x1a1: {  	v46 =	vor.u32 $0x8040, v60;
	v32 =	vor.u32 $0x8700, v60;
	v12 =	vor.u32 v33, v2;
	v10 =	vld.idx.msk [tilespmem:v10+s15+$0x0], $0xffff  }
0x1a2: {  	v45 =	vor.u32 $0x8140, v60;
	v49 =	vor.u32 $0x8440, v60;
	v13 =	vor.u32 v32, v2;
	v11 =	vld.idx.msk [tilespmem:v11+s15+$0x0], $0xffff  }
0x1a3: {  	v50 =	vor.u32 $0x8540, v60;
	v44 =	vor.u32 $0x8640, v60;
	v53 =	vor.u32 v49, v2;
	v59 =	vld.idx.msk [tilespmem:v51+s15+$0x0], $0xffff  }
0x1a4: {  	v57 =	vimm.f32 $0.0e+00;
	v56 =	vimm.f32 $0.0e+00;
	v30 =	vor.u32 v46, v2;
	v60 =	vld.idx.msk [tilespmem:v52+s15+$0x0], $0xffff  }
0x1a5: {  	v55 =	vimm.f32 $0.0e+00;
	v54 =	vimm.f32 $0.0e+00;
	v31 =	vor.u32 v45, v2;
	v14 =	vld.idx.msk [tilespmem:v3+s15+$0x0], $0xffff  }
0x1a6: {  	v62 =	vor.u32 v50, v2;
	v58 =	vor.u32 v44, v2;
	v2 =	vmul.f32 v6, v5;
	v6 =	vld.idx.msk [tilespmem:v12+s15+$0x0], $0xffff  }
0x1a7: {  	v52 =	vimm.f32 $0.0e+00;
	v3 =	vmul.f32 v4, v41;
	v4 =	vmul.f32 v7, v5;
	v7 =	vld.idx.msk [tilespmem:v13+s15+$0x0], $0xffff  }
0x1a8: {  	v61 =	vld.idx.msk [tilespmem:v53+s15+$0x0], $0xffff;
	v53 =	vimm.f32 $0.0e+00;
	v51 =	vimm.f32 $0.0e+00;
	v8 =	vmul.f32 v8, v5  }
0x1a9: {  	v34 =	vld.idx.msk [tilespmem:v30+s15+$0x0], $0xffff;
	v10 =	vmul.f32 v10, v5;
	v11 =	vmul.f32 v11, v5;
	v43 =	vadd.f32 v3, v63  }
0x1aa: {  	v35 =	vld.idx.msk [tilespmem:v31+s15+$0x0], $0xffff;
	v3 =	vadd.f32 v2, v63;
	v4 =	vadd.f32 v4, v63;
	v2 =	vmul.f32 v14, v5  }
0x1ab: {  	s12 =	simm.s32 $0x1;
	v37 =	vadd.f32 v8, v63;
	v38 =	vadd.f32 v10, v63;
	v6 =	vmul.f32 v6, v5  }
0x1ac: {  	v7 =	vmul.f32 v7, v5;
	v36 =	vadd.f32 v2, v63;
	v2 =	vmov s12  }
0x1ad: {  	s2 =	simm.s32 $0x2;
	v62 =	vld.idx.msk [tilespmem:v62+s15+$0x0], $0xffff;
	v5 =	vimm.f32 $0.0e+00;
	v8 =	vand.u32 $0x3F, v2;
	v2 =	vadd.f32 v11, v63  }
.LBB2_9:
0x1ae: {  	p0 =	sne.s32 s2, $0x3F;
	v8 =	vbroadcast v8, $0x0;
	v63 =	vadd.f32 v6, v63;
	v6 =	vmul.f32 v34, v41;
	v10 =	vld.idx.msk [tilespmem:v58+s15+$0x0], $0xffff  }
0x1af: {  	v5 =	vadd.f32 v7, v5;
	v7 =	vmul.f32 v35, v41  }
0x1b0: {  	v11 =	vor.u32 v40, v8;
	v12 =	vor.u32 v39, v8  }
0x1b1: {  	v13 =	vor.u32 v18, v8;
	v14 =	vor.u32 v19, v8;
	v34 =	vor.u32 v42, v8  }
0x1b2: {  	v35 =	vor.u32 v20, v8;
	v15 =	vor.u32 v21, v8;
	v16 =	vor.u32 v22, v8  }
0x1b3: {  	v17 =	vor.u32 v23, v8;
	v24 =	vor.u32 v33, v8;
	v25 =	vor.u32 v32, v8  }
0x1b4: {  	v26 =	vor.u32 v46, v8;
	v27 =	vor.u32 v45, v8;
	v28 =	vor.u32 v47, v8  }
0x1b5: {  	v29 =	vor.u32 v48, v8;
	v30 =	vor.u32 v49, v8;
	v31 =	vor.u32 v50, v8;
	v12 =	vld.idx.msk [tilespmem:v12+s17+$0x0], $0xffff  }
0x1b6: {  	v58 =	vor.u32 v44, v8;
	v8 =	vld.idx.msk [tilespmem:v34+s15+$0x0], $0xffff;
	v34 =	vmul.f32 v59, v41;
	v59 =	vmul.f32 v60, v41  }
0x1b7: {  	v57 =	vadd.f32 v6, v57;
	v6 =	vmul.f32 v61, v41;
	v60 =	vmul.f32 v62, v41;
	v11 =	vld.idx.msk [tilespmem:v11+s17+$0x0], $0xffff  }
0x1b8: {  	v56 =	vadd.f32 v7, v56;
	v7 =	vmul.f32 v10, v41;
	v13 =	vld.idx.msk [tilespmem:v13+s15+$0x0], $0xffff;
	v55 =	vadd.f32 v34, v55  }
0x1b9: {  	v52 =	vadd.f32 v6, v52;
	v54 =	vadd.f32 v59, v54;
	v10 =	vld.idx.msk [tilespmem:v14+s15+$0x0], $0xffff  }
0x1ba: {  	v51 =	vadd.f32 v7, v51;
	v53 =	vadd.f32 v60, v53;
	v6 =	vld.idx.msk [tilespmem:v35+s15+$0x0], $0xffff  }
0x1bb: {  	v41 =	vmov v12;
	v7 =	vld.idx.msk [tilespmem:v15+s15+$0x0], $0xffff  }
0x1bc: {  	v8 =	vmul.f32 v8, v41;
	v12 =	vld.idx.msk [tilespmem:v16+s15+$0x0], $0xffff  }
0x1bd: {  	v14 =	vld.idx.msk [tilespmem:v17+s15+$0x0], $0xffff  }
0x1be: {  	v13 =	vmul.f32 v13, v11;
	v43 =	vadd.f32 v8, v43;
	v15 =	vld.idx.msk [tilespmem:v24+s15+$0x0], $0xffff  }
0x1bf: {  	v8 =	vmul.f32 v10, v11;
	v10 =	vld.idx.msk [tilespmem:v25+s15+$0x0], $0xffff  }
0x1c0: {  	v3 =	vadd.f32 v13, v3;
	v6 =	vmul.f32 v6, v11;
	v34 =	vld.idx.msk [tilespmem:v26+s15+$0x0], $0xffff  }
.Ltmp3:
0x1c1: {  	v4 =	vadd.f32 v8, v4;
	v7 =	vmul.f32 v7, v11;
	v35 =	vld.idx.msk [tilespmem:v27+s15+$0x0], $0xffff;
	(pc) =	sbr.rel @p0 .LBB2_9-.Ltmp3, $4  }
0x1c2: {  	v37 =	vadd.f32 v6, v37;
	v6 =	vmul.f32 v12, v11;
	v59 =	vld.idx.msk [tilespmem:v28+s15+$0x0], $0xffff  }
0x1c3: {  	v36 =	vadd.f32 v7, v36;
	v7 =	vmul.f32 v14, v11;
	v60 =	vld.idx.msk [tilespmem:v29+s15+$0x0], $0xffff  }
0x1c4: {  	v8 =	vmov s2;
	v38 =	vadd.f32 v6, v38;
	v6 =	vmul.f32 v15, v11;
	v61 =	vld.idx.msk [tilespmem:v30+s15+$0x0], $0xffff  }
0x1c5: {  	s2 =	sadd.s32 $0x1, s2;
	v8 =	vand.u32 $0x3F, v8;
	v2 =	vadd.f32 v7, v2;
	v7 =	vmul.f32 v10, v11;
	v62 =	vld.idx.msk [tilespmem:v31+s15+$0x0], $0xffff  }
0x1c6: {  	v8 =	vbroadcast v8, $0x0;
	_ =	sdelay $0x1  }
0x1c7: {  	v10 =	vor.u32 v40, v8  }
0x1c8: {  	v11 =	vor.u32 v18, v8  }
0x1c9: {  	v12 =	vor.u32 v19, v8  }
0x1ca: {  	v13 =	vor.u32 v20, v8  }
0x1cb: {  	v14 =	vor.u32 v21, v8  }
0x1cc: {  	v15 =	vor.u32 v22, v8;
	v10 =	vld.idx.msk [tilespmem:v10+s17+$0x0], $0xffff  }
0x1cd: {  	v16 =	vor.u32 v23, v8;
	v11 =	vld.idx.msk [tilespmem:v11+s15+$0x0], $0xffff  }
0x1ce: {  	v17 =	vor.u32 v33, v8;
	v12 =	vld.idx.msk [tilespmem:v12+s15+$0x0], $0xffff  }
0x1cf: {  	v18 =	vor.u32 v32, v8;
	v13 =	vld.idx.msk [tilespmem:v13+s15+$0x0], $0xffff  }
0x1d0: {  	v14 =	vld.idx.msk [tilespmem:v14+s15+$0x0], $0xffff  }
0x1d1: {  	v19 =	vor.u32 $0x810, v9;
	v15 =	vld.idx.msk [tilespmem:v15+s15+$0x0], $0xffff  }
0x1d2: {  	v16 =	vld.idx.msk [tilespmem:v16+s15+$0x0], $0xffff  }
0x1d3: {  	v20 =	vor.u32 $0x820, v9;
	v17 =	vld.idx.msk [tilespmem:v17+s15+$0x0], $0xffff  }
0x1d4: {  	v6 =	vadd.f32 v6, v63;
	v5 =	vadd.f32 v7, v5;
	v21 =	vor.u32 $0x830, v9;
	v7 =	vld.idx.msk [tilespmem:v18+s15+$0x0], $0xffff  }
0x1d5: {  	v32 =	vor.u32 $0x850, v9;
	v22 =	vor.u32 $0x870, v9;
	v11 =	vmul.f32 v11, v10  }
0x1d6: {  	v18 =	vld.idx.msk [tilespmem:v19+s16+$0x0], $0xffff;
	v19 =	vor.u32 $0x860, v9;
	v12 =	vmul.f32 v12, v10;
	v14 =	vmul.f32 v14, v10  }
0x1d7: {  	v31 =	vld.idx.msk [tilespmem:v40+s16+$0x0], $0xffff;
	v15 =	vmul.f32 v15, v10;
	v3 =	vadd.f32 v11, v3;
	v11 =	vmul.f32 v13, v10  }
0x1d8: {  	v20 =	vld.idx.msk [tilespmem:v20+s16+$0x0], $0xffff;
	v16 =	vmul.f32 v16, v10;
	v17 =	vmul.f32 v17, v10;
	v4 =	vadd.f32 v12, v4  }
0x1d9: {  	v21 =	vld.idx.msk [tilespmem:v21+s16+$0x0], $0xffff;
	v7 =	vmul.f32 v7, v10;
	v14 =	vadd.f32 v14, v36;
	v11 =	vadd.f32 v11, v37  }
0x1da: {  	v2 =	vadd.f32 v16, v2;
	v16 =	vld.idx.msk [tilespmem:v39+s16+$0x0], $0xffff;
	v3 =	vmul.f32 $1.250000000e-01, v3;
	v4 =	vmul.f32 $1.250000000e-01, v4  }
0x1db: {  	v15 =	vadd.f32 v15, v38;
	v6 =	vadd.f32 v17, v6;
	v10 =	vmul.f32 $1.250000000e-01, v11;
	v11 =	vld.idx.msk [tilespmem:v32+s16+$0x0], $0xffff  }
0x1dc: {  	v36 =	vld.idx.msk [tilespmem:v19+s16+$0x0], $0xffff;
	v33 =	vmul.f32 $1.250000000e-01, v14;
	v3 =	vadd.f32 v31, v3;
	v4 =	vadd.f32 v18, v4  }
0x1dd: {  	v5 =	vadd.f32 v7, v5;
	v37 =	vld.idx.msk [tilespmem:v22+s16+$0x0], $0xffff;
	v7 =	vadd.f32 v20, v10;
	v10 =	vmul.f32 $1.250000000e-01, v15  }
0x1de: {  	v2 =	vmul.f32 $1.250000000e-01, v2;
	v12 =	vadd.f32 v21, v33;
	v38 =	vmax.f32 v3, v4  }
0x1df: {  	v6 =	vmul.f32 $1.250000000e-01, v6;
	v10 =	vadd.f32 v16, v10;
	v15 =	vmax.f32 v38, v7  }
0x1e0: {  	v5 =	vmul.f32 $1.250000000e-01, v5;
	v2 =	vadd.f32 v11, v2;
	v11 =	vmax.f32 v15, v12  }
0x1e1: {  	v6 =	vadd.f32 v36, v6;
	v11 =	vmax.f32 v11, v10  }
0x1e2: {  	v5 =	vadd.f32 v37, v5;
	v11 =	vmax.f32 v11, v2  }
0x1e3: {  	v11 =	vmax.f32 v11, v6  }
0x1e4: {  	v11 =	vmax.f32 v11, v5  }
0x1e5: {  	v3 =	vsub.f32 v3, v11  }
0x1e6: {  	v4 =	vsub.f32 v4, v11  }
0x1e7: {  	v3 =	vmul.f32 $1.442695020e+00, v3  }
0x1e8: {  	v7 =	vsub.f32 v7, v11;
	v4 =	vmul.f32 $1.442695020e+00, v4  }
0x1e9: {  	(erf) = vpow2.f32 v3  }
0x1ea: {  	v3 =	vmul.f32 $1.442695020e+00, v7;
	(erf) = vpow2.f32 v4;
	v4 =	vsub.f32 v12, v11;
	_ =	sdelay $0x1  }
0x1eb: {  	(erf) = vpow2.f32 v3;
	v3 =	vmul.f32 $1.442695020e+00, v4;
	v4 =	vsub.f32 v10, v11;
	_ =	sdelay $0x1  }
0x1ec: {  	v2 =	vsub.f32 v2, v11;
	(erf) = vpow2.f32 v3;
	v3 =	vmul.f32 $1.442695020e+00, v4;
	_ =	sdelay $0x1  }
0x1ed: {  	v2 =	vmul.f32 $1.442695020e+00, v2;
	(erf) = vpow2.f32 v3;
	v3 =	vsub.f32 v6, v11;
	_ =	sdelay $0x1  }
0x1ee: {  	v6 =	vpop (erf);
	(erf) = vpow2.f32 v2;
	v2 =	vmul.f32 $1.442695020e+00, v3;
	v3 =	vsub.f32 v5, v11  }
0x1ef: {  	v7 =	vpop (erf)  }
0x1f0: {  	(erf) = vpow2.f32 v2;
	v2 =	vmul.f32 $1.442695020e+00, v3;
	v3 =	vadd.f32 v7, v6  }
0x1f1: {  	v10 =	vpop (erf)  }
0x1f2: {  	(erf) = vpow2.f32 v2;
	v2 =	vadd.f32 v3, v10  }
0x1f3: {  	v11 =	vpop (erf)  }
0x1f4: {  	v2 =	vadd.f32 v2, v11  }
0x1f5: {  	v12 =	vpop (erf)  }
0x1f6: {  	v2 =	vadd.f32 v2, v12  }
0x1f7: {  	v13 =	vpop (erf)  }
0x1f8: {  	v3 =	vor.u32 v39, v8;
	v2 =	vadd.f32 v2, v13  }
0x1f9: {  	v4 =	vor.u32 v42, v8;
	v14 =	vpop (erf)  }
0x1fa: {  	v26 =	vmul.f32 v59, v41;
	v2 =	vadd.f32 v2, v14  }
0x1fb: {  	v23 =	vor.u32 $0x8280, v1;
	v59 =	vmul.f32 v62, v41;
	v17 =	vor.u32 v45, v8;
	v24 =	vpop (erf)  }
0x1fc: {  	s9 =	simm.s32 $0x0;
	v19 =	vor.u32 v48, v8;
	v20 =	vld.idx.msk [tilespmem:v58+s15+$0x0], $0xffff;
	v16 =	vor.u32 v46, v8;
	v2 =	vadd.f32 v2, v24  }
0x1fd: {  	v22 =	vor.u32 v50, v8;
	v18 =	vor.u32 v47, v8;
	v25 =	vld.idx.msk [tilespmem:v3+s17+$0x0], $0xffff;
	v3 =	vmov s9  }
0x1fe: {  	v27 =	vld.idx.msk [tilespmem:v4+s15+$0x0], $0xffff;
	v28 =	vand.u32 $0x3F, v3;
	v3 =	vor.u32 $0x8080, v1;
	(erf) = vrcp.f32 v2  }
0x1ff: {  	v21 =	vor.u32 v49, v8;
	v4 =	vor.u32 $0x8180, v1;
	v29 =	vor.u32 v3, v28  }
0x200: {  	v33 =	vor.u32 $0x8380, v1;
	v17 =	vld.idx.msk [tilespmem:v17+s15+$0x0], $0xffff;
	v5 =	vmul.f32 v34, v41;
	v31 =	vor.u32 v4, v28  }
0x201: {  	v32 =	vadd.f32 v59, v53;
	v20 =	vmul.f32 v20, v41;
	v16 =	vld.idx.msk [tilespmem:v16+s15+$0x0], $0xffff;
	v2 =	vmul.f32 v60, v41  }
0x202: {  	v19 =	vld.idx.msk [tilespmem:v19+s15+$0x0], $0xffff;
	v30 =	vadd.f32 v5, v57;
	v5 =	vmul.f32 v61, v41;
	v61 =	vor.u32 v23, v28  }
0x203: {  	v22 =	vld.idx.msk [tilespmem:v22+s15+$0x0], $0xffff;
	v42 =	vmul.f32 v35, v41;
	v62 =	vadd.f32 v2, v54;
	v2 =	vmul.f32 v27, v25  }
0x204: {  	v8 =	vor.u32 v44, v8;
	v52 =	vadd.f32 v5, v52;
	v53 =	vor.u32 v33, v28;
	v29 =	vld.idx.msk [tilespmem:v29+s15+$0x0], $0xffff  }
0x205: {  	v5 =	vor.u32 $0x8480, v1;
	v54 =	vadd.f32 v20, v51;
	v20 =	vld.idx.msk [tilespmem:v31+s15+$0x0], $0xffff;
	v41 =	vadd.f32 v2, v43  }
0x206: {  	v18 =	vld.idx.msk [tilespmem:v18+s15+$0x0], $0xffff;
	v2 =	vmul.f32 v16, v25;
	v16 =	vmul.f32 v17, v25;
	v17 =	vor.u32 v5, v28  }
0x207: {  	v26 =	vadd.f32 v26, v55;
	v15 =	vadd.f32 v42, v56;
	v56 =	vmul.f32 v19, v25;
	v19 =	vld.idx.msk [tilespmem:v61+s15+$0x0], $0xffff;
	v57 =	vpop (erf)  }
0x208: {  	v37 =	vor.u32 $0x8580, v1;
	v21 =	vld.idx.msk [tilespmem:v21+s15+$0x0], $0xffff;
	v35 =	vmul.f32 v57, v6;
	v36 =	vmul.f32 v57, v7  }
0x209: {  	v47 =	vor.u32 $0x8780, v1;
	v6 =	vor.u32 v37, v28;
	v34 =	vmul.f32 v57, v10;
	v7 =	vld.idx.msk [tilespmem:v53+s15+$0x0], $0xffff  }
0x20a: {  	v42 =	vor.u32 $0x8680, v1;
	v8 =	vld.idx.msk [tilespmem:v8+s15+$0x0], $0xffff;
	v29 =	vmul.f32 v29, v35;
	v20 =	vmul.f32 v20, v36  }
0x20b: {  	v55 =	vmul.f32 v18, v25;
	v18 =	vadd.f32 v16, v15;
	v59 =	vld.idx.msk [tilespmem:v17+s15+$0x0], $0xffff;
	v10 =	vor.u32 v42, v28  }
0x20c: {  	v38 =	vmul.f32 v57, v11;
	v16 =	vmul.f32 v19, v34;
	v11 =	vadd.f32 v20, v29  }
0x20d: {  	v61 =	vor.u32 v47, v28  }
0x20e: {  	v43 =	vmul.f32 v57, v12;
	v6 =	vld.idx.msk [tilespmem:v6+s15+$0x0], $0xffff;
	v7 =	vmul.f32 v7, v38;
	v11 =	vadd.f32 v16, v11  }
0x20f: {  	v21 =	vmul.f32 v21, v25;
	v58 =	vmul.f32 v22, v25  }
0x210: {  	v8 =	vmul.f32 v8, v25;
	v10 =	vld.idx.msk [tilespmem:v10+s15+$0x0], $0xffff;
	v7 =	vadd.f32 v7, v11;
	v11 =	vmul.f32 v59, v43  }
0x211: {  	v22 =	vadd.f32 v56, v62;
	v44 =	vmul.f32 v57, v13;
	v20 =	vadd.f32 v21, v52  }
0x212: {  	s2 =	simm.s32 $0x1;
	v21 =	vadd.f32 v8, v54;
	v8 =	vadd.f32 v11, v7;
	v7 =	vld.idx.msk [tilespmem:v61+s15+$0x0], $0xffff  }
0x213: {  	v62 =	vmov s2;
	v45 =	vmul.f32 v57, v14;
	v11 =	vmul.f32 v6, v44  }
0x214: {  	v32 =	vadd.f32 v58, v32;
	v48 =	vand.u32 $0x3F, v62  }
0x215: {  	v46 =	vmul.f32 v57, v24;
	v49 =	vmul.f32 v10, v45;
	v8 =	vadd.f32 v11, v8  }
0x216: {  	v63 =	vmovc v9;
	v60 =	vmovc v1;
	v2 =	vadd.f32 v2, v30;
	v19 =	vadd.f32 v55, v26;
	v6 =	vor.u32 s9, v40;
	s9 =	simm.s32 $0x2  }
.LBB2_11:
0x217: {  	p0 =	sne.s32 s9, $0x3F;
	v10 =	vor.u32 v3, v48;
	v8 =	vadd.f32 v49, v8;
	v7 =	vmul.f32 v7, v46  }
0x218: {  	v11 =	vor.u32 v4, v48  }
0x219: {  	v7 =	vadd.f32 v7, v8  }
0x21a: {  	v8 =	vor.u32 v23, v48  }
0x21b: {  	[tilespmem:v6+s24+$0x0] =	vst.idx.msk $0xffff, v7  }
0x21c: {  	v7 =	vor.u32 v33, v48;
	v6 =	vld.idx.msk [tilespmem:v10+s15+$0x0], $0xffff  }
0x21d: {  	v10 =	vld.idx.msk [tilespmem:v11+s15+$0x0], $0xffff  }
0x21e: {  	v11 =	vor.u32 v5, v48  }
0x21f: {  	v8 =	vld.idx.msk [tilespmem:v8+s15+$0x0], $0xffff  }
0x220: {  	v12 =	vor.u32 v37, v48  }
0x221: {  	v7 =	vld.idx.msk [tilespmem:v7+s15+$0x0], $0xffff  }
0x222: {  	v13 =	vor.u32 v42, v48  }
0x223: {  	v6 =	vmul.f32 v6, v35;
	v10 =	vmul.f32 v10, v36;
	v11 =	vld.idx.msk [tilespmem:v11+s15+$0x0], $0xffff  }
0x224: {  	v14 =	vor.u32 v47, v48  }
0x225: {  	v6 =	vadd.f32 v10, v6;
	v8 =	vmul.f32 v8, v34;
	v10 =	vld.idx.msk [tilespmem:v12+s15+$0x0], $0xffff;
	_ =	sdelay $0x1  }
0x226: {  	v6 =	vadd.f32 v8, v6;
	v7 =	vmul.f32 v7, v38;
	v12 =	vld.idx.msk [tilespmem:v13+s15+$0x0], $0xffff;
	_ =	sdelay $0x1  }
0x227: {  	v6 =	vadd.f32 v7, v6;
	v8 =	vmul.f32 v11, v43;
	v7 =	vld.idx.msk [tilespmem:v14+s15+$0x0], $0xffff  }
.Ltmp4:
0x228: {  	(pc) =	sbr.rel @p0 .LBB2_11-.Ltmp4, $4  }
0x229: {  	v8 =	vadd.f32 v8, v6;
	v10 =	vmul.f32 v10, v44  }
0x22a: {  	v6 =	vor.u32 s2, v40;
	s2 =	smov.u32 s9  }
0x22b: {  	v11 =	vmov s9;
	v8 =	vadd.f32 v10, v8;
	v49 =	vmul.f32 v12, v45  }
0x22c: {  	v48 =	vand.u32 $0x3F, v11;
	s9 =	sadd.s32 $0x1, s9  }
0x22d: {  	v3 =	vor.u32 v3, v48;
	v8 =	vadd.f32 v49, v8;
	v7 =	vmul.f32 v7, v46  }
0x22e: {  	v4 =	vor.u32 v4, v48  }
0x22f: {  	v7 =	vadd.f32 v7, v8  }
0x230: {  	v8 =	vor.u32 v23, v48  }
0x231: {  	[tilespmem:v6+s24+$0x0] =	vst.idx.msk $0xffff, v7  }
0x232: {  	v6 =	vor.u32 v33, v48;
	v3 =	vld.idx.msk [tilespmem:v3+s15+$0x0], $0xffff  }
0x233: {  	v4 =	vld.idx.msk [tilespmem:v4+s15+$0x0], $0xffff  }
0x234: {  	v5 =	vor.u32 v5, v48  }
0x235: {  	v7 =	vld.idx.msk [tilespmem:v8+s15+$0x0], $0xffff  }
0x236: {  	v8 =	vor.u32 v37, v48  }
0x237: {  	v6 =	vld.idx.msk [tilespmem:v6+s15+$0x0], $0xffff  }
0x238: {  	v10 =	vor.u32 v42, v48;
	v3 =	vmul.f32 v3, v35;
	v4 =	vmul.f32 v4, v36  }
0x239: {  	v5 =	vld.idx.msk [tilespmem:v5+s15+$0x0], $0xffff  }
0x23a: {  	v11 =	vor.u32 v47, v48;
	v3 =	vadd.f32 v4, v3;
	v4 =	vmul.f32 v7, v34  }
0x23b: {  	v7 =	vld.idx.msk [tilespmem:v8+s15+$0x0], $0xffff  }
0x23c: {  	v3 =	vadd.f32 v4, v3;
	v4 =	vmul.f32 v6, v38  }
0x23d: {  	v6 =	vld.idx.msk [tilespmem:v10+s15+$0x0], $0xffff  }
0x23e: {  	v3 =	vadd.f32 v4, v3;
	v4 =	vmul.f32 v5, v43  }
0x23f: {  	v5 =	vld.idx.msk [tilespmem:v11+s15+$0x0], $0xffff  }
0x240: {  	v3 =	vadd.f32 v4, v3;
	v4 =	vmul.f32 v7, v44;
	_ =	sdelay $0x1  }
0x241: {  	v3 =	vadd.f32 v4, v3;
	v4 =	vmul.f32 v6, v45  }
0x242: {  	v6 =	vor.u32 s2, v40  }
0x243: {  	v3 =	vadd.f32 v4, v3;
	v4 =	vmul.f32 v5, v46;
	v5 =	vor.u32 $0x801, v63  }
0x244: {  	v7 =	vor.u32 $0x811, v63  }
0x245: {  	v3 =	vadd.f32 v4, v3;
	v4 =	vor.u32 $0x821, v63  }
0x246: {  	v8 =	vor.u32 $0x831, v63  }
0x247: {  	[tilespmem:v6+s24+$0x0] =	vst.idx.msk $0xffff, v3;
	v3 =	vor.u32 $0x841, v63  }
0x248: {  	v6 =	vor.u32 $0x851, v63;
	v5 =	vld.idx.msk [tilespmem:v5+s16+$0x0], $0xffff  }
0x249: {  	v10 =	vor.u32 $0x861, v63;
	v7 =	vld.idx.msk [tilespmem:v7+s16+$0x0], $0xffff  }
0x24a: {  	v11 =	vor.u32 $0x871, v63;
	v4 =	vld.idx.msk [tilespmem:v4+s16+$0x0], $0xffff  }
0x24b: {  	v8 =	vld.idx.msk [tilespmem:v8+s16+$0x0], $0xffff  }
0x24c: {  	v2 =	vmul.f32 $1.250000000e-01, v2;
	v12 =	vmul.f32 $1.250000000e-01, v18;
	v3 =	vld.idx.msk [tilespmem:v3+s16+$0x0], $0xffff  }
0x24d: {  	v13 =	vmul.f32 $1.250000000e-01, v19;
	v6 =	vld.idx.msk [tilespmem:v6+s16+$0x0], $0xffff  }
0x24e: {  	v10 =	vld.idx.msk [tilespmem:v10+s16+$0x0], $0xffff;
	v2 =	vadd.f32 v5, v2;
	v5 =	vadd.f32 v7, v12;
	v7 =	vmul.f32 $1.250000000e-01, v22  }
0x24f: {  	v11 =	vld.idx.msk [tilespmem:v11+s16+$0x0], $0xffff;
	v12 =	vmul.f32 $1.250000000e-01, v20;
	v4 =	vadd.f32 v4, v13  }
0x250: {  	v7 =	vadd.f32 v8, v7;
	v8 =	vmul.f32 $1.250000000e-01, v32;
	v13 =	vmax.f32 v2, v5  }
0x251: {  	v3 =	vadd.f32 v3, v12;
	v12 =	vmul.f32 $1.250000000e-01, v21;
	v13 =	vmax.f32 v13, v4  }
0x252: {  	v6 =	vadd.f32 v6, v8;
	v8 =	vmul.f32 $1.250000000e-01, v41;
	v13 =	vmax.f32 v13, v7  }
0x253: {  	v10 =	vadd.f32 v10, v12;
	v12 =	vmax.f32 v13, v3  }
0x254: {  	v8 =	vadd.f32 v11, v8;
	v11 =	vmax.f32 v12, v6  }
0x255: {  	v11 =	vmax.f32 v11, v10  }
0x256: {  	v11 =	vmax.f32 v11, v8  }
0x257: {  	v2 =	vsub.f32 v2, v11  }
0x258: {  	v5 =	vsub.f32 v5, v11  }
0x259: {  	v2 =	vmul.f32 $1.442695020e+00, v2  }
0x25a: {  	v4 =	vsub.f32 v4, v11;
	v5 =	vmul.f32 $1.442695020e+00, v5  }
0x25b: {  	(erf) = vpow2.f32 v2  }
0x25c: {  	v2 =	vmul.f32 $1.442695020e+00, v4;
	v4 =	vsub.f32 v7, v11;
	(erf) = vpow2.f32 v5;
	_ =	sdelay $0x1  }
0x25d: {  	v3 =	vsub.f32 v3, v11;
	(erf) = vpow2.f32 v2;
	v2 =	vmul.f32 $1.442695020e+00, v4;
	_ =	sdelay $0x1  }
0x25e: {  	(erf) = vpow2.f32 v2;
	v2 =	vmul.f32 $1.442695020e+00, v3;
	v3 =	vsub.f32 v6, v11;
	_ =	sdelay $0x1  }
0x25f: {  	(erf) = vpow2.f32 v2;
	v2 =	vmul.f32 $1.442695020e+00, v3;
	v3 =	vsub.f32 v10, v11;
	_ =	sdelay $0x1  }
0x260: {  	v6 =	vpop (erf);
	(erf) = vpow2.f32 v2;
	v2 =	vmul.f32 $1.442695020e+00, v3;
	v3 =	vsub.f32 v8, v11  }
0x261: {  	v7 =	vpop (erf)  }
0x262: {  	(erf) = vpow2.f32 v2;
	v2 =	vmul.f32 $1.442695020e+00, v3;
	v3 =	vadd.f32 v7, v6  }
0x263: {  	v8 =	vpop (erf)  }
0x264: {  	(erf) = vpow2.f32 v2;
	v2 =	vadd.f32 v3, v8  }
0x265: {  	v10 =	vpop (erf)  }
0x266: {  	v2 =	vadd.f32 v2, v10  }
0x267: {  	v11 =	vpop (erf)  }
0x268: {  	v2 =	vadd.f32 v2, v11  }
0x269: {  	v12 =	vpop (erf)  }
0x26a: {  	v2 =	vadd.f32 v2, v12  }
0x26b: {  	v13 =	vpop (erf)  }
0x26c: {  	v2 =	vadd.f32 v2, v13  }
0x26d: {  	v14 =	vpop (erf)  }
0x26e: {  	s9 =	simm.s32 $0x0;
	v2 =	vadd.f32 v2, v14  }
0x26f: {  	v3 =	vmov s9  }
0x270: {  	v4 =	vor.u32 $0x81C0, v60;
	v15 =	vand.u32 $0x3F, v3;
	(erf) = vrcp.f32 v2  }
0x271: {  	v21 =	vor.u32 $0x80C0, v60;
	v16 =	vor.u32 v4, v15  }
0x272: {  	v2 =	vor.u32 v21, v15  }
0x273: {  	v5 =	vor.u32 $0x82C0, v60  }
0x274: {  	v17 =	vor.u32 v5, v15  }
0x275: {  	v3 =	vor.u32 $0x83C0, v60  }
0x276: {  	v23 =	vor.u32 v3, v15;
	v16 =	vld.idx.msk [tilespmem:v16+s15+$0x0], $0xffff  }
0x277: {  	v20 =	vor.u32 $0x84C0, v60;
	v22 =	vld.idx.msk [tilespmem:v2+s15+$0x0], $0xffff  }
0x278: {  	v24 =	vor.u32 v20, v15  }
0x279: {  	v17 =	vld.idx.msk [tilespmem:v17+s15+$0x0], $0xffff;
	v25 =	vpop (erf)  }
0x27a: {  	v32 =	vor.u32 $0x85C0, v60;
	v18 =	vmul.f32 v25, v6;
	v19 =	vmul.f32 v25, v7  }
0x27b: {  	v6 =	vor.u32 v32, v15;
	v2 =	vmul.f32 v25, v8;
	v7 =	vld.idx.msk [tilespmem:v23+s15+$0x0], $0xffff  }
0x27c: {  	v28 =	vld [tilespmem:$0x1FF60];
	v34 =	vor.u32 $0x86C0, v60;
	v23 =	vmul.f32 v22, v18;
	v16 =	vmul.f32 v16, v19  }
0x27d: {  	v37 =	vor.u32 $0x87C0, v60;
	v24 =	vld.idx.msk [tilespmem:v24+s15+$0x0], $0xffff;
	v8 =	vor.u32 v34, v15  }
0x27e: {  	v26 =	vld [tilespmem:$0x1FF70];
	v22 =	vmul.f32 v25, v10;
	v10 =	vadd.f32 v16, v23;
	v16 =	vmul.f32 v17, v2  }
0x27f: {  	v30 =	vld [tilespmem:$0x1FF80];
	v23 =	vmul.f32 v25, v11;
	v11 =	vor.u32 v37, v15  }
0x280: {  	v6 =	vld.idx.msk [tilespmem:v6+s15+$0x0], $0xffff;
	v7 =	vmul.f32 v7, v22;
	v10 =	vadd.f32 v16, v10  }
0x281: {  	v31 =	vld [tilespmem:$0x1FF90]  }
0x282: {  	v15 =	vld.idx.msk [tilespmem:v8+s15+$0x0], $0xffff;
	v8 =	vmul.f32 v24, v23;
	v7 =	vadd.f32 v7, v10  }
0x283: {  	v61 =	vld [tilespmem:$0x1FFD0];
	v33 =	vmul.f32 v25, v12  }
0x284: {  	v8 =	vadd.f32 v8, v7;
	v7 =	vld.idx.msk [tilespmem:v11+s15+$0x0], $0xffff  }
0x285: {  	v1 =	vld [tilespmem:$0x1FFE0];
	v35 =	vmul.f32 v25, v13;
	v10 =	vmul.f32 v6, v33  }
0x286: {  	v62 =	vld [tilespmem:$0x1FFF0];
	s2 =	simm.s32 $0x1;
	v36 =	vmul.f32 v25, v14  }
0x287: {  	v12 =	vmov s2;
	v16 =	vld [tilespmem:$0x1FFB0];
	v40 =	vmul.f32 v15, v35;
	v8 =	vadd.f32 v10, v8  }
0x288: {  	v9 =	vmov v0;
	v38 =	vand.u32 $0x3F, v12;
	v6 =	vor.u32 s9, v39;
	s9 =	simm.s32 $0x2;
	v15 =	vld [tilespmem:$0x1FFA0]  }
.LBB2_13:
0x289: {  	p0 =	sne.s32 s9, $0x3F;
	v10 =	vor.u32 v21, v38;
	v8 =	vadd.f32 v40, v8;
	v7 =	vmul.f32 v7, v36  }
0x28a: {  	v11 =	vor.u32 v4, v38  }
0x28b: {  	v7 =	vadd.f32 v7, v8  }
0x28c: {  	v8 =	vor.u32 v5, v38  }
0x28d: {  	[tilespmem:v6+s24+$0x0] =	vst.idx.msk $0xffff, v7  }
0x28e: {  	v7 =	vor.u32 v3, v38;
	v6 =	vld.idx.msk [tilespmem:v10+s15+$0x0], $0xffff  }
0x28f: {  	v10 =	vld.idx.msk [tilespmem:v11+s15+$0x0], $0xffff  }
0x290: {  	v11 =	vor.u32 v20, v38  }
0x291: {  	v8 =	vld.idx.msk [tilespmem:v8+s15+$0x0], $0xffff  }
0x292: {  	v12 =	vor.u32 v32, v38  }
0x293: {  	v7 =	vld.idx.msk [tilespmem:v7+s15+$0x0], $0xffff  }
0x294: {  	v13 =	vor.u32 v34, v38  }
0x295: {  	v6 =	vmul.f32 v6, v18;
	v10 =	vmul.f32 v10, v19;
	v11 =	vld.idx.msk [tilespmem:v11+s15+$0x0], $0xffff  }
0x296: {  	v14 =	vor.u32 v37, v38  }
0x297: {  	v6 =	vadd.f32 v10, v6;
	v8 =	vmul.f32 v8, v2;
	v10 =	vld.idx.msk [tilespmem:v12+s15+$0x0], $0xffff;
	_ =	sdelay $0x1  }
0x298: {  	v6 =	vadd.f32 v8, v6;
	v7 =	vmul.f32 v7, v22;
	v12 =	vld.idx.msk [tilespmem:v13+s15+$0x0], $0xffff;
	_ =	sdelay $0x1  }
0x299: {  	v6 =	vadd.f32 v7, v6;
	v8 =	vmul.f32 v11, v23;
	v7 =	vld.idx.msk [tilespmem:v14+s15+$0x0], $0xffff  }
.Ltmp5:
0x29a: {  	(pc) =	sbr.rel @p0 .LBB2_13-.Ltmp5, $4  }
0x29b: {  	v8 =	vadd.f32 v8, v6;
	v10 =	vmul.f32 v10, v33  }
0x29c: {  	v6 =	vor.u32 s2, v39;
	s2 =	smov.u32 s9  }
0x29d: {  	v11 =	vmov s9;
	v8 =	vadd.f32 v10, v8;
	v40 =	vmul.f32 v12, v35  }
0x29e: {  	v38 =	vand.u32 $0x3F, v11;
	s9 =	sadd.s32 $0x1, s9  }
0x29f: {  	v10 =	vor.u32 v21, v38;
	v8 =	vadd.f32 v40, v8;
	v7 =	vmul.f32 v7, v36  }
0x2a0: {  	v4 =	vor.u32 v4, v38  }
0x2a1: {  	v7 =	vadd.f32 v7, v8  }
0x2a2: {  	v5 =	vor.u32 v5, v38  }
0x2a3: {  	[tilespmem:v6+s24+$0x0] =	vst.idx.msk $0xffff, v7  }
0x2a4: {  	v3 =	vor.u32 v3, v38;
	v6 =	vld.idx.msk [tilespmem:v10+s15+$0x0], $0xffff  }
0x2a5: {  	v4 =	vld.idx.msk [tilespmem:v4+s15+$0x0], $0xffff  }
0x2a6: {  	v55 =	vor.u32 v20, v38  }
0x2a7: {  	v5 =	vld.idx.msk [tilespmem:v5+s15+$0x0], $0xffff  }
0x2a8: {  	v8 =	vor.u32 v32, v38  }
0x2a9: {  	v3 =	vld.idx.msk [tilespmem:v3+s15+$0x0], $0xffff  }
0x2aa: {  	v10 =	vor.u32 v34, v38;
	v6 =	vmul.f32 v6, v18;
	v4 =	vmul.f32 v4, v19  }
0x2ab: {  	v7 =	vld.idx.msk [tilespmem:v55+s15+$0x0], $0xffff  }
0x2ac: {  	v11 =	vor.u32 v37, v38;
	v2 =	vmul.f32 v5, v2;
	v4 =	vadd.f32 v4, v6  }
0x2ad: {  	v56 =	vld.idx.msk [tilespmem:v8+s15+$0x0], $0xffff  }
0x2ae: {  	v3 =	vmul.f32 v3, v22;
	v2 =	vadd.f32 v2, v4  }
0x2af: {  	v57 =	vld.idx.msk [tilespmem:v10+s15+$0x0], $0xffff  }
0x2b0: {  	v2 =	vadd.f32 v3, v2;
	v3 =	vmul.f32 v7, v23  }
0x2b1: {  	v58 =	vld.idx.msk [tilespmem:v11+s15+$0x0], $0xffff  }
0x2b2: {  	v2 =	vadd.f32 v3, v2;
	v3 =	vmul.f32 v56, v33;
	_ =	sdelay $0x1  }
0x2b3: {  	v2 =	vadd.f32 v3, v2;
	v3 =	vmul.f32 v57, v35  }
0x2b4: {  	v59 =	vor.u32 s2, v39;
	s31 =	sadd.s32 $0x1, s31  }
0x2b5: {  	v12 =	vld [tilespmem:$0x1FF20];
	p0 =	sne.s32 s31, $0x9D;
	v2 =	vadd.f32 v3, v2;
	v3 =	vmul.f32 v58, v36  }
.Ltmp6:
0x2b6: {  	v13 =	vld [tilespmem:$0x1FF30];
	(pc) =	sbr.rel @p0 .LBB2_2-.Ltmp6, $4  }
0x2b7: {  	v14 =	vld [tilespmem:$0x1FF40];
	v2 =	vadd.f32 v3, v2  }
0x2b8: {  	v0 =	vld [tilespmem:$0x1FFC0]  }
0x2b9: {  	s0 =	sadd.s32 s7, s0;
	v11 =	vld [tilespmem:$0x1FF10];
	[tilespmem:v59+s24+$0x0] =	vst.idx.msk $0xffff, v2  }
0x2ba: {  	v10 =	vld [tilespmem:$0x1FF50];
	[hbm4b:s0+s3] =	stream.linear.scatter [tilespmem:s26], [sflag:$0x4], $0x800, $0x38  }
0x2bb: {  	_ =	swait.ge [sflag:s28], $0x800  }
0x2bc: {  	[sflag:s28] =	ssyncset.done $0x0  }
0x2bd: {  	[sflag:s28] =	ssyncadd.s32 $0xFFFFF800  }
0x2be: {  	_ =	swait.ge [sflag:s29], $0x800  }
0x2bf: {  	s30 =	sadd.s32 $0x1, s30;
	s0 =	rddreg [dreg:$0x5]  }
0x2c0: {  	p0 =	sne.s32 s30, s0  }
.Ltmp7:
0x2c1: {  	_ = 	snop;
	(pc) =	sbr.rel @p0 .LBB2_1-.Ltmp7, $3  }
0x2c2: {  	_ =	sdelay $0x1  }
0x2c3: {  	[sflag:s29] =	ssyncset.done $0x0  }
0x2c4: {  	[sflag:s29] =	ssyncadd.s32 $0xFFFFF800  }
0x2c5: {  	_ =	sfence.sel $0x180000  }
0x2c6: {  	[bflag:$0x0] =	sbarrier.arrive $0xFFFF  }
0x2c7: {  	_ =	strace $0x9000004A  }
0x2c8: {  	s0 =	stileid.u32;
	[bflag:$0x2] =	sbarrier.arrive $0xFFFF  }
0x2c9: {  	p0 =	sne.s32 s0, $0x0;
	s0 =	rddreg [dreg:$0x2]  }
0x2ca: {  	s0 =	sadd.s32 @!p0 $0x100000, s0  }
0x2cb: {  	[sflag:s0] =	ssyncadd.tile.s32 @!p0 $0x1;
	_ =	shalt  }
.Lfunc_end2:
_tile_overlayer_lowered:
.L_overlay_start_2:
0x2cc: {  	(tag) =	ssettag $0x2  }
0x2cd: {  	s0 =	rddreg [dreg:$0x0];
	s2 =	stileid.u32  }
0x2ce: {  	s1 =	rddreg [dreg:$0x1];
	p0 =	sne.s32 s2, $0x0  }
0x2cf: {  	s3 =	rddreg [dreg:$0x2];
	[bflag:$0x3] =	sbarrier.arrive $0xFFFF;
	s2 =	simm.s32 @!p0 $0x1C05  }
0x2d0: {  	[timem:s3], [sflag:s2] =	dma.local @!p0 [hbm:s0], s1  }
0x2d1: {  	s0 =	simm.s32 @!p0 $0x5  }
0x2d2: {  	_ =	swait.ge @!p0 [sflag:s0], s1  }
0x2d3: {  	s1 =	ssub.s32 @!p0 $0x0, s1;
	[sflag:s0] =	ssyncset.done @!p0 $0x0  }
0x2d4: {  	[sflag:s0] =	ssyncadd.s32 @!p0 s1  }
0x2d5: {  	[bflag:$0x3] =	sbarrier.arrive $0xFFFF  }
0x2d6: {  	_ =	shalt  }

// kernel: sparse-core-data-format-call.cloned.1.call-start
scs
called_computation_lowered:
.L_overlay_start_0:
0x0: {  	s1 =	sld [smem:$0x3FD9]  }
0x1: {  	s2 =	sld [smem:$0x3FFE];
	_ =	sdelay $0x1  }
0x2: {  	s3 =	srdreg.scid  }
0x3: {  	s0 =	sand.u32 $0x1, s3  }
0x4: {  	s17 =	sshll.u32 s0, $0xA;
	s1 =	sadd.s32 s2, s1  }
0x5: {  	s1 =	sadd.s32 s1, s17  }
0x6: {  	[smem:$0x3FBE] =	sst s1  }
0x7: {  	_ = 	snop  }
0x8: {  	(tm) =	ssettm $0x1  }
0x9: {  	s18 =	sld [smem:$0x3FFB];
	_ =	sdelay $0x3  }
0xa: {  	_ =	strace s18  }
0xb: {  	s1 =	sld [smem:$0x3FFC];
	_ =	sdelay $0x3  }
0xc: {  	_ =	strace s1  }
0xd: {  	s1 =	sld [smem:$0x3FFD];
	_ =	sdelay $0x3  }
0xe: {  	_ =	strace s1  }
0xf: {  	_ =	strace $0x8FFFFFFF  }
0x10: {  	s19 =	sld [smem:$0x3FDB];
	_ =	sdelay $0x1  }
0x11: {  	s20 =	simm.s32 $_scs_section_size  }
0x12: {  	s4 =	simm.s32 $_size__tile_overlayer_lowered;
	s5 =	simm.s32 $_tile_overlayer_lowered  }
0x13: {  	s23 =	simm.s32 $0x1BFF;
	s22 =	sshll.u32 s5, $0x1;
	s1 =	sadd.s32 s20, s19  }
0x14: {  	s6 =	simm.s32 $0x0;
	s21 =	sshll.u32 s4, $0x1;
	s4 =	sadd.s32 s22, s1  }
0x15: {  	[timem:s6], [sflag:s23] =	dma.local [hbm:s4], s21  }
0x16: {  	_ =	swait.ge [sflag:s23], s21  }
0x17: {  	s2 =	ssub.s32 $0x0, s21;
	[sflag:s23] =	ssyncset.done $0x0  }
0x18: {  	[sflag:s23] =	ssyncadd.s32 s2;
	_ =	sdelay $0x1  }
0x19: {  	s24 =	simm.s32 $0x1B8B  }
0x1a: {  	_ =	swait.ge [sflag:s24], $0x1  }
0x1b: {  	[sflag:s24] =	ssyncset.done $0x0  }
0x1c: {  	s26 =	simm.s32 $0x1B8E;
	s25 =	sld [smem:$0x3FFE];
	[sflag:s24] =	ssyncadd.s32 $0xFFFFFFFF  }
0x1d: {  	s27 =	simm.s32 $execute0_lowered;
	[smem:$0x3FD2] =	sst s26  }
0x1e: {  	s4 =	sshll.u32 s27, $0x1;
	_ =	strace $0x80000046;
	[dreg:$0x1] =	wrdreg $0xFFFFFFFF  }
0x1f: {  	s28 =	simm.s32 $_size_execute0_lowered;
	s1 =	sadd.s32 s1, s4;
	[dreg:$0x0] =	wrdreg $0x0  }
0x20: {  	s4 =	sshll.u32 s28, $0x1;
	[dreg:$0x2] =	wrdreg s1  }
0x21: {  	[dreg:$0x3] =	wrdreg s4  }
0x22: {  	[dreg:$0x4] =	wrdreg $0xC0  }
0x23: {  	_ =	task [dreg:s6], $0x5FFFF  }
0x24: {  	[dreg:$0x1] =	wrdreg $0xFFFFFFFF  }
0x25: {  	[dreg:$0x0] =	wrdreg $0x60  }
0x26: {  	[dreg:$0x2] =	wrdreg s25  }
0x27: {  	[dreg:$0x3] =	wrdreg $0x9  }
0x28: {  	_ =	task.clear_ibuf [dreg:s6], $0x4FFFF;
	_ =	strace $0x90000046  }
0x29: {  	s29 =	simm.s32 $0x9;
	_ =	strace $0x80000048  }
0x2a: {  	_ =	swait.ge [sflag:s29], $0x1  }
0x2b: {  	[sflag:s29] =	ssyncadd.s32 $0xFFFFFFFF  }
0x2c: {  	_ =	strace $0x90000048  }
0x2d: {  	_ =	sfence  }
0x2e: {  	s30 =	sld [smem:$0x0];
	_ =	sdelay $0x2  }
0x2f: {  	s31 =	sshll.u32 s3, $0xD;
	s3 =	sshrl.u32 s3, $0x2  }
0x30: {  	s2 =	sand.u32 $0x4000, s31;
	s1 =	sadd.s32 s3, s30  }
0x31: {  	s0 =	sor.u32 s2, s0;
	s1 =	sshll.u32 s1, $0x11  }
0x32: {  	s0 =	sor.u32 s1, s0  }
0x33: {  	s0 =	sadd.s32 $0x8F2B, s0  }
0x34: {  	[sflag:s0] =	ssyncadd.remote.s32 $0x1  }
0x35: {  	_ =	sfence.sel $0xFFFF  }
0x36: {  	[dreg:$0x0] =	wrdreg $0xFFFFFFFF;
	(pc) =	sbr.abs _section_cstart, $3  }
0x37: {  	[dreg:$0x1] =	wrdreg $0xFFFFFFFF  }
0x38: {  	_ =	task.clear_ibuf [dreg:s6], $0x2FFFF;
	_ =	strace $0x9FFFFFFF  }
0x39: {  	(tm) =	ssettm $0x7FFFFFFF  }
tec
execute0_lowered:
.L_overlay_start_1:
0x0: {  	(tag) =	ssettag $0x1  }
0x1: {  	s0 =	srdreg.scid  }
0x2: {  	s1 =	sshll.u32 s0, $0x4  }
0x3: {  	s4 =	rddreg [dreg:$0x0];
	s0 =	stileid.u32;
	s1 =	sand.u32 $0x10, s1  }
0x4: {  	s7 =	simm.s32 $0x1;
	s8 =	simm.s32 $0x2;
	s2 =	sor.u32 s0, s1  }
0x5: {  	s9 =	simm.s32 $0x0;
	s12 =	simm.s32 $0x0;
	s2 =	sshll.u32 s2, $0x3  }
0x6: {  	s11 =	simm.s32 $0x0;
	s3 =	sadd.s32 $0x4EA800, s4;
	s6 =	ssub.s32 $0x4E80, s2  }
.Ltmp0:
0x7: {  	s4 =	sadd.s32 $0xEBA800, s4;
	s5 =	sand.u32 $0xF8, s6;
	(pc) =	sbr.rel .LBB1_1-.Ltmp0, $4  }
0x8: {  	s1 =	rddreg [dreg:$0x1];
	_ =	strace $0x80000047;
	p0 =	sne.s32 s5, $0x0  }
0x9: {  	s6 =	sshrl.u32 s6, $0x8;
	s5 =	simm.s32 $0x1;
	s7 =	simm.s32 @!p0 $0x0  }
0xa: {  	s10 =	smov.u32 s2;
	[sflag:s5] =	ssyncpa.u1 $0x0;
	s6 =	sadd.s32 s7, s6  }
0xb: {  	[sflag:s8] =	ssyncpa.u1 $0x0;
	s8 =	simm.s32 $0x0;
	s7 =	sadd.s32 $0x1, s6  }
.LBB1_9:
0xc: {  	s14 =	sadd.s32 $0x100, s10  }
0xd: {  	p1 =	sgt.s32 s14, $0x4E7F  }
0xe: {  	s14 =	smov.u32 @p1 s2;
	p1 =	sne.s32 s11, s7  }
.Ltmp1:
0xf: {  	p0 =	slt.u32 s11, $0x2;
	(pc) =	sbr.rel @!p1 .LBB1_10-.Ltmp1, $4  }
0x10: {  	s13 =	simm.s32 @!p0 $0x2  }
0x11: {  	s15 =	sadd.s32 $0x1, s11;
	_ =	swait.ge @!p0 [sflag:s13], $0x4000  }
0x12: {  	s12 =	smov.u32 s10;
	s9 =	sadd.s32 $0x4000, s9;
	[sflag:s13] =	ssyncset.done @!p0 $0x0  }
0x13: {  	s11 =	smov.u32 s15;
	s10 =	smov.u32 s14;
	[sflag:s13] =	ssyncadd.s32 @!p0 $0xFFFFC000  }
.LBB1_1:
0x14: {  	p0 =	sge.u32 s11, s6  }
0x15: {  	s13 =	sxor.u32 @!p0 $0xFFFFFFFF, s11  }
0x16: {  	s31 =	sadd.s32 $0xFFFFFFFF, s11;
	s14 =	sshll.u32 @!p0 s10, $0x8;
	s13 =	sshll.u32 @!p0 s13, $0xE  }
0x17: {  	s15 =	simm.s32 @!p0 $0x0;
	s14 =	sadd.s32 @!p0 s3, s14;
	s13 =	sand.u32 @!p0 $0x4000, s13  }
0x18: {  	[tilespmem:s13], [sflag:$0x1] =	stream.linear.gather @!p0 [hbm4b:s14+s15], $0x4000, $0x38;
	[tilespmem:$0x10000] =	vst v63  }
0x19: {  	p0 =	sge.u32 s31, s6  }
.Ltmp2:
0x1a: {  	_ = 	snop;
	(pc) =	sbr.rel @p0 .LBB1_9-.Ltmp2, $1  }
0x1b: {  	_ =	sdelay $0x3  }
0x1c: {  	s13 =	sshll.u32 s9, $0x2;
	_ =	swait.ge [sflag:s5], $0x4000;
	s14 =	sshll.u32 s11, $0xE  }
0x1d: {  	s16 =	simm.s32 $0x0;
	s17 =	simm.s32 $0x0;
	s15 =	sand.u32 $0x10000, s13  }
0x1e: {  	[sflag:s5] =	ssyncset.done $0x0;
	s31 =	sand.u32 $0x4000, s14;
	s14 =	sshrl.u32 s15, $0x2  }
0x1f: {  	[sflag:s5] =	ssyncadd.s32 $0xFFFFC000;
	s13 =	sor.u32 $0x8000, s31;
	s15 =	sor.u32 $0x8000, s14  }
.LBB1_3:
0x20: {  	s18 =	sshra.s32 s16, $0x2  }
0x21: {  	v0 =	vmov s18;
	_ =	sdelay $0x3  }
0x22: {  	p1 =	por $0x1, $0x1;
	s18 =	simm.s32 $0x0  }
.LBB1_4:
0x23: {  	_ = 	snop  }
0x24: {  	s19 =	sshll.u32 s18, $0xA  }
0x25: {  	s19 =	sand.u32 $0x3FFFFC00, s19  }
0x26: {  	s19 =	sadd.s32 s19, s14  }
0x27: {  	v5 =	vld.idx.msk [tilespmem:v0+s19+$0x70 ss:$0x1], $0xffff  }
0x28: {  	v6 =	vld.idx.msk [tilespmem:v0+s19+$0x10 ss:$0x1], $0xffff  }
0x29: {  	v7 =	vld.idx.msk [tilespmem:v0+s19+$0x20 ss:$0x1], $0xffff  }
0x2a: {  	s31 =	sshll.u32 s18, $0x7;
	v1 =	vld.idx.msk [tilespmem:v0+s19+$0x30 ss:$0x1], $0xffff  }
0x2b: {  	s18 =	sand.u32 $0x3FFFFF80, s31;
	v2 =	vld.idx.msk [tilespmem:v0+s19+$0x40 ss:$0x1], $0xffff  }
0x2c: {  	s18 =	sadd.s32 s18, s15;
	v3 =	vld.idx.msk [tilespmem:v0+s19+$0x50 ss:$0x1], $0xffff  }
0x2d: {  	v4 =	vld.idx.msk [tilespmem:v0+s19+$0x60 ss:$0x1], $0xffff;
	[tilespmem:v0+s18+$0x70 ss:$0x1] =	vst.idx.msk $0xffff, v5  }
0x2e: {  	v5 =	vld.idx.msk [tilespmem:v0+s19+$0x0 ss:$0x1], $0xffff;
	[tilespmem:v0+s18+$0x10 ss:$0x1] =	vst.idx.msk $0xffff, v6;
	s19 =	sadd.s32 $0x80, s19  }
0x2f: {  	p0 =	por p1, p1;
	s20 =	simm.s32 $0x6;
	[tilespmem:v0+s18+$0x20 ss:$0x1] =	vst.idx.msk $0xffff, v7;
	v6 =	vld.idx.msk [tilespmem:v0+s19+$0x70 ss:$0x1], $0xffff  }
.LBB1_5:
0x30: {  	p1 =	sne.s32 s20, $0x1;
	v7 =	vld.idx.msk [tilespmem:v0+s19+$0x10 ss:$0x1], $0xffff;
	[tilespmem:v0+s18+$0x30 ss:$0x1] =	vst.idx.msk $0xffff, v1  }
0x31: {  	v8 =	vld.idx.msk [tilespmem:v0+s19+$0x20 ss:$0x1], $0xffff;
	[tilespmem:v0+s18+$0x40 ss:$0x1] =	vst.idx.msk $0xffff, v2  }
0x32: {  	v1 =	vld.idx.msk [tilespmem:v0+s19+$0x30 ss:$0x1], $0xffff;
	[tilespmem:v0+s18+$0x50 ss:$0x1] =	vst.idx.msk $0xffff, v3  }
.Ltmp3:
0x33: {  	v2 =	vld.idx.msk [tilespmem:v0+s19+$0x40 ss:$0x1], $0xffff;
	[tilespmem:v0+s18+$0x60 ss:$0x1] =	vst.idx.msk $0xffff, v4;
	(pc) =	sbr.rel @p1 .LBB1_5-.Ltmp3, $4  }
0x34: {  	v3 =	vld.idx.msk [tilespmem:v0+s19+$0x50 ss:$0x1], $0xffff;
	[tilespmem:v0+s18+$0x0 ss:$0x1] =	vst.idx.msk $0xffff, v5;
	s18 =	sadd.s32 $0x100, s18  }
0x35: {  	v4 =	vld.idx.msk [tilespmem:v0+s19+$0x60 ss:$0x1], $0xffff;
	[tilespmem:v0+s18+$0x70 ss:$0x1] =	vst.idx.msk $0xffff, v6  }
0x36: {  	v5 =	vld.idx.msk [tilespmem:v0+s19+$0x0 ss:$0x1], $0xffff;
	[tilespmem:v0+s18+$0x10 ss:$0x1] =	vst.idx.msk $0xffff, v7;
	s19 =	sadd.s32 $0x80, s19  }
0x37: {  	s20 =	sadd.s32 $0xFFFFFFFF, s20;
	v6 =	vld.idx.msk [tilespmem:v0+s19+$0x70 ss:$0x1], $0xffff;
	[tilespmem:v0+s18+$0x20 ss:$0x1] =	vst.idx.msk $0xffff, v8  }
0x38: {  	_ =	sdelay $0x3  }
0x39: {  	[tilespmem:v0+s18+$0x30 ss:$0x1] =	vst.idx.msk $0xffff, v1  }
0x3a: {  	v1 =	vld.idx.msk [tilespmem:v0+s19+$0x10 ss:$0x1], $0xffff;
	[tilespmem:v0+s18+$0x40 ss:$0x1] =	vst.idx.msk $0xffff, v2  }
0x3b: {  	v2 =	vld.idx.msk [tilespmem:v0+s19+$0x20 ss:$0x1], $0xffff;
	[tilespmem:v0+s18+$0x50 ss:$0x1] =	vst.idx.msk $0xffff, v3  }
0x3c: {  	v61 =	vld.idx.msk [tilespmem:v0+s19+$0x40 ss:$0x1], $0xffff;
	[tilespmem:v0+s18+$0x60 ss:$0x1] =	vst.idx.msk $0xffff, v4  }
0x3d: {  	s31 =	sadd.s32 $0x100, s18;
	v62 =	vld.idx.msk [tilespmem:v0+s19+$0x50 ss:$0x1], $0xffff;
	[tilespmem:v0+s18+$0x0 ss:$0x1] =	vst.idx.msk $0xffff, v5  }
0x3e: {  	v63 =	vld.idx.msk [tilespmem:v0+s19+$0x60 ss:$0x1], $0xffff;
	[tilespmem:v0+s31+$0x70 ss:$0x1] =	vst.idx.msk $0xffff, v6  }
0x3f: {  	v3 =	vld.idx.msk [tilespmem:v0+s19+$0x30 ss:$0x1], $0xffff;
	[tilespmem:v0+s31+$0x10 ss:$0x1] =	vst.idx.msk $0xffff, v1  }
0x40: {  	v1 =	vld.idx.msk [tilespmem:v0+s19+$0x0 ss:$0x1], $0xffff;
	[tilespmem:v0+s31+$0x20 ss:$0x1] =	vst.idx.msk $0xffff, v2  }
.Ltmp4:
0x41: {  	[tilespmem:v0+s31+$0x40 ss:$0x1] =	vst.idx.msk $0xffff, v61;
	(pc) =	sbr.rel @p0 .LBB1_4-.Ltmp4, $4  }
0x42: {  	[tilespmem:v0+s31+$0x50 ss:$0x1] =	vst.idx.msk $0xffff, v62  }
0x43: {  	[tilespmem:v0+s31+$0x60 ss:$0x1] =	vst.idx.msk $0xffff, v63  }
0x44: {  	[tilespmem:v0+s31+$0x30 ss:$0x1] =	vst.idx.msk $0xffff, v3  }
0x45: {  	p1 =	por $0x0, $0x0;
	s18 =	simm.s32 $0x1;
	[tilespmem:v0+s31+$0x0 ss:$0x1] =	vst.idx.msk $0xffff, v1  }
0x46: {  	s17 =	sadd.s32 $0x1, s17  }
0x47: {  	p0 =	sne.s32 s17, $0x8  }
.Ltmp5:
0x48: {  	_ = 	snop;
	(pc) =	sbr.rel @p0 .LBB1_3-.Ltmp5, $2  }
0x49: {  	_ =	sdelay $0x2  }
0x4a: {  	s16 =	sadd.s32 $0x2000, s16  }
.Ltmp6:
0x4b: {  	(pc) =	sbr.rel .LBB1_9-.Ltmp6, $4  }
0x4c: {  	_ = 	snop  }
0x4d: {  	s12 =	sshll.u32 s12, $0x8  }
0x4e: {  	s12 =	sadd.s32 s4, s12  }
0x4f: {  	[hbm4b:s12+s8] =	stream.linear.scatter [tilespmem:s13], [sflag:$0x2], $0x4000, $0x38;
	[tilespmem:$0x10000] =	vst v63  }
.LBB1_10:
0x50: {  	_ =	sfence.sel $0x180000  }
0x51: {  	s2 =	simm.s32 $0x1;
	[bflag:$0x0] =	sbarrier.arrive $0xFFFF  }
0x52: {  	s31 =	simm.s32 $0x2;
	[sflag:s2] =	ssyncpa.u1 $0x1  }
0x53: {  	[sflag:s31] =	ssyncpa.u1 $0x1  }
0x54: {  	p0 =	sne.s32 s0, $0x0;
	_ =	strace $0x90000047  }
0x55: {  	s0 =	sadd.s32 @!p0 $0x100000, s1;
	[bflag:$0x2] =	sbarrier.arrive $0xFFFF  }
0x56: {  	[sflag:s0] =	ssyncadd.tile.s32 @!p0 $0x1;
	_ =	shalt  }
.Lfunc_end1:
_tile_overlayer_lowered:
.L_overlay_start_2:
0x57: {  	(tag) =	ssettag $0x2  }
0x58: {  	s0 =	rddreg [dreg:$0x0];
	s2 =	stileid.u32  }
0x59: {  	s1 =	rddreg [dreg:$0x1];
	p0 =	sne.s32 s2, $0x0  }
0x5a: {  	s3 =	rddreg [dreg:$0x2];
	[bflag:$0x3] =	sbarrier.arrive $0xFFFF;
	s2 =	simm.s32 @!p0 $0x1C01  }
0x5b: {  	[timem:s3], [sflag:s2] =	dma.local @!p0 [hbm:s0], s1  }
0x5c: {  	s0 =	simm.s32 @!p0 $0x1  }
0x5d: {  	_ =	swait.ge @!p0 [sflag:s0], s1  }
0x5e: {  	s1 =	ssub.s32 @!p0 $0x0, s1;
	[sflag:s0] =	ssyncset.done @!p0 $0x0  }
0x5f: {  	[sflag:s0] =	ssyncadd.s32 @!p0 s1  }
0x60: {  	[bflag:$0x3] =	sbarrier.arrive $0xFFFF  }
0x61: {  	_ =	shalt  }

</sc_bundles>
